<compile_context>
chip_gen: v7x
topology: tpu7x:2x2x1
jax: 0.10.2.dev20260603
libtpu: 0.0.44.dev20260713+nightly
codegen_flags: <defaults>
</compile_context>

<pallas_src>
import jax
import jax.numpy as jnp
from jax import lax
from jax.experimental import pallas as pl
from jax.experimental.pallas import tpu as pltpu
from jax.experimental.pallas import tpu_sc as plsc

N_POS = 128
N_NEG = 768
N_ALL = N_POS + N_NEG
TEMPERATURE = 0.1
C = 192
H = 224
W = 224
HW = H * W
NBV = 4
TOT = NBV * HW

BAND = 8 * W
BPI = H // 8
NBANDS = NBV * BPI
WVB = W // 16

NC = 2
NS = 16
NCG = C // 16
PIX_C = N_ALL // NC
CHUNKS = PIX_C // 16


def _band_to_img(band):
    bv = band // BPI
    return bv % 2, bv // 2, band % BPI


def _scan_list(label_hbm, lab_band, buf, n_need, n_slack, want_pos):
    zeros = jnp.zeros((16,), jnp.int32)
    for i in range((n_need + n_slack) // 16):
        buf[pl.ds(i * 16, 16)] = zeros

    lane = lax.iota(jnp.int32, 16)
    cap = jnp.int32(n_need)

    def band_body(carry):
        blk, cnt = carry
        b, v, hb = _band_to_img(blk)
        pltpu.sync_copy(label_hbm.at[b, v, pl.ds(hb * 8, 8), :], lab_band)

        def row_body(carry):
            r, cnt = carry
            for wv in range(WVB):
                val = lab_band[r, pl.ds(wv * 16, 16)]
                idxv = ((blk << 11) | (r << 8) | (wv * 16)) + lane
                if want_pos:
                    m = val > 0.0
                else:
                    m = (1.0 - val) > 0.0
                pc = plsc.all_reduce_population_count(m)[0]
                plsc.store_compressed(
                    buf.at[pl.ds(jnp.minimum(cnt, cap), 16)], idxv, mask=m)
                cnt = cnt + pc
            return r + 1, cnt

        def row_cond(carry):
            r, cnt = carry
            return (r < 8) & (cnt < n_need)

        _, cnt = lax.while_loop(row_cond, row_body, (jnp.int32(0), cnt))
        return blk + 1, cnt

    def band_cond(carry):
        blk, cnt = carry
        return (blk < NBANDS) & (cnt < n_need)

    lax.while_loop(band_cond, band_body, (jnp.int32(0), jnp.int32(0)))


def _sc_body(label_hbm, pred_hbm, emb_out, lab_band, pos_buf, neg_buf, samp,
             idx_v, band_v, sub_v, w_v, bandbuf, emb_t):
    cid = lax.axis_index("c")
    sid = lax.axis_index("s")

    def fetch(band):
        b, v, hb = _band_to_img(band)
        pltpu.sync_copy(
            pred_hbm.at[b, v, pl.ds(sid * 16, 16), pl.ds(hb * 8, 8), :],
            bandbuf)

    @pl.when(sid == 14)
    def _scan_pos():
        _scan_list(label_hbm, lab_band, pos_buf, N_POS, 32, True)
        pltpu.sync_copy(pos_buf.at[pl.ds(0, N_POS)], samp.at[pl.ds(0, N_POS)])

    @pl.when(sid == 15)
    def _scan_neg():
        _scan_list(label_hbm, lab_band, neg_buf, N_NEG, 16, False)
        pltpu.sync_copy(neg_buf.at[pl.ds(0, N_NEG)],
                        samp.at[pl.ds(N_POS, N_NEG)])

    @pl.when(sid < NCG)
    def _prefetch():
        fetch(jnp.int32(0))

    plsc.subcore_barrier()

    @pl.when(sid < NCG)
    def _extract():
        pltpu.sync_copy(samp.at[pl.ds(cid * PIX_C, PIX_C)], idx_v)

        def meta_body(i, _):
            t = idx_v[pl.ds(i * 16, 16)]
            band_v[pl.ds(i * 16, 16)] = t >> 11
            sub_v[pl.ds(i * 16, 16)] = (t >> 8) & 7
            w_v[pl.ds(i * 16, 16)] = t & 255
            return 0

        lax.fori_loop(0, CHUNKS, meta_body, 0)

        c_splat = [jnp.full((16,), c, jnp.int32) for c in range(16)]
        lane = lax.iota(jnp.int32, 16)

        def chunk_body(ci, cur_band):
            bc = band_v[pl.ds(ci * 16, 16)]
            sc = sub_v[pl.ds(ci * 16, 16)]
            wc = w_v[pl.ds(ci * 16, 16)]
            b0 = bc[0]
            uniform = plsc.all_reduce_population_count(bc == b0)[0] == 16

            def fast(cur_band):
                @pl.when(b0 != cur_band)
                def _():
                    fetch(b0)

                for c in range(16):
                    vals = plsc.load_gather(bandbuf, [c_splat[c], sc, wc])
                    emb_t[c, pl.ds(ci * 16, 16)] = vals
                return b0

            def slow(cur_band):
                bmin = jnp.min(bc)
                bmax = jnp.max(bc)
                j_idx = ci * 16 + lane

                def wbody(carry):
                    band, cur = carry

                    @pl.when(band != cur)
                    def _():
                        fetch(band)

                    m = bc == band
                    for c in range(16):
                        vals = plsc.load_gather(bandbuf, [c_splat[c], sc, wc],
                                                mask=m)
                        plsc.store_scatter(emb_t, [c_splat[c], j_idx], vals,
                                           mask=m)
                    return band + 1, band

                def wcond(carry):
                    return carry[0] <= bmax

                _, _ = lax.while_loop(wcond, wbody, (bmin, cur_band))
                return bmax

            return lax.cond(uniform, fast, slow, cur_band)

        lax.fori_loop(0, CHUNKS, chunk_body, jnp.int32(0))

        pltpu.sync_copy(emb_t, emb_out.at[cid, sid])


@jax.jit
def _sc_sample_gather(pred5d, label4d):
    mesh = plsc.VectorSubcoreMesh(core_axis_name="c", subcore_axis_name="s",
                                  num_cores=NC, num_subcores=NS)
    return pl.kernel(
        _sc_body,
        out_type=jax.ShapeDtypeStruct((NC, NCG, 16, PIX_C), jnp.float32),
        mesh=mesh,
        compiler_params=pltpu.CompilerParams(use_tc_tiling_on_sc=True,
                                             needs_layout_passes=False),
        scratch_types=[
            pltpu.VMEM((8, W), jnp.float32),
            pltpu.VMEM((160,), jnp.int32),
            pltpu.VMEM((784,), jnp.int32),
            pltpu.VMEM_SHARED((1024,), jnp.int32),
            pltpu.VMEM((PIX_C,), jnp.int32),
            pltpu.VMEM((PIX_C,), jnp.int32),
            pltpu.VMEM((PIX_C,), jnp.int32),
            pltpu.VMEM((PIX_C,), jnp.int32),
            pltpu.VMEM((16, 8, W), jnp.float32),
            pltpu.VMEM((16, PIX_C), jnp.float32),
        ],
    )(label4d, pred5d)


def _loss_body(e4_ref, out_ref):
    e4 = e4_ref[...]
    er = e4.reshape(NC, C, PIX_C)
    n = jnp.maximum(jnp.sqrt(jnp.sum(er * er, axis=1)), 1e-8)
    posr = er[0, :, :N_POS]
    s = lax.dot_general(posr, er, (((0,), (1,)), ((), ())),
                        preferred_element_type=jnp.float32)
    npos = n[0, :N_POS]
    e = jnp.exp(s / (npos[:, None, None] * n[None, :, :]) / TEMPERATURE)
    ii = lax.broadcasted_iota(jnp.int32, (N_POS, N_POS), 0)
    jj = lax.broadcasted_iota(jnp.int32, (N_POS, N_POS), 1)
    epp = jnp.where(ii == jj, 0.0, e[:, 0, :N_POS])
    pos_row = jnp.sum(epp, axis=1)
    neg_row = jnp.sum(e[:, 0, N_POS:], axis=1) + jnp.sum(e[:, 1, :], axis=1)
    nll = -jnp.mean(jnp.log(pos_row / (pos_row + neg_row)))
    out_ref[...] = jnp.full((1, 1), nll, jnp.float32)


@jax.jit
def _loss(emb4):
    return pl.pallas_call(
        _loss_body,
        out_shape=jax.ShapeDtypeStruct((1, 1), jnp.float32),
    )(emb4)


def kernel(predict_seg_map, real_label):
    emb4 = _sc_sample_gather(predict_seg_map, real_label)
    return _loss(emb4)[0, 0]

# --- scband reference (transcript-rebuilt; emitter-appended) ---
"""Pipeline reference for scband-pixelwise-contrastive-loss-84301618086017 (READ-ONLY COPY).

The authoritative reference and input builder live on the scoring server;
editing this copy changes nothing except your own understanding.
"""

import jax, jax.numpy as jnp
import numpy as np

N_POS = 128
N_NEG = 128 * 6
TEMPERATURE = 0.1


def setup_inputs(seed: int = 0) -> dict:
    key = jax.random.key(seed)
    k1, k2 = jax.random.split(key)
    predict_seg_map = jax.random.normal(k1, (2, 2, 192, 224, 224), dtype=jnp.float32)
    real_label = jax.random.randint(k2, (2, 2, 224, 224), 0, 2).astype(jnp.float32)
    return {"predict_seg_map": predict_seg_map, "real_label": real_label}


def _sample_pixels(label, n):
    # torch: label.nonzero() then randperm()[:n]. Deterministic jax analogue:
    # take the first n nonzero pixel coordinates (random binary labels ->
    # far more candidates than n, so fill_value is never used in practice).
    flat = (label > 0).reshape(-1)
    idx = jnp.nonzero(flat, size=n, fill_value=0)[0]
    coords = jnp.unravel_index(idx, label.shape)
    return jnp.stack(coords, axis=1)  # [n, 4] = (b, c, h, w)


def _cosine(a, b, eps=1e-8):
    an = a / jnp.maximum(jnp.linalg.norm(a, axis=-1, keepdims=True), eps)
    bn = b / jnp.maximum(jnp.linalg.norm(b, axis=-1, keepdims=True), eps)
    return an @ bn.T


def reference(predict_seg_map, real_label):
    B, V = predict_seg_map.shape[0], predict_seg_map.shape[1]
    # torch.cat(torch.unbind(x, dim=1), dim=0)
    contrast = jnp.concatenate([predict_seg_map[:, i] for i in range(V)], axis=0)  # [B*V, C, H, W]
    label = jnp.concatenate([real_label[:, i] for i in range(V)], axis=0)[:, None, :, :]  # [B*V, 1, H, W]

    # boundary_aware=False -> n_pos_bd = 0, n_pos_not_bd = n_max_pos (same for neg)
    pos_pixels = _sample_pixels(label, N_POS)
    neg_pixels = _sample_pixels(1.0 - label, N_NEG)

    positive_logits = contrast[pos_pixels[:, 0], :, pos_pixels[:, 2], pos_pixels[:, 3]]  # [N_POS, C]
    negative_logits = contrast[neg_pixels[:, 0], :, neg_pixels[:, 2], neg_pixels[:, 3]]  # [N_NEG, C]

    # _compute_loss (no distributed: all_pos = pos, all_neg = neg)
    exp_positive_sim = jnp.exp(_cosine(positive_logits, positive_logits) / TEMPERATURE)
    off_diagonal = 1.0 - jnp.eye(exp_positive_sim.shape[0], dtype=exp_positive_sim.dtype)
    exp_positive_sim = exp_positive_sim * off_diagonal
    positive_row_sum = jnp.sum(exp_positive_sim, axis=1)

    exp_negative_sim = jnp.exp(_cosine(positive_logits, negative_logits) / TEMPERATURE)
    negative_row_sum = jnp.sum(exp_negative_sim, axis=1)

    likelihood = positive_row_sum / (positive_row_sum + negative_row_sum)
    nll = -jnp.mean(jnp.log(likelihood))
    return nll

if __name__ == "__main__":
    import jax
    _d = setup_inputs()
    print(jax.jit(kernel)(*tuple(_d.values())))

</pallas_src>

<mosaic_0001>
#map = affine_map<(d0, d1) -> (0, 0, 0, 0)>
#map1 = affine_map<(d0, d1) -> (0, 0, 0, 0, 0)>
module attributes {stable_mosaic.version = 14 : i64} {
  func.func @_sc_body(%arg0: i32, %arg1: i32, %arg2: memref<2x2x224x224xf32, #tpu.memory_space<hbm>>, %arg3: memref<2x2x192x224x224xf32, #tpu.memory_space<hbm>>, %arg4: memref<2x12x16x448xf32, #tpu.memory_space<hbm>>, %arg5: memref<8x224xf32, #tpu.memory_space<vmem>>, %arg6: memref<160xi32, #tpu.memory_space<vmem>>, %arg7: memref<784xi32, #tpu.memory_space<vmem>>, %arg8: memref<1024xi32, #tpu.memory_space<vmem_shared>>, %arg9: memref<448xi32, #tpu.memory_space<vmem>>, %arg10: memref<448xi32, #tpu.memory_space<vmem>>, %arg11: memref<448xi32, #tpu.memory_space<vmem>>, %arg12: memref<448xi32, #tpu.memory_space<vmem>>, %arg13: memref<16x8x224xf32, #tpu.memory_space<vmem>>, %arg14: memref<16x448xf32, #tpu.memory_space<vmem>>) attributes {dimension_semantics = [#tpu.dimension_semantics<core_parallel>, #tpu.dimension_semantics<subcore_parallel>], iteration_bounds = array<i64: 2, 16>, scalar_prefetch = 0 : i64, scratch_operands = 10 : i64, tpu.core_type = #tpu.core_type<sc_vector_subcore>, window_params = [{transform_indices = #map}, {transform_indices = #map1}, {transform_indices = #map}]} {
    %eq3A = arith.constant 14 : i32
    %eq3A_0 = arith.cmpi eq, %arg1, %eq3A : i32
    %convert_element_type3A = arith.extui %eq3A_0 : i1 to i32
    %cond3A = arith.constant 0 : i32
    %cond3A_1 = arith.cmpi ne, %convert_element_type3A, %cond3A : i32
    scf.if %cond3A_1 {
      %broadcast_in_dim3A = arith.constant 0 : i32
      %broadcast_in_dim3A_16 = vector.broadcast %broadcast_in_dim3A : i32 to vector<16xi32>
      %swap3A = arith.constant 0 : index
      %swap3A_17 = tpu.vector_load %arg6[%swap3A] {strides = array<i32>} : memref<160xi32, #tpu.memory_space<vmem>>, vector<16xi32>,
      tpu.vector_store %arg6[%swap3A], %broadcast_in_dim3A_16 {strides = array<i32>} : memref<160xi32, #tpu.memory_space<vmem>>, vector<16xi32>,
      %swap3A_18 = arith.constant 16 : index
      %swap3A_19 = tpu.vector_load %arg6[%swap3A_18] {strides = array<i32>} : memref<160xi32, #tpu.memory_space<vmem>>, vector<16xi32>,
      tpu.vector_store %arg6[%swap3A_18], %broadcast_in_dim3A_16 {strides = array<i32>} : memref<160xi32, #tpu.memory_space<vmem>>, vector<16xi32>,
      %swap3A_20 = arith.constant 32 : index
      %swap3A_21 = tpu.vector_load %arg6[%swap3A_20] {strides = array<i32>} : memref<160xi32, #tpu.memory_space<vmem>>, vector<16xi32>,
      tpu.vector_store %arg6[%swap3A_20], %broadcast_in_dim3A_16 {strides = array<i32>} : memref<160xi32, #tpu.memory_space<vmem>>, vector<16xi32>,
      %swap3A_22 = arith.constant 48 : index
      %swap3A_23 = tpu.vector_load %arg6[%swap3A_22] {strides = array<i32>} : memref<160xi32, #tpu.memory_space<vmem>>, vector<16xi32>,
      tpu.vector_store %arg6[%swap3A_22], %broadcast_in_dim3A_16 {strides = array<i32>} : memref<160xi32, #tpu.memory_space<vmem>>, vector<16xi32>,
      %swap3A_24 = arith.constant 64 : index
      %swap3A_25 = tpu.vector_load %arg6[%swap3A_24] {strides = array<i32>} : memref<160xi32, #tpu.memory_space<vmem>>, vector<16xi32>,
      tpu.vector_store %arg6[%swap3A_24], %broadcast_in_dim3A_16 {strides = array<i32>} : memref<160xi32, #tpu.memory_space<vmem>>, vector<16xi32>,
      %swap3A_26 = arith.constant 80 : index
      %swap3A_27 = tpu.vector_load %arg6[%swap3A_26] {strides = array<i32>} : memref<160xi32, #tpu.memory_space<vmem>>, vector<16xi32>,
      tpu.vector_store %arg6[%swap3A_26], %broadcast_in_dim3A_16 {strides = array<i32>} : memref<160xi32, #tpu.memory_space<vmem>>, vector<16xi32>,
      %swap3A_28 = arith.constant 96 : index
      %swap3A_29 = tpu.vector_load %arg6[%swap3A_28] {strides = array<i32>} : memref<160xi32, #tpu.memory_space<vmem>>, vector<16xi32>,
      tpu.vector_store %arg6[%swap3A_28], %broadcast_in_dim3A_16 {strides = array<i32>} : memref<160xi32, #tpu.memory_space<vmem>>, vector<16xi32>,
      %swap3A_30 = arith.constant 112 : index
      %swap3A_31 = tpu.vector_load %arg6[%swap3A_30] {strides = array<i32>} : memref<160xi32, #tpu.memory_space<vmem>>, vector<16xi32>,
      tpu.vector_store %arg6[%swap3A_30], %broadcast_in_dim3A_16 {strides = array<i32>} : memref<160xi32, #tpu.memory_space<vmem>>, vector<16xi32>,
      %swap3A_32 = arith.constant 128 : index
      %swap3A_33 = tpu.vector_load %arg6[%swap3A_32] {strides = array<i32>} : memref<160xi32, #tpu.memory_space<vmem>>, vector<16xi32>,
      tpu.vector_store %arg6[%swap3A_32], %broadcast_in_dim3A_16 {strides = array<i32>} : memref<160xi32, #tpu.memory_space<vmem>>, vector<16xi32>,
      %swap3A_34 = arith.constant 144 : index
      %swap3A_35 = tpu.vector_load %arg6[%swap3A_34] {strides = array<i32>} : memref<160xi32, #tpu.memory_space<vmem>>, vector<16xi32>,
      tpu.vector_store %arg6[%swap3A_34], %broadcast_in_dim3A_16 {strides = array<i32>} : memref<160xi32, #tpu.memory_space<vmem>>, vector<16xi32>,
      %iota3A = tpu.iota {dimensions = array<i32: 0>} : vector<16xi32>
      %while3A = arith.constant 128 : i32
      %while3A_36 = arith.constant 0 : i32
      %while3A_37 = arith.constant 0 : i32
      %while3A_38:2 = scf.while (%while3A_39 = %while3A_36, %while3A_40 = %while3A_37) : (i32, i32) -> (i32, i32) {
        %lt3A_41 = arith.constant 112 : i32
        %lt3A_42 = arith.cmpi slt, %while3A_39, %lt3A_41 : i32
        %lt3A_43 = arith.constant 128 : i32
        %lt3A_44 = arith.cmpi slt, %while3A_40, %lt3A_43 : i32
        %and3A = arith.andi %lt3A_42, %lt3A_44 : i1
        scf.condition(%and3A) %while3A_39, %while3A_40 : i32, i32
      } do {
      ^bb0(%while3A_39: i32, %while3A_40: i32):
        %jit3A = arith.constant 28 : i32
        %div3A = arith.divsi %while3A_39, %jit3A : i32
        %sign3A = arith.constant 0 : i32
        %sign3A_41 = arith.cmpi sgt, %while3A_39, %sign3A : i32
        %sign3A_42 = arith.extui %sign3A_41 : i1 to i32
        %sign3A_43 = arith.constant 0 : i32
        %sign3A_44 = arith.cmpi slt, %while3A_39, %sign3A_43 : i32
        %sign3A_45 = arith.extui %sign3A_44 : i1 to i32
        %sign3A_46 = arith.subi %sign3A_42, %sign3A_45 : i32
        %sign3A_47 = arith.constant 0 : i32
        %sign3A_48 = arith.cmpi sgt, %jit3A, %sign3A_47 : i32
        %sign3A_49 = arith.extui %sign3A_48 : i1 to i32
        %sign3A_50 = arith.constant 0 : i32
        %sign3A_51 = arith.cmpi slt, %jit3A, %sign3A_50 : i32
        %sign3A_52 = arith.extui %sign3A_51 : i1 to i32
        %sign3A_53 = arith.subi %sign3A_49, %sign3A_52 : i32
        %ne3A = arith.cmpi ne, %sign3A_46, %sign3A_53 : i32
        %rem3A = arith.remsi %while3A_39, %jit3A : i32
        %ne3A_54 = arith.constant 0 : i32
        %ne3A_55 = arith.cmpi ne, %rem3A, %ne3A_54 : i32
        %and3A = arith.andi %ne3A, %ne3A_55 : i1
        %sub3A = arith.constant 1 : i32
        %sub3A_56 = arith.subi %div3A, %sub3A : i32
        %select_n3A = arith.select %and3A, %sub3A_56, %div3A : i32
        %jit3A_57 = arith.constant 2 : i32
        %eq3A_58 = arith.constant 0 : i32
        %eq3A_59 = arith.cmpi eq, %jit3A_57, %eq3A_58 : i32
        %jit3A_60 = arith.constant 1 : i32
        %select_n3A_61 = arith.select %eq3A_59, %jit3A_60, %jit3A_57 : i32
        %rem3A_62 = arith.remsi %select_n3A, %select_n3A_61 : i32
        %ne3A_63 = arith.constant 0 : i32
        %ne3A_64 = arith.cmpi ne, %rem3A_62, %ne3A_63 : i32
        %lt3A_65 = arith.constant 0 : i32
        %lt3A_66 = arith.cmpi slt, %rem3A_62, %lt3A_65 : i32
        %lt3A_67 = arith.constant 0 : i32
        %lt3A_68 = arith.cmpi slt, %select_n3A_61, %lt3A_67 : i32
        %ne3A_69 = arith.xori %lt3A_66, %lt3A_68 : i1
        %and3A_70 = arith.andi %ne3A_69, %ne3A_64 : i1
        %add3A = arith.addi %rem3A_62, %select_n3A_61 : i32
        %select_n3A_71 = arith.select %and3A_70, %add3A, %rem3A_62 : i32
        %jit3A_72 = arith.constant 2 : i32
        %div3A_73 = arith.divsi %select_n3A, %jit3A_72 : i32
        %sign3A_74 = arith.constant 0 : i32
        %sign3A_75 = arith.cmpi sgt, %select_n3A, %sign3A_74 : i32
        %sign3A_76 = arith.extui %sign3A_75 : i1 to i32
        %sign3A_77 = arith.constant 0 : i32
        %sign3A_78 = arith.cmpi slt, %select_n3A, %sign3A_77 : i32
        %sign3A_79 = arith.extui %sign3A_78 : i1 to i32
        %sign3A_80 = arith.subi %sign3A_76, %sign3A_79 : i32
        %sign3A_81 = arith.constant 0 : i32
        %sign3A_82 = arith.cmpi sgt, %jit3A_72, %sign3A_81 : i32
        %sign3A_83 = arith.extui %sign3A_82 : i1 to i32
        %sign3A_84 = arith.constant 0 : i32
        %sign3A_85 = arith.cmpi slt, %jit3A_72, %sign3A_84 : i32
        %sign3A_86 = arith.extui %sign3A_85 : i1 to i32
        %sign3A_87 = arith.subi %sign3A_83, %sign3A_86 : i32
        %ne3A_88 = arith.cmpi ne, %sign3A_80, %sign3A_87 : i32
        %rem3A_89 = arith.remsi %select_n3A, %jit3A_72 : i32
        %ne3A_90 = arith.constant 0 : i32
        %ne3A_91 = arith.cmpi ne, %rem3A_89, %ne3A_90 : i32
        %and3A_92 = arith.andi %ne3A_88, %ne3A_91 : i1
        %sub3A_93 = arith.constant 1 : i32
        %sub3A_94 = arith.subi %div3A_73, %sub3A_93 : i32
        %select_n3A_95 = arith.select %and3A_92, %sub3A_94, %div3A_73 : i32
        %jit3A_96 = arith.constant 28 : i32
        %eq3A_97 = arith.constant 0 : i32
        %eq3A_98 = arith.cmpi eq, %jit3A_96, %eq3A_97 : i32
        %jit3A_99 = arith.constant 1 : i32
        %select_n3A_100 = arith.select %eq3A_98, %jit3A_99, %jit3A_96 : i32
        %rem3A_101 = arith.remsi %while3A_39, %select_n3A_100 : i32
        %ne3A_102 = arith.constant 0 : i32
        %ne3A_103 = arith.cmpi ne, %rem3A_101, %ne3A_102 : i32
        %lt3A_104 = arith.constant 0 : i32
        %lt3A_105 = arith.cmpi slt, %rem3A_101, %lt3A_104 : i32
        %lt3A_106 = arith.constant 0 : i32
        %lt3A_107 = arith.cmpi slt, %select_n3A_100, %lt3A_106 : i32
        %ne3A_108 = arith.xori %lt3A_105, %lt3A_107 : i1
        %and3A_109 = arith.andi %ne3A_108, %ne3A_103 : i1
        %add3A_110 = arith.addi %rem3A_101, %select_n3A_100 : i32
        %select_n3A_111 = arith.select %and3A_109, %add3A_110, %rem3A_101 : i32
        %mul3A = arith.constant 8 : i32
        %mul3A_112 = arith.muli %select_n3A_111, %mul3A : i32
        "tpu.region"() ({
          %run_scoped3A = tpu.sem_alloc : memref<!tpu.dma_semaphore, #tpu.memory_space<semaphore_mem>>
          %dma_start3A = arith.constant 0 : i32
          %dma_start3A_117 = tpu.memref_slice %arg2[%select_n3A_71, %select_n3A_95, %mul3A_112, %dma_start3A] : memref<2x2x224x224xf32, #tpu.memory_space<hbm>> -> memref<1x1x8x224xf32, #tpu.memory_space<hbm>>
          %dma_start3A_118 = tpu.memref_squeeze %dma_start3A_117 : memref<1x1x8x224xf32, #tpu.memory_space<hbm>> -> memref<8x224xf32, #tpu.memory_space<hbm>>
          %dma_start3A_119 = arith.constant 0 : i32
          %dma_start3A_120 = tpu.memref_slice %arg2[%select_n3A_71, %select_n3A_95, %mul3A_112, %dma_start3A_119] : memref<2x2x224x224xf32, #tpu.memory_space<hbm>> -> memref<1x1x8x224xf32, #tpu.memory_space<hbm>>
          %dma_start3A_121 = tpu.memref_squeeze %dma_start3A_120 : memref<1x1x8x224xf32, #tpu.memory_space<hbm>> -> memref<8x224xf32, #tpu.memory_space<hbm>>
          tpu.enqueue_dma source(%dma_start3A_121 : memref<8x224xf32, #tpu.memory_space<hbm>>) target(%arg5 : memref<8x224xf32, #tpu.memory_space<vmem>>) target_semaphore(%run_scoped3A : memref<!tpu.dma_semaphore, #tpu.memory_space<semaphore_mem>>)
          %dma_wait3A = arith.constant 0 : i32
          %dma_wait3A_122 = tpu.memref_slice %arg2[%select_n3A_71, %select_n3A_95, %mul3A_112, %dma_wait3A] : memref<2x2x224x224xf32, #tpu.memory_space<hbm>> -> memref<1x1x8x224xf32, #tpu.memory_space<hbm>>
          %dma_wait3A_123 = tpu.memref_squeeze %dma_wait3A_122 : memref<1x1x8x224xf32, #tpu.memory_space<hbm>> -> memref<8x224xf32, #tpu.memory_space<hbm>>
          %dma_wait3A_124 = arith.constant 0 : i32
          %dma_wait3A_125 = tpu.memref_slice %arg2[%select_n3A_71, %select_n3A_95, %mul3A_112, %dma_wait3A_124] : memref<2x2x224x224xf32, #tpu.memory_space<hbm>> -> memref<1x1x8x224xf32, #tpu.memory_space<hbm>>
          %dma_wait3A_126 = tpu.memref_squeeze %dma_wait3A_125 : memref<1x1x8x224xf32, #tpu.memory_space<hbm>> -> memref<8x224xf32, #tpu.memory_space<hbm>>
          tpu.wait_dma2 semaphore(%run_scoped3A : memref<!tpu.dma_semaphore, #tpu.memory_space<semaphore_mem>>) src(%dma_wait3A_126 : memref<8x224xf32, #tpu.memory_space<hbm>>) dst(%arg5 : memref<8x224xf32, #tpu.memory_space<vmem>>)
          tpu.yield
        }) : () -> ()
        %while3A_113 = arith.constant 0 : i32
        %while3A_114:2 = scf.while (%while3A_117 = %while3A_113, %while3A_118 = %while3A_40) : (i32, i32) -> (i32, i32) {
          %lt3A_119 = arith.constant 8 : i32
          %lt3A_120 = arith.cmpi slt, %while3A_117, %lt3A_119 : i32
          %lt3A_121 = arith.constant 128 : i32
          %lt3A_122 = arith.cmpi slt, %while3A_118, %lt3A_121 : i32
          %and3A_123 = arith.andi %lt3A_120, %lt3A_122 : i1
          scf.condition(%and3A_123) %while3A_117, %while3A_118 : i32, i32
        } do {
        ^bb0(%while3A_117: i32, %while3A_118: i32):
          %get3A = arith.index_cast %while3A_117 : i32 to index
          %get3A_119 = arith.constant 0 : index
          %get3A_120 = tpu.vector_load %arg5[%get3A, %get3A_119] {strides = array<i32>} : memref<8x224xf32, #tpu.memory_space<vmem>>, vector<16xf32>,
          %shift_left3A = arith.constant 11 : i32
          %shift_left3A_121 = arith.shli %while3A_39, %shift_left3A : i32
          %shift_left3A_122 = arith.constant 8 : i32
          %shift_left3A_123 = arith.shli %while3A_117, %shift_left3A_122 : i32
          %or3A = arith.ori %shift_left3A_121, %shift_left3A_123 : i32
          %or3A_124 = arith.constant 0 : i32
          %or3A_125 = arith.ori %or3A, %or3A_124 : i32
          %add3A_126 = vector.broadcast %or3A_125 : i32 to vector<16xi32>
          %add3A_127 = arith.addi %add3A_126, %iota3A : vector<16xi32>
          %gt3A = arith.constant 0.000000e+00 : f32
          %gt3A_128 = vector.broadcast %gt3A : f32 to vector<16xf32>
          %gt3A_129 = arith.cmpf ogt, %get3A_120, %gt3A_128 : vector<16xf32>
          %all_reduce_population_count3A = tpu.all_reduce %gt3A_129 {dim = 0 : i64, kind = #tpu.reduction_kind<sum>} : vector<16xi1> -> vector<16xi32>
          %slice3A = vector.extract_strided_slice %all_reduce_population_count3A {offsets = [0], sizes = [1], strides = [1]} : vector<16xi32> to vector<1xi32>
          %squeeze3A = vector.extract %slice3A[0] : i32 from vector<1xi32>
          %min3A = arith.minsi %while3A_118, %while3A : i32
          %swap3A_130 = arith.index_cast %min3A : i32 to index
          %swap3A_131 = tpu.vector_load %arg6[%swap3A_130] masked %gt3A_129 {strides = array<i32>} : memref<160xi32, #tpu.memory_space<vmem>>, vector<16xi32>, vector<16xi1>
          tpu.vector_store %arg6[%swap3A_130], %add3A_127 masked %gt3A_129 {strides = array<i32>} : memref<160xi32, #tpu.memory_space<vmem>>, vector<16xi32>, vector<16xi1>
          %add3A_132 = arith.addi %while3A_118, %squeeze3A : i32
          %get3A_133 = arith.index_cast %while3A_117 : i32 to index
          %get3A_134 = arith.constant 16 : index
          %get3A_135 = tpu.vector_load %arg5[%get3A_133, %get3A_134] {strides = array<i32>} : memref<8x224xf32, #tpu.memory_space<vmem>>, vector<16xf32>,
          %shift_left3A_136 = arith.constant 11 : i32
          %shift_left3A_137 = arith.shli %while3A_39, %shift_left3A_136 : i32
          %shift_left3A_138 = arith.constant 8 : i32
          %shift_left3A_139 = arith.shli %while3A_117, %shift_left3A_138 : i32
          %or3A_140 = arith.ori %shift_left3A_137, %shift_left3A_139 : i32
          %or3A_141 = arith.constant 16 : i32
          %or3A_142 = arith.ori %or3A_140, %or3A_141 : i32
          %add3A_143 = vector.broadcast %or3A_142 : i32 to vector<16xi32>
          %add3A_144 = arith.addi %add3A_143, %iota3A : vector<16xi32>
          %gt3A_145 = arith.constant 0.000000e+00 : f32
          %gt3A_146 = vector.broadcast %gt3A_145 : f32 to vector<16xf32>
          %gt3A_147 = arith.cmpf ogt, %get3A_135, %gt3A_146 : vector<16xf32>
          %all_reduce_population_count3A_148 = tpu.all_reduce %gt3A_147 {dim = 0 : i64, kind = #tpu.reduction_kind<sum>} : vector<16xi1> -> vector<16xi32>
          %slice3A_149 = vector.extract_strided_slice %all_reduce_population_count3A_148 {offsets = [0], sizes = [1], strides = [1]} : vector<16xi32> to vector<1xi32>
          %squeeze3A_150 = vector.extract %slice3A_149[0] : i32 from vector<1xi32>
          %min3A_151 = arith.minsi %add3A_132, %while3A : i32
          %swap3A_152 = arith.index_cast %min3A_151 : i32 to index
          %swap3A_153 = tpu.vector_load %arg6[%swap3A_152] masked %gt3A_147 {strides = array<i32>} : memref<160xi32, #tpu.memory_space<vmem>>, vector<16xi32>, vector<16xi1>
          tpu.vector_store %arg6[%swap3A_152], %add3A_144 masked %gt3A_147 {strides = array<i32>} : memref<160xi32, #tpu.memory_space<vmem>>, vector<16xi32>, vector<16xi1>
          %add3A_154 = arith.addi %add3A_132, %squeeze3A_150 : i32
          %get3A_155 = arith.index_cast %while3A_117 : i32 to index
          %get3A_156 = arith.constant 32 : index
          %get3A_157 = tpu.vector_load %arg5[%get3A_155, %get3A_156] {strides = array<i32>} : memref<8x224xf32, #tpu.memory_space<vmem>>, vector<16xf32>,
          %shift_left3A_158 = arith.constant 11 : i32
          %shift_left3A_159 = arith.shli %while3A_39, %shift_left3A_158 : i32
          %shift_left3A_160 = arith.constant 8 : i32
          %shift_left3A_161 = arith.shli %while3A_117, %shift_left3A_160 : i32
          %or3A_162 = arith.ori %shift_left3A_159, %shift_left3A_161 : i32
          %or3A_163 = arith.constant 32 : i32
          %or3A_164 = arith.ori %or3A_162, %or3A_163 : i32
          %add3A_165 = vector.broadcast %or3A_164 : i32 to vector<16xi32>
          %add3A_166 = arith.addi %add3A_165, %iota3A : vector<16xi32>
          %gt3A_167 = arith.constant 0.000000e+00 : f32
          %gt3A_168 = vector.broadcast %gt3A_167 : f32 to vector<16xf32>
          %gt3A_169 = arith.cmpf ogt, %get3A_157, %gt3A_168 : vector<16xf32>
          %all_reduce_population_count3A_170 = tpu.all_reduce %gt3A_169 {dim = 0 : i64, kind = #tpu.reduction_kind<sum>} : vector<16xi1> -> vector<16xi32>
          %slice3A_171 = vector.extract_strided_slice %all_reduce_population_count3A_170 {offsets = [0], sizes = [1], strides = [1]} : vector<16xi32> to vector<1xi32>
          %squeeze3A_172 = vector.extract %slice3A_171[0] : i32 from vector<1xi32>
          %min3A_173 = arith.minsi %add3A_154, %while3A : i32
          %swap3A_174 = arith.index_cast %min3A_173 : i32 to index
          %swap3A_175 = tpu.vector_load %arg6[%swap3A_174] masked %gt3A_169 {strides = array<i32>} : memref<160xi32, #tpu.memory_space<vmem>>, vector<16xi32>, vector<16xi1>
          tpu.vector_store %arg6[%swap3A_174], %add3A_166 masked %gt3A_169 {strides = array<i32>} : memref<160xi32, #tpu.memory_space<vmem>>, vector<16xi32>, vector<16xi1>
          %add3A_176 = arith.addi %add3A_154, %squeeze3A_172 : i32
          %get3A_177 = arith.index_cast %while3A_117 : i32 to index
          %get3A_178 = arith.constant 48 : index
          %get3A_179 = tpu.vector_load %arg5[%get3A_177, %get3A_178] {strides = array<i32>} : memref<8x224xf32, #tpu.memory_space<vmem>>, vector<16xf32>,
          %shift_left3A_180 = arith.constant 11 : i32
          %shift_left3A_181 = arith.shli %while3A_39, %shift_left3A_180 : i32
          %shift_left3A_182 = arith.constant 8 : i32
          %shift_left3A_183 = arith.shli %while3A_117, %shift_left3A_182 : i32
          %or3A_184 = arith.ori %shift_left3A_181, %shift_left3A_183 : i32
          %or3A_185 = arith.constant 48 : i32
          %or3A_186 = arith.ori %or3A_184, %or3A_185 : i32
          %add3A_187 = vector.broadcast %or3A_186 : i32 to vector<16xi32>
          %add3A_188 = arith.addi %add3A_187, %iota3A : vector<16xi32>
          %gt3A_189 = arith.constant 0.000000e+00 : f32
          %gt3A_190 = vector.broadcast %gt3A_189 : f32 to vector<16xf32>
          %gt3A_191 = arith.cmpf ogt, %get3A_179, %gt3A_190 : vector<16xf32>
          %all_reduce_population_count3A_192 = tpu.all_reduce %gt3A_191 {dim = 0 : i64, kind = #tpu.reduction_kind<sum>} : vector<16xi1> -> vector<16xi32>
          %slice3A_193 = vector.extract_strided_slice %all_reduce_population_count3A_192 {offsets = [0], sizes = [1], strides = [1]} : vector<16xi32> to vector<1xi32>
          %squeeze3A_194 = vector.extract %slice3A_193[0] : i32 from vector<1xi32>
          %min3A_195 = arith.minsi %add3A_176, %while3A : i32
          %swap3A_196 = arith.index_cast %min3A_195 : i32 to index
          %swap3A_197 = tpu.vector_load %arg6[%swap3A_196] masked %gt3A_191 {strides = array<i32>} : memref<160xi32, #tpu.memory_space<vmem>>, vector<16xi32>, vector<16xi1>
          tpu.vector_store %arg6[%swap3A_196], %add3A_188 masked %gt3A_191 {strides = array<i32>} : memref<160xi32, #tpu.memory_space<vmem>>, vector<16xi32>, vector<16xi1>
          %add3A_198 = arith.addi %add3A_176, %squeeze3A_194 : i32
          %get3A_199 = arith.index_cast %while3A_117 : i32 to index
          %get3A_200 = arith.constant 64 : index
          %get3A_201 = tpu.vector_load %arg5[%get3A_199, %get3A_200] {strides = array<i32>} : memref<8x224xf32, #tpu.memory_space<vmem>>, vector<16xf32>,
          %shift_left3A_202 = arith.constant 11 : i32
          %shift_left3A_203 = arith.shli %while3A_39, %shift_left3A_202 : i32
          %shift_left3A_204 = arith.constant 8 : i32
          %shift_left3A_205 = arith.shli %while3A_117, %shift_left3A_204 : i32
          %or3A_206 = arith.ori %shift_left3A_203, %shift_left3A_205 : i32
          %or3A_207 = arith.constant 64 : i32
          %or3A_208 = arith.ori %or3A_206, %or3A_207 : i32
          %add3A_209 = vector.broadcast %or3A_208 : i32 to vector<16xi32>
          %add3A_210 = arith.addi %add3A_209, %iota3A : vector<16xi32>
          %gt3A_211 = arith.constant 0.000000e+00 : f32
          %gt3A_212 = vector.broadcast %gt3A_211 : f32 to vector<16xf32>
          %gt3A_213 = arith.cmpf ogt, %get3A_201, %gt3A_212 : vector<16xf32>
          %all_reduce_population_count3A_214 = tpu.all_reduce %gt3A_213 {dim = 0 : i64, kind = #tpu.reduction_kind<sum>} : vector<16xi1> -> vector<16xi32>
          %slice3A_215 = vector.extract_strided_slice %all_reduce_population_count3A_214 {offsets = [0], sizes = [1], strides = [1]} : vector<16xi32> to vector<1xi32>
          %squeeze3A_216 = vector.extract %slice3A_215[0] : i32 from vector<1xi32>
          %min3A_217 = arith.minsi %add3A_198, %while3A : i32
          %swap3A_218 = arith.index_cast %min3A_217 : i32 to index
          %swap3A_219 = tpu.vector_load %arg6[%swap3A_218] masked %gt3A_213 {strides = array<i32>} : memref<160xi32, #tpu.memory_space<vmem>>, vector<16xi32>, vector<16xi1>
          tpu.vector_store %arg6[%swap3A_218], %add3A_210 masked %gt3A_213 {strides = array<i32>} : memref<160xi32, #tpu.memory_space<vmem>>, vector<16xi32>, vector<16xi1>
          %add3A_220 = arith.addi %add3A_198, %squeeze3A_216 : i32
          %get3A_221 = arith.index_cast %while3A_117 : i32 to index
          %get3A_222 = arith.constant 80 : index
          %get3A_223 = tpu.vector_load %arg5[%get3A_221, %get3A_222] {strides = array<i32>} : memref<8x224xf32, #tpu.memory_space<vmem>>, vector<16xf32>,
          %shift_left3A_224 = arith.constant 11 : i32
          %shift_left3A_225 = arith.shli %while3A_39, %shift_left3A_224 : i32
          %shift_left3A_226 = arith.constant 8 : i32
          %shift_left3A_227 = arith.shli %while3A_117, %shift_left3A_226 : i32
          %or3A_228 = arith.ori %shift_left3A_225, %shift_left3A_227 : i32
          %or3A_229 = arith.constant 80 : i32
          %or3A_230 = arith.ori %or3A_228, %or3A_229 : i32
          %add3A_231 = vector.broadcast %or3A_230 : i32 to vector<16xi32>
          %add3A_232 = arith.addi %add3A_231, %iota3A : vector<16xi32>
          %gt3A_233 = arith.constant 0.000000e+00 : f32
          %gt3A_234 = vector.broadcast %gt3A_233 : f32 to vector<16xf32>
          %gt3A_235 = arith.cmpf ogt, %get3A_223, %gt3A_234 : vector<16xf32>
          %all_reduce_population_count3A_236 = tpu.all_reduce %gt3A_235 {dim = 0 : i64, kind = #tpu.reduction_kind<sum>} : vector<16xi1> -> vector<16xi32>
          %slice3A_237 = vector.extract_strided_slice %all_reduce_population_count3A_236 {offsets = [0], sizes = [1], strides = [1]} : vector<16xi32> to vector<1xi32>
          %squeeze3A_238 = vector.extract %slice3A_237[0] : i32 from vector<1xi32>
          %min3A_239 = arith.minsi %add3A_220, %while3A : i32
          %swap3A_240 = arith.index_cast %min3A_239 : i32 to index
          %swap3A_241 = tpu.vector_load %arg6[%swap3A_240] masked %gt3A_235 {strides = array<i32>} : memref<160xi32, #tpu.memory_space<vmem>>, vector<16xi32>, vector<16xi1>
          tpu.vector_store %arg6[%swap3A_240], %add3A_232 masked %gt3A_235 {strides = array<i32>} : memref<160xi32, #tpu.memory_space<vmem>>, vector<16xi32>, vector<16xi1>
          %add3A_242 = arith.addi %add3A_220, %squeeze3A_238 : i32
          %get3A_243 = arith.index_cast %while3A_117 : i32 to index
          %get3A_244 = arith.constant 96 : index
          %get3A_245 = tpu.vector_load %arg5[%get3A_243, %get3A_244] {strides = array<i32>} : memref<8x224xf32, #tpu.memory_space<vmem>>, vector<16xf32>,
          %shift_left3A_246 = arith.constant 11 : i32
          %shift_left3A_247 = arith.shli %while3A_39, %shift_left3A_246 : i32
          %shift_left3A_248 = arith.constant 8 : i32
          %shift_left3A_249 = arith.shli %while3A_117, %shift_left3A_248 : i32
          %or3A_250 = arith.ori %shift_left3A_247, %shift_left3A_249 : i32
          %or3A_251 = arith.constant 96 : i32
          %or3A_252 = arith.ori %or3A_250, %or3A_251 : i32
          %add3A_253 = vector.broadcast %or3A_252 : i32 to vector<16xi32>
          %add3A_254 = arith.addi %add3A_253, %iota3A : vector<16xi32>
          %gt3A_255 = arith.constant 0.000000e+00 : f32
          %gt3A_256 = vector.broadcast %gt3A_255 : f32 to vector<16xf32>
          %gt3A_257 = arith.cmpf ogt, %get3A_245, %gt3A_256 : vector<16xf32>
          %all_reduce_population_count3A_258 = tpu.all_reduce %gt3A_257 {dim = 0 : i64, kind = #tpu.reduction_kind<sum>} : vector<16xi1> -> vector<16xi32>
          %slice3A_259 = vector.extract_strided_slice %all_reduce_population_count3A_258 {offsets = [0], sizes = [1], strides = [1]} : vector<16xi32> to vector<1xi32>
          %squeeze3A_260 = vector.extract %slice3A_259[0] : i32 from vector<1xi32>
          %min3A_261 = arith.minsi %add3A_242, %while3A : i32
          %swap3A_262 = arith.index_cast %min3A_261 : i32 to index
          %swap3A_263 = tpu.vector_load %arg6[%swap3A_262] masked %gt3A_257 {strides = array<i32>} : memref<160xi32, #tpu.memory_space<vmem>>, vector<16xi32>, vector<16xi1>
          tpu.vector_store %arg6[%swap3A_262], %add3A_254 masked %gt3A_257 {strides = array<i32>} : memref<160xi32, #tpu.memory_space<vmem>>, vector<16xi32>, vector<16xi1>
          %add3A_264 = arith.addi %add3A_242, %squeeze3A_260 : i32
          %get3A_265 = arith.index_cast %while3A_117 : i32 to index
          %get3A_266 = arith.constant 112 : index
          %get3A_267 = tpu.vector_load %arg5[%get3A_265, %get3A_266] {strides = array<i32>} : memref<8x224xf32, #tpu.memory_space<vmem>>, vector<16xf32>,
          %shift_left3A_268 = arith.constant 11 : i32
          %shift_left3A_269 = arith.shli %while3A_39, %shift_left3A_268 : i32
          %shift_left3A_270 = arith.constant 8 : i32
          %shift_left3A_271 = arith.shli %while3A_117, %shift_left3A_270 : i32
          %or3A_272 = arith.ori %shift_left3A_269, %shift_left3A_271 : i32
          %or3A_273 = arith.constant 112 : i32
          %or3A_274 = arith.ori %or3A_272, %or3A_273 : i32
          %add3A_275 = vector.broadcast %or3A_274 : i32 to vector<16xi32>
          %add3A_276 = arith.addi %add3A_275, %iota3A : vector<16xi32>
          %gt3A_277 = arith.constant 0.000000e+00 : f32
          %gt3A_278 = vector.broadcast %gt3A_277 : f32 to vector<16xf32>
          %gt3A_279 = arith.cmpf ogt, %get3A_267, %gt3A_278 : vector<16xf32>
          %all_reduce_population_count3A_280 = tpu.all_reduce %gt3A_279 {dim = 0 : i64, kind = #tpu.reduction_kind<sum>} : vector<16xi1> -> vector<16xi32>
          %slice3A_281 = vector.extract_strided_slice %all_reduce_population_count3A_280 {offsets = [0], sizes = [1], strides = [1]} : vector<16xi32> to vector<1xi32>
          %squeeze3A_282 = vector.extract %slice3A_281[0] : i32 from vector<1xi32>
          %min3A_283 = arith.minsi %add3A_264, %while3A : i32
          %swap3A_284 = arith.index_cast %min3A_283 : i32 to index
          %swap3A_285 = tpu.vector_load %arg6[%swap3A_284] masked %gt3A_279 {strides = array<i32>} : memref<160xi32, #tpu.memory_space<vmem>>, vector<16xi32>, vector<16xi1>
          tpu.vector_store %arg6[%swap3A_284], %add3A_276 masked %gt3A_279 {strides = array<i32>} : memref<160xi32, #tpu.memory_space<vmem>>, vector<16xi32>, vector<16xi1>
          %add3A_286 = arith.addi %add3A_264, %squeeze3A_282 : i32
          %get3A_287 = arith.index_cast %while3A_117 : i32 to index
          %get3A_288 = arith.constant 128 : index
          %get3A_289 = tpu.vector_load %arg5[%get3A_287, %get3A_288] {strides = array<i32>} : memref<8x224xf32, #tpu.memory_space<vmem>>, vector<16xf32>,
          %shift_left3A_290 = arith.constant 11 : i32
          %shift_left3A_291 = arith.shli %while3A_39, %shift_left3A_290 : i32
          %shift_left3A_292 = arith.constant 8 : i32
          %shift_left3A_293 = arith.shli %while3A_117, %shift_left3A_292 : i32
          %or3A_294 = arith.ori %shift_left3A_291, %shift_left3A_293 : i32
          %or3A_295 = arith.constant 128 : i32
          %or3A_296 = arith.ori %or3A_294, %or3A_295 : i32
          %add3A_297 = vector.broadcast %or3A_296 : i32 to vector<16xi32>
          %add3A_298 = arith.addi %add3A_297, %iota3A : vector<16xi32>
          %gt3A_299 = arith.constant 0.000000e+00 : f32
          %gt3A_300 = vector.broadcast %gt3A_299 : f32 to vector<16xf32>
          %gt3A_301 = arith.cmpf ogt, %get3A_289, %gt3A_300 : vector<16xf32>
          %all_reduce_population_count3A_302 = tpu.all_reduce %gt3A_301 {dim = 0 : i64, kind = #tpu.reduction_kind<sum>} : vector<16xi1> -> vector<16xi32>
          %slice3A_303 = vector.extract_strided_slice %all_reduce_population_count3A_302 {offsets = [0], sizes = [1], strides = [1]} : vector<16xi32> to vector<1xi32>
          %squeeze3A_304 = vector.extract %slice3A_303[0] : i32 from vector<1xi32>
          %min3A_305 = arith.minsi %add3A_286, %while3A : i32
          %swap3A_306 = arith.index_cast %min3A_305 : i32 to index
          %swap3A_307 = tpu.vector_load %arg6[%swap3A_306] masked %gt3A_301 {strides = array<i32>} : memref<160xi32, #tpu.memory_space<vmem>>, vector<16xi32>, vector<16xi1>
          tpu.vector_store %arg6[%swap3A_306], %add3A_298 masked %gt3A_301 {strides = array<i32>} : memref<160xi32, #tpu.memory_space<vmem>>, vector<16xi32>, vector<16xi1>
          %add3A_308 = arith.addi %add3A_286, %squeeze3A_304 : i32
          %get3A_309 = arith.index_cast %while3A_117 : i32 to index
          %get3A_310 = arith.constant 144 : index
          %get3A_311 = tpu.vector_load %arg5[%get3A_309, %get3A_310] {strides = array<i32>} : memref<8x224xf32, #tpu.memory_space<vmem>>, vector<16xf32>,
          %shift_left3A_312 = arith.constant 11 : i32
          %shift_left3A_313 = arith.shli %while3A_39, %shift_left3A_312 : i32
          %shift_left3A_314 = arith.constant 8 : i32
          %shift_left3A_315 = arith.shli %while3A_117, %shift_left3A_314 : i32
          %or3A_316 = arith.ori %shift_left3A_313, %shift_left3A_315 : i32
          %or3A_317 = arith.constant 144 : i32
          %or3A_318 = arith.ori %or3A_316, %or3A_317 : i32
          %add3A_319 = vector.broadcast %or3A_318 : i32 to vector<16xi32>
          %add3A_320 = arith.addi %add3A_319, %iota3A : vector<16xi32>
          %gt3A_321 = arith.constant 0.000000e+00 : f32
          %gt3A_322 = vector.broadcast %gt3A_321 : f32 to vector<16xf32>
          %gt3A_323 = arith.cmpf ogt, %get3A_311, %gt3A_322 : vector<16xf32>
          %all_reduce_population_count3A_324 = tpu.all_reduce %gt3A_323 {dim = 0 : i64, kind = #tpu.reduction_kind<sum>} : vector<16xi1> -> vector<16xi32>
          %slice3A_325 = vector.extract_strided_slice %all_reduce_population_count3A_324 {offsets = [0], sizes = [1], strides = [1]} : vector<16xi32> to vector<1xi32>
          %squeeze3A_326 = vector.extract %slice3A_325[0] : i32 from vector<1xi32>
          %min3A_327 = arith.minsi %add3A_308, %while3A : i32
          %swap3A_328 = arith.index_cast %min3A_327 : i32 to index
          %swap3A_329 = tpu.vector_load %arg6[%swap3A_328] masked %gt3A_323 {strides = array<i32>} : memref<160xi32, #tpu.memory_space<vmem>>, vector<16xi32>, vector<16xi1>
          tpu.vector_store %arg6[%swap3A_328], %add3A_320 masked %gt3A_323 {strides = array<i32>} : memref<160xi32, #tpu.memory_space<vmem>>, vector<16xi32>, vector<16xi1>
          %add3A_330 = arith.addi %add3A_308, %squeeze3A_326 : i32
          %get3A_331 = arith.index_cast %while3A_117 : i32 to index
          %get3A_332 = arith.constant 160 : index
          %get3A_333 = tpu.vector_load %arg5[%get3A_331, %get3A_332] {strides = array<i32>} : memref<8x224xf32, #tpu.memory_space<vmem>>, vector<16xf32>,
          %shift_left3A_334 = arith.constant 11 : i32
          %shift_left3A_335 = arith.shli %while3A_39, %shift_left3A_334 : i32
          %shift_left3A_336 = arith.constant 8 : i32
          %shift_left3A_337 = arith.shli %while3A_117, %shift_left3A_336 : i32
          %or3A_338 = arith.ori %shift_left3A_335, %shift_left3A_337 : i32
          %or3A_339 = arith.constant 160 : i32
          %or3A_340 = arith.ori %or3A_338, %or3A_339 : i32
          %add3A_341 = vector.broadcast %or3A_340 : i32 to vector<16xi32>
          %add3A_342 = arith.addi %add3A_341, %iota3A : vector<16xi32>
          %gt3A_343 = arith.constant 0.000000e+00 : f32
          %gt3A_344 = vector.broadcast %gt3A_343 : f32 to vector<16xf32>
          %gt3A_345 = arith.cmpf ogt, %get3A_333, %gt3A_344 : vector<16xf32>
          %all_reduce_population_count3A_346 = tpu.all_reduce %gt3A_345 {dim = 0 : i64, kind = #tpu.reduction_kind<sum>} : vector<16xi1> -> vector<16xi32>
          %slice3A_347 = vector.extract_strided_slice %all_reduce_population_count3A_346 {offsets = [0], sizes = [1], strides = [1]} : vector<16xi32> to vector<1xi32>
          %squeeze3A_348 = vector.extract %slice3A_347[0] : i32 from vector<1xi32>
          %min3A_349 = arith.minsi %add3A_330, %while3A : i32
          %swap3A_350 = arith.index_cast %min3A_349 : i32 to index
          %swap3A_351 = tpu.vector_load %arg6[%swap3A_350] masked %gt3A_345 {strides = array<i32>} : memref<160xi32, #tpu.memory_space<vmem>>, vector<16xi32>, vector<16xi1>
          tpu.vector_store %arg6[%swap3A_350], %add3A_342 masked %gt3A_345 {strides = array<i32>} : memref<160xi32, #tpu.memory_space<vmem>>, vector<16xi32>, vector<16xi1>
          %add3A_352 = arith.addi %add3A_330, %squeeze3A_348 : i32
          %get3A_353 = arith.index_cast %while3A_117 : i32 to index
          %get3A_354 = arith.constant 176 : index
          %get3A_355 = tpu.vector_load %arg5[%get3A_353, %get3A_354] {strides = array<i32>} : memref<8x224xf32, #tpu.memory_space<vmem>>, vector<16xf32>,
          %shift_left3A_356 = arith.constant 11 : i32
          %shift_left3A_357 = arith.shli %while3A_39, %shift_left3A_356 : i32
          %shift_left3A_358 = arith.constant 8 : i32
          %shift_left3A_359 = arith.shli %while3A_117, %shift_left3A_358 : i32
          %or3A_360 = arith.ori %shift_left3A_357, %shift_left3A_359 : i32
          %or3A_361 = arith.constant 176 : i32
          %or3A_362 = arith.ori %or3A_360, %or3A_361 : i32
          %add3A_363 = vector.broadcast %or3A_362 : i32 to vector<16xi32>
          %add3A_364 = arith.addi %add3A_363, %iota3A : vector<16xi32>
          %gt3A_365 = arith.constant 0.000000e+00 : f32
          %gt3A_366 = vector.broadcast %gt3A_365 : f32 to vector<16xf32>
          %gt3A_367 = arith.cmpf ogt, %get3A_355, %gt3A_366 : vector<16xf32>
          %all_reduce_population_count3A_368 = tpu.all_reduce %gt3A_367 {dim = 0 : i64, kind = #tpu.reduction_kind<sum>} : vector<16xi1> -> vector<16xi32>
          %slice3A_369 = vector.extract_strided_slice %all_reduce_population_count3A_368 {offsets = [0], sizes = [1], strides = [1]} : vector<16xi32> to vector<1xi32>
          %squeeze3A_370 = vector.extract %slice3A_369[0] : i32 from vector<1xi32>
          %min3A_371 = arith.minsi %add3A_352, %while3A : i32
          %swap3A_372 = arith.index_cast %min3A_371 : i32 to index
          %swap3A_373 = tpu.vector_load %arg6[%swap3A_372] masked %gt3A_367 {strides = array<i32>} : memref<160xi32, #tpu.memory_space<vmem>>, vector<16xi32>, vector<16xi1>
          tpu.vector_store %arg6[%swap3A_372], %add3A_364 masked %gt3A_367 {strides = array<i32>} : memref<160xi32, #tpu.memory_space<vmem>>, vector<16xi32>, vector<16xi1>
          %add3A_374 = arith.addi %add3A_352, %squeeze3A_370 : i32
          %get3A_375 = arith.index_cast %while3A_117 : i32 to index
          %get3A_376 = arith.constant 192 : index
          %get3A_377 = tpu.vector_load %arg5[%get3A_375, %get3A_376] {strides = array<i32>} : memref<8x224xf32, #tpu.memory_space<vmem>>, vector<16xf32>,
          %shift_left3A_378 = arith.constant 11 : i32
          %shift_left3A_379 = arith.shli %while3A_39, %shift_left3A_378 : i32
          %shift_left3A_380 = arith.constant 8 : i32
          %shift_left3A_381 = arith.shli %while3A_117, %shift_left3A_380 : i32
          %or3A_382 = arith.ori %shift_left3A_379, %shift_left3A_381 : i32
          %or3A_383 = arith.constant 192 : i32
          %or3A_384 = arith.ori %or3A_382, %or3A_383 : i32
          %add3A_385 = vector.broadcast %or3A_384 : i32 to vector<16xi32>
          %add3A_386 = arith.addi %add3A_385, %iota3A : vector<16xi32>
          %gt3A_387 = arith.constant 0.000000e+00 : f32
          %gt3A_388 = vector.broadcast %gt3A_387 : f32 to vector<16xf32>
          %gt3A_389 = arith.cmpf ogt, %get3A_377, %gt3A_388 : vector<16xf32>
          %all_reduce_population_count3A_390 = tpu.all_reduce %gt3A_389 {dim = 0 : i64, kind = #tpu.reduction_kind<sum>} : vector<16xi1> -> vector<16xi32>
          %slice3A_391 = vector.extract_strided_slice %all_reduce_population_count3A_390 {offsets = [0], sizes = [1], strides = [1]} : vector<16xi32> to vector<1xi32>
          %squeeze3A_392 = vector.extract %slice3A_391[0] : i32 from vector<1xi32>
          %min3A_393 = arith.minsi %add3A_374, %while3A : i32
          %swap3A_394 = arith.index_cast %min3A_393 : i32 to index
          %swap3A_395 = tpu.vector_load %arg6[%swap3A_394] masked %gt3A_389 {strides = array<i32>} : memref<160xi32, #tpu.memory_space<vmem>>, vector<16xi32>, vector<16xi1>
          tpu.vector_store %arg6[%swap3A_394], %add3A_386 masked %gt3A_389 {strides = array<i32>} : memref<160xi32, #tpu.memory_space<vmem>>, vector<16xi32>, vector<16xi1>
          %add3A_396 = arith.addi %add3A_374, %squeeze3A_392 : i32
          %get3A_397 = arith.index_cast %while3A_117 : i32 to index
          %get3A_398 = arith.constant 208 : index
          %get3A_399 = tpu.vector_load %arg5[%get3A_397, %get3A_398] {strides = array<i32>} : memref<8x224xf32, #tpu.memory_space<vmem>>, vector<16xf32>,
          %shift_left3A_400 = arith.constant 11 : i32
          %shift_left3A_401 = arith.shli %while3A_39, %shift_left3A_400 : i32
          %shift_left3A_402 = arith.constant 8 : i32
          %shift_left3A_403 = arith.shli %while3A_117, %shift_left3A_402 : i32
          %or3A_404 = arith.ori %shift_left3A_401, %shift_left3A_403 : i32
          %or3A_405 = arith.constant 208 : i32
          %or3A_406 = arith.ori %or3A_404, %or3A_405 : i32
          %add3A_407 = vector.broadcast %or3A_406 : i32 to vector<16xi32>
          %add3A_408 = arith.addi %add3A_407, %iota3A : vector<16xi32>
          %gt3A_409 = arith.constant 0.000000e+00 : f32
          %gt3A_410 = vector.broadcast %gt3A_409 : f32 to vector<16xf32>
          %gt3A_411 = arith.cmpf ogt, %get3A_399, %gt3A_410 : vector<16xf32>
          %all_reduce_population_count3A_412 = tpu.all_reduce %gt3A_411 {dim = 0 : i64, kind = #tpu.reduction_kind<sum>} : vector<16xi1> -> vector<16xi32>
          %slice3A_413 = vector.extract_strided_slice %all_reduce_population_count3A_412 {offsets = [0], sizes = [1], strides = [1]} : vector<16xi32> to vector<1xi32>
          %squeeze3A_414 = vector.extract %slice3A_413[0] : i32 from vector<1xi32>
          %min3A_415 = arith.minsi %add3A_396, %while3A : i32
          %swap3A_416 = arith.index_cast %min3A_415 : i32 to index
          %swap3A_417 = tpu.vector_load %arg6[%swap3A_416] masked %gt3A_411 {strides = array<i32>} : memref<160xi32, #tpu.memory_space<vmem>>, vector<16xi32>, vector<16xi1>
          tpu.vector_store %arg6[%swap3A_416], %add3A_408 masked %gt3A_411 {strides = array<i32>} : memref<160xi32, #tpu.memory_space<vmem>>, vector<16xi32>, vector<16xi1>
          %add3A_418 = arith.addi %add3A_396, %squeeze3A_414 : i32
          %add3A_419 = arith.constant 1 : i32
          %add3A_420 = arith.addi %while3A_117, %add3A_419 : i32
          scf.yield %add3A_420, %add3A_418 : i32, i32
        }
        %add3A_115 = arith.constant 1 : i32
        %add3A_116 = arith.addi %while3A_39, %add3A_115 : i32
        scf.yield %add3A_116, %while3A_114#1 : i32, i32
      }
      "tpu.region"() ({
        %run_scoped3A = tpu.sem_alloc : memref<!tpu.dma_semaphore, #tpu.memory_space<semaphore_mem>>
        %dma_start3A = arith.constant 0 : i32
        %dma_start3A_39 = tpu.memref_slice %arg6[%dma_start3A] : memref<160xi32, #tpu.memory_space<vmem>> -> memref<128xi32, #tpu.memory_space<vmem>>
        %dma_start3A_40 = arith.constant 0 : i32
        %dma_start3A_41 = tpu.memref_slice %arg8[%dma_start3A_40] : memref<1024xi32, #tpu.memory_space<vmem_shared>> -> memref<128xi32, #tpu.memory_space<vmem_shared>>
        %dma_start3A_42 = arith.constant 0 : i32
        %dma_start3A_43 = tpu.memref_slice %arg8[%dma_start3A_42] : memref<1024xi32, #tpu.memory_space<vmem_shared>> -> memref<128xi32, #tpu.memory_space<vmem_shared>>
        %dma_start3A_44 = arith.constant 0 : i32
        %dma_start3A_45 = tpu.memref_slice %arg6[%dma_start3A_44] : memref<160xi32, #tpu.memory_space<vmem>> -> memref<128xi32, #tpu.memory_space<vmem>>
        tpu.enqueue_dma source(%dma_start3A_45 : memref<128xi32, #tpu.memory_space<vmem>>) target(%dma_start3A_43 : memref<128xi32, #tpu.memory_space<vmem_shared>>) target_semaphore(%run_scoped3A : memref<!tpu.dma_semaphore, #tpu.memory_space<semaphore_mem>>)
        %dma_wait3A = arith.constant 0 : i32
        %dma_wait3A_46 = tpu.memref_slice %arg6[%dma_wait3A] : memref<160xi32, #tpu.memory_space<vmem>> -> memref<128xi32, #tpu.memory_space<vmem>>
        %dma_wait3A_47 = arith.constant 0 : i32
        %dma_wait3A_48 = tpu.memref_slice %arg8[%dma_wait3A_47] : memref<1024xi32, #tpu.memory_space<vmem_shared>> -> memref<128xi32, #tpu.memory_space<vmem_shared>>
        %dma_wait3A_49 = arith.constant 0 : i32
        %dma_wait3A_50 = tpu.memref_slice %arg8[%dma_wait3A_49] : memref<1024xi32, #tpu.memory_space<vmem_shared>> -> memref<128xi32, #tpu.memory_space<vmem_shared>>
        %dma_wait3A_51 = arith.constant 0 : i32
        %dma_wait3A_52 = tpu.memref_slice %arg6[%dma_wait3A_51] : memref<160xi32, #tpu.memory_space<vmem>> -> memref<128xi32, #tpu.memory_space<vmem>>
        tpu.wait_dma2 semaphore(%run_scoped3A : memref<!tpu.dma_semaphore, #tpu.memory_space<semaphore_mem>>) src(%dma_wait3A_52 : memref<128xi32, #tpu.memory_space<vmem>>) dst(%dma_wait3A_50 : memref<128xi32, #tpu.memory_space<vmem_shared>>)
        tpu.yield
      }) : () -> ()
    } else {
    }
    %eq3A_2 = arith.constant 15 : i32
    %eq3A_3 = arith.cmpi eq, %arg1, %eq3A_2 : i32
    %convert_element_type3A_4 = arith.extui %eq3A_3 : i1 to i32
    %cond3A_5 = arith.constant 0 : i32
    %cond3A_6 = arith.cmpi ne, %convert_element_type3A_4, %cond3A_5 : i32
    scf.if %cond3A_6 {
      %broadcast_in_dim3A = arith.constant 0 : i32
      %broadcast_in_dim3A_16 = vector.broadcast %broadcast_in_dim3A : i32 to vector<16xi32>
      %swap3A = arith.constant 0 : index
      %swap3A_17 = tpu.vector_load %arg7[%swap3A] {strides = array<i32>} : memref<784xi32, #tpu.memory_space<vmem>>, vector<16xi32>,
      tpu.vector_store %arg7[%swap3A], %broadcast_in_dim3A_16 {strides = array<i32>} : memref<784xi32, #tpu.memory_space<vmem>>, vector<16xi32>,
      %swap3A_18 = arith.constant 16 : index
      %swap3A_19 = tpu.vector_load %arg7[%swap3A_18] {strides = array<i32>} : memref<784xi32, #tpu.memory_space<vmem>>, vector<16xi32>,
      tpu.vector_store %arg7[%swap3A_18], %broadcast_in_dim3A_16 {strides = array<i32>} : memref<784xi32, #tpu.memory_space<vmem>>, vector<16xi32>,
      %swap3A_20 = arith.constant 32 : index
      %swap3A_21 = tpu.vector_load %arg7[%swap3A_20] {strides = array<i32>} : memref<784xi32, #tpu.memory_space<vmem>>, vector<16xi32>,
      tpu.vector_store %arg7[%swap3A_20], %broadcast_in_dim3A_16 {strides = array<i32>} : memref<784xi32, #tpu.memory_space<vmem>>, vector<16xi32>,
      %swap3A_22 = arith.constant 48 : index
      %swap3A_23 = tpu.vector_load %arg7[%swap3A_22] {strides = array<i32>} : memref<784xi32, #tpu.memory_space<vmem>>, vector<16xi32>,
      tpu.vector_store %arg7[%swap3A_22], %broadcast_in_dim3A_16 {strides = array<i32>} : memref<784xi32, #tpu.memory_space<vmem>>, vector<16xi32>,
      %swap3A_24 = arith.constant 64 : index
      %swap3A_25 = tpu.vector_load %arg7[%swap3A_24] {strides = array<i32>} : memref<784xi32, #tpu.memory_space<vmem>>, vector<16xi32>,
      tpu.vector_store %arg7[%swap3A_24], %broadcast_in_dim3A_16 {strides = array<i32>} : memref<784xi32, #tpu.memory_space<vmem>>, vector<16xi32>,
      %swap3A_26 = arith.constant 80 : index
      %swap3A_27 = tpu.vector_load %arg7[%swap3A_26] {strides = array<i32>} : memref<784xi32, #tpu.memory_space<vmem>>, vector<16xi32>,
      tpu.vector_store %arg7[%swap3A_26], %broadcast_in_dim3A_16 {strides = array<i32>} : memref<784xi32, #tpu.memory_space<vmem>>, vector<16xi32>,
      %swap3A_28 = arith.constant 96 : index
      %swap3A_29 = tpu.vector_load %arg7[%swap3A_28] {strides = array<i32>} : memref<784xi32, #tpu.memory_space<vmem>>, vector<16xi32>,
      tpu.vector_store %arg7[%swap3A_28], %broadcast_in_dim3A_16 {strides = array<i32>} : memref<784xi32, #tpu.memory_space<vmem>>, vector<16xi32>,
      %swap3A_30 = arith.constant 112 : index
      %swap3A_31 = tpu.vector_load %arg7[%swap3A_30] {strides = array<i32>} : memref<784xi32, #tpu.memory_space<vmem>>, vector<16xi32>,
      tpu.vector_store %arg7[%swap3A_30], %broadcast_in_dim3A_16 {strides = array<i32>} : memref<784xi32, #tpu.memory_space<vmem>>, vector<16xi32>,
      %swap3A_32 = arith.constant 128 : index
      %swap3A_33 = tpu.vector_load %arg7[%swap3A_32] {strides = array<i32>} : memref<784xi32, #tpu.memory_space<vmem>>, vector<16xi32>,
      tpu.vector_store %arg7[%swap3A_32], %broadcast_in_dim3A_16 {strides = array<i32>} : memref<784xi32, #tpu.memory_space<vmem>>, vector<16xi32>,
      %swap3A_34 = arith.constant 144 : index
      %swap3A_35 = tpu.vector_load %arg7[%swap3A_34] {strides = array<i32>} : memref<784xi32, #tpu.memory_space<vmem>>, vector<16xi32>,
      tpu.vector_store %arg7[%swap3A_34], %broadcast_in_dim3A_16 {strides = array<i32>} : memref<784xi32, #tpu.memory_space<vmem>>, vector<16xi32>,
      %swap3A_36 = arith.constant 160 : index
      %swap3A_37 = tpu.vector_load %arg7[%swap3A_36] {strides = array<i32>} : memref<784xi32, #tpu.memory_space<vmem>>, vector<16xi32>,
      tpu.vector_store %arg7[%swap3A_36], %broadcast_in_dim3A_16 {strides = array<i32>} : memref<784xi32, #tpu.memory_space<vmem>>, vector<16xi32>,
      %swap3A_38 = arith.constant 176 : index
      %swap3A_39 = tpu.vector_load %arg7[%swap3A_38] {strides = array<i32>} : memref<784xi32, #tpu.memory_space<vmem>>, vector<16xi32>,
      tpu.vector_store %arg7[%swap3A_38], %broadcast_in_dim3A_16 {strides = array<i32>} : memref<784xi32, #tpu.memory_space<vmem>>, vector<16xi32>,
      %swap3A_40 = arith.constant 192 : index
      %swap3A_41 = tpu.vector_load %arg7[%swap3A_40] {strides = array<i32>} : memref<784xi32, #tpu.memory_space<vmem>>, vector<16xi32>,
      tpu.vector_store %arg7[%swap3A_40], %broadcast_in_dim3A_16 {strides = array<i32>} : memref<784xi32, #tpu.memory_space<vmem>>, vector<16xi32>,
      %swap3A_42 = arith.constant 208 : index
      %swap3A_43 = tpu.vector_load %arg7[%swap3A_42] {strides = array<i32>} : memref<784xi32, #tpu.memory_space<vmem>>, vector<16xi32>,
      tpu.vector_store %arg7[%swap3A_42], %broadcast_in_dim3A_16 {strides = array<i32>} : memref<784xi32, #tpu.memory_space<vmem>>, vector<16xi32>,
      %swap3A_44 = arith.constant 224 : index
      %swap3A_45 = tpu.vector_load %arg7[%swap3A_44] {strides = array<i32>} : memref<784xi32, #tpu.memory_space<vmem>>, vector<16xi32>,
      tpu.vector_store %arg7[%swap3A_44], %broadcast_in_dim3A_16 {strides = array<i32>} : memref<784xi32, #tpu.memory_space<vmem>>, vector<16xi32>,
      %swap3A_46 = arith.constant 240 : index
      %swap3A_47 = tpu.vector_load %arg7[%swap3A_46] {strides = array<i32>} : memref<784xi32, #tpu.memory_space<vmem>>, vector<16xi32>,
      tpu.vector_store %arg7[%swap3A_46], %broadcast_in_dim3A_16 {strides = array<i32>} : memref<784xi32, #tpu.memory_space<vmem>>, vector<16xi32>,
      %swap3A_48 = arith.constant 256 : index
      %swap3A_49 = tpu.vector_load %arg7[%swap3A_48] {strides = array<i32>} : memref<784xi32, #tpu.memory_space<vmem>>, vector<16xi32>,
      tpu.vector_store %arg7[%swap3A_48], %broadcast_in_dim3A_16 {strides = array<i32>} : memref<784xi32, #tpu.memory_space<vmem>>, vector<16xi32>,
      %swap3A_50 = arith.constant 272 : index
      %swap3A_51 = tpu.vector_load %arg7[%swap3A_50] {strides = array<i32>} : memref<784xi32, #tpu.memory_space<vmem>>, vector<16xi32>,
      tpu.vector_store %arg7[%swap3A_50], %broadcast_in_dim3A_16 {strides = array<i32>} : memref<784xi32, #tpu.memory_space<vmem>>, vector<16xi32>,
      %swap3A_52 = arith.constant 288 : index
      %swap3A_53 = tpu.vector_load %arg7[%swap3A_52] {strides = array<i32>} : memref<784xi32, #tpu.memory_space<vmem>>, vector<16xi32>,
      tpu.vector_store %arg7[%swap3A_52], %broadcast_in_dim3A_16 {strides = array<i32>} : memref<784xi32, #tpu.memory_space<vmem>>, vector<16xi32>,
      %swap3A_54 = arith.constant 304 : index
      %swap3A_55 = tpu.vector_load %arg7[%swap3A_54] {strides = array<i32>} : memref<784xi32, #tpu.memory_space<vmem>>, vector<16xi32>,
      tpu.vector_store %arg7[%swap3A_54], %broadcast_in_dim3A_16 {strides = array<i32>} : memref<784xi32, #tpu.memory_space<vmem>>, vector<16xi32>,
      %swap3A_56 = arith.constant 320 : index
      %swap3A_57 = tpu.vector_load %arg7[%swap3A_56] {strides = array<i32>} : memref<784xi32, #tpu.memory_space<vmem>>, vector<16xi32>,
      tpu.vector_store %arg7[%swap3A_56], %broadcast_in_dim3A_16 {strides = array<i32>} : memref<784xi32, #tpu.memory_space<vmem>>, vector<16xi32>,
      %swap3A_58 = arith.constant 336 : index
      %swap3A_59 = tpu.vector_load %arg7[%swap3A_58] {strides = array<i32>} : memref<784xi32, #tpu.memory_space<vmem>>, vector<16xi32>,
      tpu.vector_store %arg7[%swap3A_58], %broadcast_in_dim3A_16 {strides = array<i32>} : memref<784xi32, #tpu.memory_space<vmem>>, vector<16xi32>,
      %swap3A_60 = arith.constant 352 : index
      %swap3A_61 = tpu.vector_load %arg7[%swap3A_60] {strides = array<i32>} : memref<784xi32, #tpu.memory_space<vmem>>, vector<16xi32>,
      tpu.vector_store %arg7[%swap3A_60], %broadcast_in_dim3A_16 {strides = array<i32>} : memref<784xi32, #tpu.memory_space<vmem>>, vector<16xi32>,
      %swap3A_62 = arith.constant 368 : index
      %swap3A_63 = tpu.vector_load %arg7[%swap3A_62] {strides = array<i32>} : memref<784xi32, #tpu.memory_space<vmem>>, vector<16xi32>,
      tpu.vector_store %arg7[%swap3A_62], %broadcast_in_dim3A_16 {strides = array<i32>} : memref<784xi32, #tpu.memory_space<vmem>>, vector<16xi32>,
      %swap3A_64 = arith.constant 384 : index
      %swap3A_65 = tpu.vector_load %arg7[%swap3A_64] {strides = array<i32>} : memref<784xi32, #tpu.memory_space<vmem>>, vector<16xi32>,
      tpu.vector_store %arg7[%swap3A_64], %broadcast_in_dim3A_16 {strides = array<i32>} : memref<784xi32, #tpu.memory_space<vmem>>, vector<16xi32>,
      %swap3A_66 = arith.constant 400 : index
      %swap3A_67 = tpu.vector_load %arg7[%swap3A_66] {strides = array<i32>} : memref<784xi32, #tpu.memory_space<vmem>>, vector<16xi32>,
      tpu.vector_store %arg7[%swap3A_66], %broadcast_in_dim3A_16 {strides = array<i32>} : memref<784xi32, #tpu.memory_space<vmem>>, vector<16xi32>,
      %swap3A_68 = arith.constant 416 : index
      %swap3A_69 = tpu.vector_load %arg7[%swap3A_68] {strides = array<i32>} : memref<784xi32, #tpu.memory_space<vmem>>, vector<16xi32>,
      tpu.vector_store %arg7[%swap3A_68], %broadcast_in_dim3A_16 {strides = array<i32>} : memref<784xi32, #tpu.memory_space<vmem>>, vector<16xi32>,
      %swap3A_70 = arith.constant 432 : index
      %swap3A_71 = tpu.vector_load %arg7[%swap3A_70] {strides = array<i32>} : memref<784xi32, #tpu.memory_space<vmem>>, vector<16xi32>,
      tpu.vector_store %arg7[%swap3A_70], %broadcast_in_dim3A_16 {strides = array<i32>} : memref<784xi32, #tpu.memory_space<vmem>>, vector<16xi32>,
      %swap3A_72 = arith.constant 448 : index
      %swap3A_73 = tpu.vector_load %arg7[%swap3A_72] {strides = array<i32>} : memref<784xi32, #tpu.memory_space<vmem>>, vector<16xi32>,
      tpu.vector_store %arg7[%swap3A_72], %broadcast_in_dim3A_16 {strides = array<i32>} : memref<784xi32, #tpu.memory_space<vmem>>, vector<16xi32>,
      %swap3A_74 = arith.constant 464 : index
      %swap3A_75 = tpu.vector_load %arg7[%swap3A_74] {strides = array<i32>} : memref<784xi32, #tpu.memory_space<vmem>>, vector<16xi32>,
      tpu.vector_store %arg7[%swap3A_74], %broadcast_in_dim3A_16 {strides = array<i32>} : memref<784xi32, #tpu.memory_space<vmem>>, vector<16xi32>,
      %swap3A_76 = arith.constant 480 : index
      %swap3A_77 = tpu.vector_load %arg7[%swap3A_76] {strides = array<i32>} : memref<784xi32, #tpu.memory_space<vmem>>, vector<16xi32>,
      tpu.vector_store %arg7[%swap3A_76], %broadcast_in_dim3A_16 {strides = array<i32>} : memref<784xi32, #tpu.memory_space<vmem>>, vector<16xi32>,
      %swap3A_78 = arith.constant 496 : index
      %swap3A_79 = tpu.vector_load %arg7[%swap3A_78] {strides = array<i32>} : memref<784xi32, #tpu.memory_space<vmem>>, vector<16xi32>,
      tpu.vector_store %arg7[%swap3A_78], %broadcast_in_dim3A_16 {strides = array<i32>} : memref<784xi32, #tpu.memory_space<vmem>>, vector<16xi32>,
      %swap3A_80 = arith.constant 512 : index
      %swap3A_81 = tpu.vector_load %arg7[%swap3A_80] {strides = array<i32>} : memref<784xi32, #tpu.memory_space<vmem>>, vector<16xi32>,
      tpu.vector_store %arg7[%swap3A_80], %broadcast_in_dim3A_16 {strides = array<i32>} : memref<784xi32, #tpu.memory_space<vmem>>, vector<16xi32>,
      %swap3A_82 = arith.constant 528 : index
      %swap3A_83 = tpu.vector_load %arg7[%swap3A_82] {strides = array<i32>} : memref<784xi32, #tpu.memory_space<vmem>>, vector<16xi32>,
      tpu.vector_store %arg7[%swap3A_82], %broadcast_in_dim3A_16 {strides = array<i32>} : memref<784xi32, #tpu.memory_space<vmem>>, vector<16xi32>,
      %swap3A_84 = arith.constant 544 : index
      %swap3A_85 = tpu.vector_load %arg7[%swap3A_84] {strides = array<i32>} : memref<784xi32, #tpu.memory_space<vmem>>, vector<16xi32>,
      tpu.vector_store %arg7[%swap3A_84], %broadcast_in_dim3A_16 {strides = array<i32>} : memref<784xi32, #tpu.memory_space<vmem>>, vector<16xi32>,
      %swap3A_86 = arith.constant 560 : index
      %swap3A_87 = tpu.vector_load %arg7[%swap3A_86] {strides = array<i32>} : memref<784xi32, #tpu.memory_space<vmem>>, vector<16xi32>,
      tpu.vector_store %arg7[%swap3A_86], %broadcast_in_dim3A_16 {strides = array<i32>} : memref<784xi32, #tpu.memory_space<vmem>>, vector<16xi32>,
      %swap3A_88 = arith.constant 576 : index
      %swap3A_89 = tpu.vector_load %arg7[%swap3A_88] {strides = array<i32>} : memref<784xi32, #tpu.memory_space<vmem>>, vector<16xi32>,
      tpu.vector_store %arg7[%swap3A_88], %broadcast_in_dim3A_16 {strides = array<i32>} : memref<784xi32, #tpu.memory_space<vmem>>, vector<16xi32>,
      %swap3A_90 = arith.constant 592 : index
      %swap3A_91 = tpu.vector_load %arg7[%swap3A_90] {strides = array<i32>} : memref<784xi32, #tpu.memory_space<vmem>>, vector<16xi32>,
      tpu.vector_store %arg7[%swap3A_90], %broadcast_in_dim3A_16 {strides = array<i32>} : memref<784xi32, #tpu.memory_space<vmem>>, vector<16xi32>,
      %swap3A_92 = arith.constant 608 : index
      %swap3A_93 = tpu.vector_load %arg7[%swap3A_92] {strides = array<i32>} : memref<784xi32, #tpu.memory_space<vmem>>, vector<16xi32>,
      tpu.vector_store %arg7[%swap3A_92], %broadcast_in_dim3A_16 {strides = array<i32>} : memref<784xi32, #tpu.memory_space<vmem>>, vector<16xi32>,
      %swap3A_94 = arith.constant 624 : index
      %swap3A_95 = tpu.vector_load %arg7[%swap3A_94] {strides = array<i32>} : memref<784xi32, #tpu.memory_space<vmem>>, vector<16xi32>,
      tpu.vector_store %arg7[%swap3A_94], %broadcast_in_dim3A_16 {strides = array<i32>} : memref<784xi32, #tpu.memory_space<vmem>>, vector<16xi32>,
      %swap3A_96 = arith.constant 640 : index
      %swap3A_97 = tpu.vector_load %arg7[%swap3A_96] {strides = array<i32>} : memref<784xi32, #tpu.memory_space<vmem>>, vector<16xi32>,
      tpu.vector_store %arg7[%swap3A_96], %broadcast_in_dim3A_16 {strides = array<i32>} : memref<784xi32, #tpu.memory_space<vmem>>, vector<16xi32>,
      %swap3A_98 = arith.constant 656 : index
      %swap3A_99 = tpu.vector_load %arg7[%swap3A_98] {strides = array<i32>} : memref<784xi32, #tpu.memory_space<vmem>>, vector<16xi32>,
      tpu.vector_store %arg7[%swap3A_98], %broadcast_in_dim3A_16 {strides = array<i32>} : memref<784xi32, #tpu.memory_space<vmem>>, vector<16xi32>,
      %swap3A_100 = arith.constant 672 : index
      %swap3A_101 = tpu.vector_load %arg7[%swap3A_100] {strides = array<i32>} : memref<784xi32, #tpu.memory_space<vmem>>, vector<16xi32>,
      tpu.vector_store %arg7[%swap3A_100], %broadcast_in_dim3A_16 {strides = array<i32>} : memref<784xi32, #tpu.memory_space<vmem>>, vector<16xi32>,
      %swap3A_102 = arith.constant 688 : index
      %swap3A_103 = tpu.vector_load %arg7[%swap3A_102] {strides = array<i32>} : memref<784xi32, #tpu.memory_space<vmem>>, vector<16xi32>,
      tpu.vector_store %arg7[%swap3A_102], %broadcast_in_dim3A_16 {strides = array<i32>} : memref<784xi32, #tpu.memory_space<vmem>>, vector<16xi32>,
      %swap3A_104 = arith.constant 704 : index
      %swap3A_105 = tpu.vector_load %arg7[%swap3A_104] {strides = array<i32>} : memref<784xi32, #tpu.memory_space<vmem>>, vector<16xi32>,
      tpu.vector_store %arg7[%swap3A_104], %broadcast_in_dim3A_16 {strides = array<i32>} : memref<784xi32, #tpu.memory_space<vmem>>, vector<16xi32>,
      %swap3A_106 = arith.constant 720 : index
      %swap3A_107 = tpu.vector_load %arg7[%swap3A_106] {strides = array<i32>} : memref<784xi32, #tpu.memory_space<vmem>>, vector<16xi32>,
      tpu.vector_store %arg7[%swap3A_106], %broadcast_in_dim3A_16 {strides = array<i32>} : memref<784xi32, #tpu.memory_space<vmem>>, vector<16xi32>,
      %swap3A_108 = arith.constant 736 : index
      %swap3A_109 = tpu.vector_load %arg7[%swap3A_108] {strides = array<i32>} : memref<784xi32, #tpu.memory_space<vmem>>, vector<16xi32>,
      tpu.vector_store %arg7[%swap3A_108], %broadcast_in_dim3A_16 {strides = array<i32>} : memref<784xi32, #tpu.memory_space<vmem>>, vector<16xi32>,
      %swap3A_110 = arith.constant 752 : index
      %swap3A_111 = tpu.vector_load %arg7[%swap3A_110] {strides = array<i32>} : memref<784xi32, #tpu.memory_space<vmem>>, vector<16xi32>,
      tpu.vector_store %arg7[%swap3A_110], %broadcast_in_dim3A_16 {strides = array<i32>} : memref<784xi32, #tpu.memory_space<vmem>>, vector<16xi32>,
      %swap3A_112 = arith.constant 768 : index
      %swap3A_113 = tpu.vector_load %arg7[%swap3A_112] {strides = array<i32>} : memref<784xi32, #tpu.memory_space<vmem>>, vector<16xi32>,
      tpu.vector_store %arg7[%swap3A_112], %broadcast_in_dim3A_16 {strides = array<i32>} : memref<784xi32, #tpu.memory_space<vmem>>, vector<16xi32>,
      %iota3A = tpu.iota {dimensions = array<i32: 0>} : vector<16xi32>
      %while3A = arith.constant 768 : i32
      %while3A_114 = arith.constant 0 : i32
      %while3A_115 = arith.constant 0 : i32
      %while3A_116:2 = scf.while (%while3A_117 = %while3A_114, %while3A_118 = %while3A_115) : (i32, i32) -> (i32, i32) {
        %lt3A_119 = arith.constant 112 : i32
        %lt3A_120 = arith.cmpi slt, %while3A_117, %lt3A_119 : i32
        %lt3A_121 = arith.constant 768 : i32
        %lt3A_122 = arith.cmpi slt, %while3A_118, %lt3A_121 : i32
        %and3A = arith.andi %lt3A_120, %lt3A_122 : i1
        scf.condition(%and3A) %while3A_117, %while3A_118 : i32, i32
      } do {
      ^bb0(%while3A_117: i32, %while3A_118: i32):
        %jit3A = arith.constant 28 : i32
        %div3A = arith.divsi %while3A_117, %jit3A : i32
        %sign3A = arith.constant 0 : i32
        %sign3A_119 = arith.cmpi sgt, %while3A_117, %sign3A : i32
        %sign3A_120 = arith.extui %sign3A_119 : i1 to i32
        %sign3A_121 = arith.constant 0 : i32
        %sign3A_122 = arith.cmpi slt, %while3A_117, %sign3A_121 : i32
        %sign3A_123 = arith.extui %sign3A_122 : i1 to i32
        %sign3A_124 = arith.subi %sign3A_120, %sign3A_123 : i32
        %sign3A_125 = arith.constant 0 : i32
        %sign3A_126 = arith.cmpi sgt, %jit3A, %sign3A_125 : i32
        %sign3A_127 = arith.extui %sign3A_126 : i1 to i32
        %sign3A_128 = arith.constant 0 : i32
        %sign3A_129 = arith.cmpi slt, %jit3A, %sign3A_128 : i32
        %sign3A_130 = arith.extui %sign3A_129 : i1 to i32
        %sign3A_131 = arith.subi %sign3A_127, %sign3A_130 : i32
        %ne3A = arith.cmpi ne, %sign3A_124, %sign3A_131 : i32
        %rem3A = arith.remsi %while3A_117, %jit3A : i32
        %ne3A_132 = arith.constant 0 : i32
        %ne3A_133 = arith.cmpi ne, %rem3A, %ne3A_132 : i32
        %and3A = arith.andi %ne3A, %ne3A_133 : i1
        %sub3A = arith.constant 1 : i32
        %sub3A_134 = arith.subi %div3A, %sub3A : i32
        %select_n3A = arith.select %and3A, %sub3A_134, %div3A : i32
        %jit3A_135 = arith.constant 2 : i32
        %eq3A_136 = arith.constant 0 : i32
        %eq3A_137 = arith.cmpi eq, %jit3A_135, %eq3A_136 : i32
        %jit3A_138 = arith.constant 1 : i32
        %select_n3A_139 = arith.select %eq3A_137, %jit3A_138, %jit3A_135 : i32
        %rem3A_140 = arith.remsi %select_n3A, %select_n3A_139 : i32
        %ne3A_141 = arith.constant 0 : i32
        %ne3A_142 = arith.cmpi ne, %rem3A_140, %ne3A_141 : i32
        %lt3A_143 = arith.constant 0 : i32
        %lt3A_144 = arith.cmpi slt, %rem3A_140, %lt3A_143 : i32
        %lt3A_145 = arith.constant 0 : i32
        %lt3A_146 = arith.cmpi slt, %select_n3A_139, %lt3A_145 : i32
        %ne3A_147 = arith.xori %lt3A_144, %lt3A_146 : i1
        %and3A_148 = arith.andi %ne3A_147, %ne3A_142 : i1
        %add3A = arith.addi %rem3A_140, %select_n3A_139 : i32
        %select_n3A_149 = arith.select %and3A_148, %add3A, %rem3A_140 : i32
        %jit3A_150 = arith.constant 2 : i32
        %div3A_151 = arith.divsi %select_n3A, %jit3A_150 : i32
        %sign3A_152 = arith.constant 0 : i32
        %sign3A_153 = arith.cmpi sgt, %select_n3A, %sign3A_152 : i32
        %sign3A_154 = arith.extui %sign3A_153 : i1 to i32
        %sign3A_155 = arith.constant 0 : i32
        %sign3A_156 = arith.cmpi slt, %select_n3A, %sign3A_155 : i32
        %sign3A_157 = arith.extui %sign3A_156 : i1 to i32
        %sign3A_158 = arith.subi %sign3A_154, %sign3A_157 : i32
        %sign3A_159 = arith.constant 0 : i32
        %sign3A_160 = arith.cmpi sgt, %jit3A_150, %sign3A_159 : i32
        %sign3A_161 = arith.extui %sign3A_160 : i1 to i32
        %sign3A_162 = arith.constant 0 : i32
        %sign3A_163 = arith.cmpi slt, %jit3A_150, %sign3A_162 : i32
        %sign3A_164 = arith.extui %sign3A_163 : i1 to i32
        %sign3A_165 = arith.subi %sign3A_161, %sign3A_164 : i32
        %ne3A_166 = arith.cmpi ne, %sign3A_158, %sign3A_165 : i32
        %rem3A_167 = arith.remsi %select_n3A, %jit3A_150 : i32
        %ne3A_168 = arith.constant 0 : i32
        %ne3A_169 = arith.cmpi ne, %rem3A_167, %ne3A_168 : i32
        %and3A_170 = arith.andi %ne3A_166, %ne3A_169 : i1
        %sub3A_171 = arith.constant 1 : i32
        %sub3A_172 = arith.subi %div3A_151, %sub3A_171 : i32
        %select_n3A_173 = arith.select %and3A_170, %sub3A_172, %div3A_151 : i32
        %jit3A_174 = arith.constant 28 : i32
        %eq3A_175 = arith.constant 0 : i32
        %eq3A_176 = arith.cmpi eq, %jit3A_174, %eq3A_175 : i32
        %jit3A_177 = arith.constant 1 : i32
        %select_n3A_178 = arith.select %eq3A_176, %jit3A_177, %jit3A_174 : i32
        %rem3A_179 = arith.remsi %while3A_117, %select_n3A_178 : i32
        %ne3A_180 = arith.constant 0 : i32
        %ne3A_181 = arith.cmpi ne, %rem3A_179, %ne3A_180 : i32
        %lt3A_182 = arith.constant 0 : i32
        %lt3A_183 = arith.cmpi slt, %rem3A_179, %lt3A_182 : i32
        %lt3A_184 = arith.constant 0 : i32
        %lt3A_185 = arith.cmpi slt, %select_n3A_178, %lt3A_184 : i32
        %ne3A_186 = arith.xori %lt3A_183, %lt3A_185 : i1
        %and3A_187 = arith.andi %ne3A_186, %ne3A_181 : i1
        %add3A_188 = arith.addi %rem3A_179, %select_n3A_178 : i32
        %select_n3A_189 = arith.select %and3A_187, %add3A_188, %rem3A_179 : i32
        %mul3A = arith.constant 8 : i32
        %mul3A_190 = arith.muli %select_n3A_189, %mul3A : i32
        "tpu.region"() ({
          %run_scoped3A = tpu.sem_alloc : memref<!tpu.dma_semaphore, #tpu.memory_space<semaphore_mem>>
          %dma_start3A = arith.constant 0 : i32
          %dma_start3A_195 = tpu.memref_slice %arg2[%select_n3A_149, %select_n3A_173, %mul3A_190, %dma_start3A] : memref<2x2x224x224xf32, #tpu.memory_space<hbm>> -> memref<1x1x8x224xf32, #tpu.memory_space<hbm>>
          %dma_start3A_196 = tpu.memref_squeeze %dma_start3A_195 : memref<1x1x8x224xf32, #tpu.memory_space<hbm>> -> memref<8x224xf32, #tpu.memory_space<hbm>>
          %dma_start3A_197 = arith.constant 0 : i32
          %dma_start3A_198 = tpu.memref_slice %arg2[%select_n3A_149, %select_n3A_173, %mul3A_190, %dma_start3A_197] : memref<2x2x224x224xf32, #tpu.memory_space<hbm>> -> memref<1x1x8x224xf32, #tpu.memory_space<hbm>>
          %dma_start3A_199 = tpu.memref_squeeze %dma_start3A_198 : memref<1x1x8x224xf32, #tpu.memory_space<hbm>> -> memref<8x224xf32, #tpu.memory_space<hbm>>
          tpu.enqueue_dma source(%dma_start3A_199 : memref<8x224xf32, #tpu.memory_space<hbm>>) target(%arg5 : memref<8x224xf32, #tpu.memory_space<vmem>>) target_semaphore(%run_scoped3A : memref<!tpu.dma_semaphore, #tpu.memory_space<semaphore_mem>>)
          %dma_wait3A = arith.constant 0 : i32
          %dma_wait3A_200 = tpu.memref_slice %arg2[%select_n3A_149, %select_n3A_173, %mul3A_190, %dma_wait3A] : memref<2x2x224x224xf32, #tpu.memory_space<hbm>> -> memref<1x1x8x224xf32, #tpu.memory_space<hbm>>
          %dma_wait3A_201 = tpu.memref_squeeze %dma_wait3A_200 : memref<1x1x8x224xf32, #tpu.memory_space<hbm>> -> memref<8x224xf32, #tpu.memory_space<hbm>>
          %dma_wait3A_202 = arith.constant 0 : i32
          %dma_wait3A_203 = tpu.memref_slice %arg2[%select_n3A_149, %select_n3A_173, %mul3A_190, %dma_wait3A_202] : memref<2x2x224x224xf32, #tpu.memory_space<hbm>> -> memref<1x1x8x224xf32, #tpu.memory_space<hbm>>
          %dma_wait3A_204 = tpu.memref_squeeze %dma_wait3A_203 : memref<1x1x8x224xf32, #tpu.memory_space<hbm>> -> memref<8x224xf32, #tpu.memory_space<hbm>>
          tpu.wait_dma2 semaphore(%run_scoped3A : memref<!tpu.dma_semaphore, #tpu.memory_space<semaphore_mem>>) src(%dma_wait3A_204 : memref<8x224xf32, #tpu.memory_space<hbm>>) dst(%arg5 : memref<8x224xf32, #tpu.memory_space<vmem>>)
          tpu.yield
        }) : () -> ()
        %while3A_191 = arith.constant 0 : i32
        %while3A_192:2 = scf.while (%while3A_195 = %while3A_191, %while3A_196 = %while3A_118) : (i32, i32) -> (i32, i32) {
          %lt3A_197 = arith.constant 8 : i32
          %lt3A_198 = arith.cmpi slt, %while3A_195, %lt3A_197 : i32
          %lt3A_199 = arith.constant 768 : i32
          %lt3A_200 = arith.cmpi slt, %while3A_196, %lt3A_199 : i32
          %and3A_201 = arith.andi %lt3A_198, %lt3A_200 : i1
          scf.condition(%and3A_201) %while3A_195, %while3A_196 : i32, i32
        } do {
        ^bb0(%while3A_195: i32, %while3A_196: i32):
          %get3A = arith.index_cast %while3A_195 : i32 to index
          %get3A_197 = arith.constant 0 : index
          %get3A_198 = tpu.vector_load %arg5[%get3A, %get3A_197] {strides = array<i32>} : memref<8x224xf32, #tpu.memory_space<vmem>>, vector<16xf32>,
          %shift_left3A = arith.constant 11 : i32
          %shift_left3A_199 = arith.shli %while3A_117, %shift_left3A : i32
          %shift_left3A_200 = arith.constant 8 : i32
          %shift_left3A_201 = arith.shli %while3A_195, %shift_left3A_200 : i32
          %or3A = arith.ori %shift_left3A_199, %shift_left3A_201 : i32
          %or3A_202 = arith.constant 0 : i32
          %or3A_203 = arith.ori %or3A, %or3A_202 : i32
          %add3A_204 = vector.broadcast %or3A_203 : i32 to vector<16xi32>
          %add3A_205 = arith.addi %add3A_204, %iota3A : vector<16xi32>
          %sub3A_206 = arith.constant 1.000000e+00 : f32
          %sub3A_207 = vector.broadcast %sub3A_206 : f32 to vector<16xf32>
          %sub3A_208 = arith.subf %sub3A_207, %get3A_198 : vector<16xf32>
          %gt3A = arith.constant 0.000000e+00 : f32
          %gt3A_209 = vector.broadcast %gt3A : f32 to vector<16xf32>
          %gt3A_210 = arith.cmpf ogt, %sub3A_208, %gt3A_209 : vector<16xf32>
          %all_reduce_population_count3A = tpu.all_reduce %gt3A_210 {dim = 0 : i64, kind = #tpu.reduction_kind<sum>} : vector<16xi1> -> vector<16xi32>
          %slice3A = vector.extract_strided_slice %all_reduce_population_count3A {offsets = [0], sizes = [1], strides = [1]} : vector<16xi32> to vector<1xi32>
          %squeeze3A = vector.extract %slice3A[0] : i32 from vector<1xi32>
          %min3A = arith.minsi %while3A_196, %while3A : i32
          %swap3A_211 = arith.index_cast %min3A : i32 to index
          %swap3A_212 = tpu.vector_load %arg7[%swap3A_211] masked %gt3A_210 {strides = array<i32>} : memref<784xi32, #tpu.memory_space<vmem>>, vector<16xi32>, vector<16xi1>
          tpu.vector_store %arg7[%swap3A_211], %add3A_205 masked %gt3A_210 {strides = array<i32>} : memref<784xi32, #tpu.memory_space<vmem>>, vector<16xi32>, vector<16xi1>
          %add3A_213 = arith.addi %while3A_196, %squeeze3A : i32
          %get3A_214 = arith.index_cast %while3A_195 : i32 to index
          %get3A_215 = arith.constant 16 : index
          %get3A_216 = tpu.vector_load %arg5[%get3A_214, %get3A_215] {strides = array<i32>} : memref<8x224xf32, #tpu.memory_space<vmem>>, vector<16xf32>,
          %shift_left3A_217 = arith.constant 11 : i32
          %shift_left3A_218 = arith.shli %while3A_117, %shift_left3A_217 : i32
          %shift_left3A_219 = arith.constant 8 : i32
          %shift_left3A_220 = arith.shli %while3A_195, %shift_left3A_219 : i32
          %or3A_221 = arith.ori %shift_left3A_218, %shift_left3A_220 : i32
          %or3A_222 = arith.constant 16 : i32
          %or3A_223 = arith.ori %or3A_221, %or3A_222 : i32
          %add3A_224 = vector.broadcast %or3A_223 : i32 to vector<16xi32>
          %add3A_225 = arith.addi %add3A_224, %iota3A : vector<16xi32>
          %sub3A_226 = arith.constant 1.000000e+00 : f32
          %sub3A_227 = vector.broadcast %sub3A_226 : f32 to vector<16xf32>
          %sub3A_228 = arith.subf %sub3A_227, %get3A_216 : vector<16xf32>
          %gt3A_229 = arith.constant 0.000000e+00 : f32
          %gt3A_230 = vector.broadcast %gt3A_229 : f32 to vector<16xf32>
          %gt3A_231 = arith.cmpf ogt, %sub3A_228, %gt3A_230 : vector<16xf32>
          %all_reduce_population_count3A_232 = tpu.all_reduce %gt3A_231 {dim = 0 : i64, kind = #tpu.reduction_kind<sum>} : vector<16xi1> -> vector<16xi32>
          %slice3A_233 = vector.extract_strided_slice %all_reduce_population_count3A_232 {offsets = [0], sizes = [1], strides = [1]} : vector<16xi32> to vector<1xi32>
          %squeeze3A_234 = vector.extract %slice3A_233[0] : i32 from vector<1xi32>
          %min3A_235 = arith.minsi %add3A_213, %while3A : i32
          %swap3A_236 = arith.index_cast %min3A_235 : i32 to index
          %swap3A_237 = tpu.vector_load %arg7[%swap3A_236] masked %gt3A_231 {strides = array<i32>} : memref<784xi32, #tpu.memory_space<vmem>>, vector<16xi32>, vector<16xi1>
          tpu.vector_store %arg7[%swap3A_236], %add3A_225 masked %gt3A_231 {strides = array<i32>} : memref<784xi32, #tpu.memory_space<vmem>>, vector<16xi32>, vector<16xi1>
          %add3A_238 = arith.addi %add3A_213, %squeeze3A_234 : i32
          %get3A_239 = arith.index_cast %while3A_195 : i32 to index
          %get3A_240 = arith.constant 32 : index
          %get3A_241 = tpu.vector_load %arg5[%get3A_239, %get3A_240] {strides = array<i32>} : memref<8x224xf32, #tpu.memory_space<vmem>>, vector<16xf32>,
          %shift_left3A_242 = arith.constant 11 : i32
          %shift_left3A_243 = arith.shli %while3A_117, %shift_left3A_242 : i32
          %shift_left3A_244 = arith.constant 8 : i32
          %shift_left3A_245 = arith.shli %while3A_195, %shift_left3A_244 : i32
          %or3A_246 = arith.ori %shift_left3A_243, %shift_left3A_245 : i32
          %or3A_247 = arith.constant 32 : i32
          %or3A_248 = arith.ori %or3A_246, %or3A_247 : i32
          %add3A_249 = vector.broadcast %or3A_248 : i32 to vector<16xi32>
          %add3A_250 = arith.addi %add3A_249, %iota3A : vector<16xi32>
          %sub3A_251 = arith.constant 1.000000e+00 : f32
          %sub3A_252 = vector.broadcast %sub3A_251 : f32 to vector<16xf32>
          %sub3A_253 = arith.subf %sub3A_252, %get3A_241 : vector<16xf32>
          %gt3A_254 = arith.constant 0.000000e+00 : f32
          %gt3A_255 = vector.broadcast %gt3A_254 : f32 to vector<16xf32>
          %gt3A_256 = arith.cmpf ogt, %sub3A_253, %gt3A_255 : vector<16xf32>
          %all_reduce_population_count3A_257 = tpu.all_reduce %gt3A_256 {dim = 0 : i64, kind = #tpu.reduction_kind<sum>} : vector<16xi1> -> vector<16xi32>
          %slice3A_258 = vector.extract_strided_slice %all_reduce_population_count3A_257 {offsets = [0], sizes = [1], strides = [1]} : vector<16xi32> to vector<1xi32>
          %squeeze3A_259 = vector.extract %slice3A_258[0] : i32 from vector<1xi32>
          %min3A_260 = arith.minsi %add3A_238, %while3A : i32
          %swap3A_261 = arith.index_cast %min3A_260 : i32 to index
          %swap3A_262 = tpu.vector_load %arg7[%swap3A_261] masked %gt3A_256 {strides = array<i32>} : memref<784xi32, #tpu.memory_space<vmem>>, vector<16xi32>, vector<16xi1>
          tpu.vector_store %arg7[%swap3A_261], %add3A_250 masked %gt3A_256 {strides = array<i32>} : memref<784xi32, #tpu.memory_space<vmem>>, vector<16xi32>, vector<16xi1>
          %add3A_263 = arith.addi %add3A_238, %squeeze3A_259 : i32
          %get3A_264 = arith.index_cast %while3A_195 : i32 to index
          %get3A_265 = arith.constant 48 : index
          %get3A_266 = tpu.vector_load %arg5[%get3A_264, %get3A_265] {strides = array<i32>} : memref<8x224xf32, #tpu.memory_space<vmem>>, vector<16xf32>,
          %shift_left3A_267 = arith.constant 11 : i32
          %shift_left3A_268 = arith.shli %while3A_117, %shift_left3A_267 : i32
          %shift_left3A_269 = arith.constant 8 : i32
          %shift_left3A_270 = arith.shli %while3A_195, %shift_left3A_269 : i32
          %or3A_271 = arith.ori %shift_left3A_268, %shift_left3A_270 : i32
          %or3A_272 = arith.constant 48 : i32
          %or3A_273 = arith.ori %or3A_271, %or3A_272 : i32
          %add3A_274 = vector.broadcast %or3A_273 : i32 to vector<16xi32>
          %add3A_275 = arith.addi %add3A_274, %iota3A : vector<16xi32>
          %sub3A_276 = arith.constant 1.000000e+00 : f32
          %sub3A_277 = vector.broadcast %sub3A_276 : f32 to vector<16xf32>
          %sub3A_278 = arith.subf %sub3A_277, %get3A_266 : vector<16xf32>
          %gt3A_279 = arith.constant 0.000000e+00 : f32
          %gt3A_280 = vector.broadcast %gt3A_279 : f32 to vector<16xf32>
          %gt3A_281 = arith.cmpf ogt, %sub3A_278, %gt3A_280 : vector<16xf32>
          %all_reduce_population_count3A_282 = tpu.all_reduce %gt3A_281 {dim = 0 : i64, kind = #tpu.reduction_kind<sum>} : vector<16xi1> -> vector<16xi32>
          %slice3A_283 = vector.extract_strided_slice %all_reduce_population_count3A_282 {offsets = [0], sizes = [1], strides = [1]} : vector<16xi32> to vector<1xi32>
          %squeeze3A_284 = vector.extract %slice3A_283[0] : i32 from vector<1xi32>
          %min3A_285 = arith.minsi %add3A_263, %while3A : i32
          %swap3A_286 = arith.index_cast %min3A_285 : i32 to index
          %swap3A_287 = tpu.vector_load %arg7[%swap3A_286] masked %gt3A_281 {strides = array<i32>} : memref<784xi32, #tpu.memory_space<vmem>>, vector<16xi32>, vector<16xi1>
          tpu.vector_store %arg7[%swap3A_286], %add3A_275 masked %gt3A_281 {strides = array<i32>} : memref<784xi32, #tpu.memory_space<vmem>>, vector<16xi32>, vector<16xi1>
          %add3A_288 = arith.addi %add3A_263, %squeeze3A_284 : i32
          %get3A_289 = arith.index_cast %while3A_195 : i32 to index
          %get3A_290 = arith.constant 64 : index
          %get3A_291 = tpu.vector_load %arg5[%get3A_289, %get3A_290] {strides = array<i32>} : memref<8x224xf32, #tpu.memory_space<vmem>>, vector<16xf32>,
          %shift_left3A_292 = arith.constant 11 : i32
          %shift_left3A_293 = arith.shli %while3A_117, %shift_left3A_292 : i32
          %shift_left3A_294 = arith.constant 8 : i32
          %shift_left3A_295 = arith.shli %while3A_195, %shift_left3A_294 : i32
          %or3A_296 = arith.ori %shift_left3A_293, %shift_left3A_295 : i32
          %or3A_297 = arith.constant 64 : i32
          %or3A_298 = arith.ori %or3A_296, %or3A_297 : i32
          %add3A_299 = vector.broadcast %or3A_298 : i32 to vector<16xi32>
          %add3A_300 = arith.addi %add3A_299, %iota3A : vector<16xi32>
          %sub3A_301 = arith.constant 1.000000e+00 : f32
          %sub3A_302 = vector.broadcast %sub3A_301 : f32 to vector<16xf32>
          %sub3A_303 = arith.subf %sub3A_302, %get3A_291 : vector<16xf32>
          %gt3A_304 = arith.constant 0.000000e+00 : f32
          %gt3A_305 = vector.broadcast %gt3A_304 : f32 to vector<16xf32>
          %gt3A_306 = arith.cmpf ogt, %sub3A_303, %gt3A_305 : vector<16xf32>
          %all_reduce_population_count3A_307 = tpu.all_reduce %gt3A_306 {dim = 0 : i64, kind = #tpu.reduction_kind<sum>} : vector<16xi1> -> vector<16xi32>
          %slice3A_308 = vector.extract_strided_slice %all_reduce_population_count3A_307 {offsets = [0], sizes = [1], strides = [1]} : vector<16xi32> to vector<1xi32>
          %squeeze3A_309 = vector.extract %slice3A_308[0] : i32 from vector<1xi32>
          %min3A_310 = arith.minsi %add3A_288, %while3A : i32
          %swap3A_311 = arith.index_cast %min3A_310 : i32 to index
          %swap3A_312 = tpu.vector_load %arg7[%swap3A_311] masked %gt3A_306 {strides = array<i32>} : memref<784xi32, #tpu.memory_space<vmem>>, vector<16xi32>, vector<16xi1>
          tpu.vector_store %arg7[%swap3A_311], %add3A_300 masked %gt3A_306 {strides = array<i32>} : memref<784xi32, #tpu.memory_space<vmem>>, vector<16xi32>, vector<16xi1>
          %add3A_313 = arith.addi %add3A_288, %squeeze3A_309 : i32
          %get3A_314 = arith.index_cast %while3A_195 : i32 to index
          %get3A_315 = arith.constant 80 : index
          %get3A_316 = tpu.vector_load %arg5[%get3A_314, %get3A_315] {strides = array<i32>} : memref<8x224xf32, #tpu.memory_space<vmem>>, vector<16xf32>,
          %shift_left3A_317 = arith.constant 11 : i32
          %shift_left3A_318 = arith.shli %while3A_117, %shift_left3A_317 : i32
          %shift_left3A_319 = arith.constant 8 : i32
          %shift_left3A_320 = arith.shli %while3A_195, %shift_left3A_319 : i32
          %or3A_321 = arith.ori %shift_left3A_318, %shift_left3A_320 : i32
          %or3A_322 = arith.constant 80 : i32
          %or3A_323 = arith.ori %or3A_321, %or3A_322 : i32
          %add3A_324 = vector.broadcast %or3A_323 : i32 to vector<16xi32>
          %add3A_325 = arith.addi %add3A_324, %iota3A : vector<16xi32>
          %sub3A_326 = arith.constant 1.000000e+00 : f32
          %sub3A_327 = vector.broadcast %sub3A_326 : f32 to vector<16xf32>
          %sub3A_328 = arith.subf %sub3A_327, %get3A_316 : vector<16xf32>
          %gt3A_329 = arith.constant 0.000000e+00 : f32
          %gt3A_330 = vector.broadcast %gt3A_329 : f32 to vector<16xf32>
          %gt3A_331 = arith.cmpf ogt, %sub3A_328, %gt3A_330 : vector<16xf32>
          %all_reduce_population_count3A_332 = tpu.all_reduce %gt3A_331 {dim = 0 : i64, kind = #tpu.reduction_kind<sum>} : vector<16xi1> -> vector<16xi32>
          %slice3A_333 = vector.extract_strided_slice %all_reduce_population_count3A_332 {offsets = [0], sizes = [1], strides = [1]} : vector<16xi32> to vector<1xi32>
          %squeeze3A_334 = vector.extract %slice3A_333[0] : i32 from vector<1xi32>
          %min3A_335 = arith.minsi %add3A_313, %while3A : i32
          %swap3A_336 = arith.index_cast %min3A_335 : i32 to index
          %swap3A_337 = tpu.vector_load %arg7[%swap3A_336] masked %gt3A_331 {strides = array<i32>} : memref<784xi32, #tpu.memory_space<vmem>>, vector<16xi32>, vector<16xi1>
          tpu.vector_store %arg7[%swap3A_336], %add3A_325 masked %gt3A_331 {strides = array<i32>} : memref<784xi32, #tpu.memory_space<vmem>>, vector<16xi32>, vector<16xi1>
          %add3A_338 = arith.addi %add3A_313, %squeeze3A_334 : i32
          %get3A_339 = arith.index_cast %while3A_195 : i32 to index
          %get3A_340 = arith.constant 96 : index
          %get3A_341 = tpu.vector_load %arg5[%get3A_339, %get3A_340] {strides = array<i32>} : memref<8x224xf32, #tpu.memory_space<vmem>>, vector<16xf32>,
          %shift_left3A_342 = arith.constant 11 : i32
          %shift_left3A_343 = arith.shli %while3A_117, %shift_left3A_342 : i32
          %shift_left3A_344 = arith.constant 8 : i32
          %shift_left3A_345 = arith.shli %while3A_195, %shift_left3A_344 : i32
          %or3A_346 = arith.ori %shift_left3A_343, %shift_left3A_345 : i32
          %or3A_347 = arith.constant 96 : i32
          %or3A_348 = arith.ori %or3A_346, %or3A_347 : i32
          %add3A_349 = vector.broadcast %or3A_348 : i32 to vector<16xi32>
          %add3A_350 = arith.addi %add3A_349, %iota3A : vector<16xi32>
          %sub3A_351 = arith.constant 1.000000e+00 : f32
          %sub3A_352 = vector.broadcast %sub3A_351 : f32 to vector<16xf32>
          %sub3A_353 = arith.subf %sub3A_352, %get3A_341 : vector<16xf32>
          %gt3A_354 = arith.constant 0.000000e+00 : f32
          %gt3A_355 = vector.broadcast %gt3A_354 : f32 to vector<16xf32>
          %gt3A_356 = arith.cmpf ogt, %sub3A_353, %gt3A_355 : vector<16xf32>
          %all_reduce_population_count3A_357 = tpu.all_reduce %gt3A_356 {dim = 0 : i64, kind = #tpu.reduction_kind<sum>} : vector<16xi1> -> vector<16xi32>
          %slice3A_358 = vector.extract_strided_slice %all_reduce_population_count3A_357 {offsets = [0], sizes = [1], strides = [1]} : vector<16xi32> to vector<1xi32>
          %squeeze3A_359 = vector.extract %slice3A_358[0] : i32 from vector<1xi32>
          %min3A_360 = arith.minsi %add3A_338, %while3A : i32
          %swap3A_361 = arith.index_cast %min3A_360 : i32 to index
          %swap3A_362 = tpu.vector_load %arg7[%swap3A_361] masked %gt3A_356 {strides = array<i32>} : memref<784xi32, #tpu.memory_space<vmem>>, vector<16xi32>, vector<16xi1>
          tpu.vector_store %arg7[%swap3A_361], %add3A_350 masked %gt3A_356 {strides = array<i32>} : memref<784xi32, #tpu.memory_space<vmem>>, vector<16xi32>, vector<16xi1>
          %add3A_363 = arith.addi %add3A_338, %squeeze3A_359 : i32
          %get3A_364 = arith.index_cast %while3A_195 : i32 to index
          %get3A_365 = arith.constant 112 : index
          %get3A_366 = tpu.vector_load %arg5[%get3A_364, %get3A_365] {strides = array<i32>} : memref<8x224xf32, #tpu.memory_space<vmem>>, vector<16xf32>,
          %shift_left3A_367 = arith.constant 11 : i32
          %shift_left3A_368 = arith.shli %while3A_117, %shift_left3A_367 : i32
          %shift_left3A_369 = arith.constant 8 : i32
          %shift_left3A_370 = arith.shli %while3A_195, %shift_left3A_369 : i32
          %or3A_371 = arith.ori %shift_left3A_368, %shift_left3A_370 : i32
          %or3A_372 = arith.constant 112 : i32
          %or3A_373 = arith.ori %or3A_371, %or3A_372 : i32
          %add3A_374 = vector.broadcast %or3A_373 : i32 to vector<16xi32>
          %add3A_375 = arith.addi %add3A_374, %iota3A : vector<16xi32>
          %sub3A_376 = arith.constant 1.000000e+00 : f32
          %sub3A_377 = vector.broadcast %sub3A_376 : f32 to vector<16xf32>
          %sub3A_378 = arith.subf %sub3A_377, %get3A_366 : vector<16xf32>
          %gt3A_379 = arith.constant 0.000000e+00 : f32
          %gt3A_380 = vector.broadcast %gt3A_379 : f32 to vector<16xf32>
          %gt3A_381 = arith.cmpf ogt, %sub3A_378, %gt3A_380 : vector<16xf32>
          %all_reduce_population_count3A_382 = tpu.all_reduce %gt3A_381 {dim = 0 : i64, kind = #tpu.reduction_kind<sum>} : vector<16xi1> -> vector<16xi32>
          %slice3A_383 = vector.extract_strided_slice %all_reduce_population_count3A_382 {offsets = [0], sizes = [1], strides = [1]} : vector<16xi32> to vector<1xi32>
          %squeeze3A_384 = vector.extract %slice3A_383[0] : i32 from vector<1xi32>
          %min3A_385 = arith.minsi %add3A_363, %while3A : i32
          %swap3A_386 = arith.index_cast %min3A_385 : i32 to index
          %swap3A_387 = tpu.vector_load %arg7[%swap3A_386] masked %gt3A_381 {strides = array<i32>} : memref<784xi32, #tpu.memory_space<vmem>>, vector<16xi32>, vector<16xi1>
          tpu.vector_store %arg7[%swap3A_386], %add3A_375 masked %gt3A_381 {strides = array<i32>} : memref<784xi32, #tpu.memory_space<vmem>>, vector<16xi32>, vector<16xi1>
          %add3A_388 = arith.addi %add3A_363, %squeeze3A_384 : i32
          %get3A_389 = arith.index_cast %while3A_195 : i32 to index
          %get3A_390 = arith.constant 128 : index
          %get3A_391 = tpu.vector_load %arg5[%get3A_389, %get3A_390] {strides = array<i32>} : memref<8x224xf32, #tpu.memory_space<vmem>>, vector<16xf32>,
          %shift_left3A_392 = arith.constant 11 : i32
          %shift_left3A_393 = arith.shli %while3A_117, %shift_left3A_392 : i32
          %shift_left3A_394 = arith.constant 8 : i32
          %shift_left3A_395 = arith.shli %while3A_195, %shift_left3A_394 : i32
          %or3A_396 = arith.ori %shift_left3A_393, %shift_left3A_395 : i32
          %or3A_397 = arith.constant 128 : i32
          %or3A_398 = arith.ori %or3A_396, %or3A_397 : i32
          %add3A_399 = vector.broadcast %or3A_398 : i32 to vector<16xi32>
          %add3A_400 = arith.addi %add3A_399, %iota3A : vector<16xi32>
          %sub3A_401 = arith.constant 1.000000e+00 : f32
          %sub3A_402 = vector.broadcast %sub3A_401 : f32 to vector<16xf32>
          %sub3A_403 = arith.subf %sub3A_402, %get3A_391 : vector<16xf32>
          %gt3A_404 = arith.constant 0.000000e+00 : f32
          %gt3A_405 = vector.broadcast %gt3A_404 : f32 to vector<16xf32>
          %gt3A_406 = arith.cmpf ogt, %sub3A_403, %gt3A_405 : vector<16xf32>
          %all_reduce_population_count3A_407 = tpu.all_reduce %gt3A_406 {dim = 0 : i64, kind = #tpu.reduction_kind<sum>} : vector<16xi1> -> vector<16xi32>
          %slice3A_408 = vector.extract_strided_slice %all_reduce_population_count3A_407 {offsets = [0], sizes = [1], strides = [1]} : vector<16xi32> to vector<1xi32>
          %squeeze3A_409 = vector.extract %slice3A_408[0] : i32 from vector<1xi32>
          %min3A_410 = arith.minsi %add3A_388, %while3A : i32
          %swap3A_411 = arith.index_cast %min3A_410 : i32 to index
          %swap3A_412 = tpu.vector_load %arg7[%swap3A_411] masked %gt3A_406 {strides = array<i32>} : memref<784xi32, #tpu.memory_space<vmem>>, vector<16xi32>, vector<16xi1>
          tpu.vector_store %arg7[%swap3A_411], %add3A_400 masked %gt3A_406 {strides = array<i32>} : memref<784xi32, #tpu.memory_space<vmem>>, vector<16xi32>, vector<16xi1>
          %add3A_413 = arith.addi %add3A_388, %squeeze3A_409 : i32
          %get3A_414 = arith.index_cast %while3A_195 : i32 to index
          %get3A_415 = arith.constant 144 : index
          %get3A_416 = tpu.vector_load %arg5[%get3A_414, %get3A_415] {strides = array<i32>} : memref<8x224xf32, #tpu.memory_space<vmem>>, vector<16xf32>,
          %shift_left3A_417 = arith.constant 11 : i32
          %shift_left3A_418 = arith.shli %while3A_117, %shift_left3A_417 : i32
          %shift_left3A_419 = arith.constant 8 : i32
          %shift_left3A_420 = arith.shli %while3A_195, %shift_left3A_419 : i32
          %or3A_421 = arith.ori %shift_left3A_418, %shift_left3A_420 : i32
          %or3A_422 = arith.constant 144 : i32
          %or3A_423 = arith.ori %or3A_421, %or3A_422 : i32
          %add3A_424 = vector.broadcast %or3A_423 : i32 to vector<16xi32>
          %add3A_425 = arith.addi %add3A_424, %iota3A : vector<16xi32>
          %sub3A_426 = arith.constant 1.000000e+00 : f32
          %sub3A_427 = vector.broadcast %sub3A_426 : f32 to vector<16xf32>
          %sub3A_428 = arith.subf %sub3A_427, %get3A_416 : vector<16xf32>
          %gt3A_429 = arith.constant 0.000000e+00 : f32
          %gt3A_430 = vector.broadcast %gt3A_429 : f32 to vector<16xf32>
          %gt3A_431 = arith.cmpf ogt, %sub3A_428, %gt3A_430 : vector<16xf32>
          %all_reduce_population_count3A_432 = tpu.all_reduce %gt3A_431 {dim = 0 : i64, kind = #tpu.reduction_kind<sum>} : vector<16xi1> -> vector<16xi32>
          %slice3A_433 = vector.extract_strided_slice %all_reduce_population_count3A_432 {offsets = [0], sizes = [1], strides = [1]} : vector<16xi32> to vector<1xi32>
          %squeeze3A_434 = vector.extract %slice3A_433[0] : i32 from vector<1xi32>
          %min3A_435 = arith.minsi %add3A_413, %while3A : i32
          %swap3A_436 = arith.index_cast %min3A_435 : i32 to index
          %swap3A_437 = tpu.vector_load %arg7[%swap3A_436] masked %gt3A_431 {strides = array<i32>} : memref<784xi32, #tpu.memory_space<vmem>>, vector<16xi32>, vector<16xi1>
          tpu.vector_store %arg7[%swap3A_436], %add3A_425 masked %gt3A_431 {strides = array<i32>} : memref<784xi32, #tpu.memory_space<vmem>>, vector<16xi32>, vector<16xi1>
          %add3A_438 = arith.addi %add3A_413, %squeeze3A_434 : i32
          %get3A_439 = arith.index_cast %while3A_195 : i32 to index
          %get3A_440 = arith.constant 160 : index
          %get3A_441 = tpu.vector_load %arg5[%get3A_439, %get3A_440] {strides = array<i32>} : memref<8x224xf32, #tpu.memory_space<vmem>>, vector<16xf32>,
          %shift_left3A_442 = arith.constant 11 : i32
          %shift_left3A_443 = arith.shli %while3A_117, %shift_left3A_442 : i32
          %shift_left3A_444 = arith.constant 8 : i32
          %shift_left3A_445 = arith.shli %while3A_195, %shift_left3A_444 : i32
          %or3A_446 = arith.ori %shift_left3A_443, %shift_left3A_445 : i32
          %or3A_447 = arith.constant 160 : i32
          %or3A_448 = arith.ori %or3A_446, %or3A_447 : i32
          %add3A_449 = vector.broadcast %or3A_448 : i32 to vector<16xi32>
          %add3A_450 = arith.addi %add3A_449, %iota3A : vector<16xi32>
          %sub3A_451 = arith.constant 1.000000e+00 : f32
          %sub3A_452 = vector.broadcast %sub3A_451 : f32 to vector<16xf32>
          %sub3A_453 = arith.subf %sub3A_452, %get3A_441 : vector<16xf32>
          %gt3A_454 = arith.constant 0.000000e+00 : f32
          %gt3A_455 = vector.broadcast %gt3A_454 : f32 to vector<16xf32>
          %gt3A_456 = arith.cmpf ogt, %sub3A_453, %gt3A_455 : vector<16xf32>
          %all_reduce_population_count3A_457 = tpu.all_reduce %gt3A_456 {dim = 0 : i64, kind = #tpu.reduction_kind<sum>} : vector<16xi1> -> vector<16xi32>
          %slice3A_458 = vector.extract_strided_slice %all_reduce_population_count3A_457 {offsets = [0], sizes = [1], strides = [1]} : vector<16xi32> to vector<1xi32>
          %squeeze3A_459 = vector.extract %slice3A_458[0] : i32 from vector<1xi32>
          %min3A_460 = arith.minsi %add3A_438, %while3A : i32
          %swap3A_461 = arith.index_cast %min3A_460 : i32 to index
          %swap3A_462 = tpu.vector_load %arg7[%swap3A_461] masked %gt3A_456 {strides = array<i32>} : memref<784xi32, #tpu.memory_space<vmem>>, vector<16xi32>, vector<16xi1>
          tpu.vector_store %arg7[%swap3A_461], %add3A_450 masked %gt3A_456 {strides = array<i32>} : memref<784xi32, #tpu.memory_space<vmem>>, vector<16xi32>, vector<16xi1>
          %add3A_463 = arith.addi %add3A_438, %squeeze3A_459 : i32
          %get3A_464 = arith.index_cast %while3A_195 : i32 to index
          %get3A_465 = arith.constant 176 : index
          %get3A_466 = tpu.vector_load %arg5[%get3A_464, %get3A_465] {strides = array<i32>} : memref<8x224xf32, #tpu.memory_space<vmem>>, vector<16xf32>,
          %shift_left3A_467 = arith.constant 11 : i32
          %shift_left3A_468 = arith.shli %while3A_117, %shift_left3A_467 : i32
          %shift_left3A_469 = arith.constant 8 : i32
          %shift_left3A_470 = arith.shli %while3A_195, %shift_left3A_469 : i32
          %or3A_471 = arith.ori %shift_left3A_468, %shift_left3A_470 : i32
          %or3A_472 = arith.constant 176 : i32
          %or3A_473 = arith.ori %or3A_471, %or3A_472 : i32
          %add3A_474 = vector.broadcast %or3A_473 : i32 to vector<16xi32>
          %add3A_475 = arith.addi %add3A_474, %iota3A : vector<16xi32>
          %sub3A_476 = arith.constant 1.000000e+00 : f32
          %sub3A_477 = vector.broadcast %sub3A_476 : f32 to vector<16xf32>
          %sub3A_478 = arith.subf %sub3A_477, %get3A_466 : vector<16xf32>
          %gt3A_479 = arith.constant 0.000000e+00 : f32
          %gt3A_480 = vector.broadcast %gt3A_479 : f32 to vector<16xf32>
          %gt3A_481 = arith.cmpf ogt, %sub3A_478, %gt3A_480 : vector<16xf32>
          %all_reduce_population_count3A_482 = tpu.all_reduce %gt3A_481 {dim = 0 : i64, kind = #tpu.reduction_kind<sum>} : vector<16xi1> -> vector<16xi32>
          %slice3A_483 = vector.extract_strided_slice %all_reduce_population_count3A_482 {offsets = [0], sizes = [1], strides = [1]} : vector<16xi32> to vector<1xi32>
          %squeeze3A_484 = vector.extract %slice3A_483[0] : i32 from vector<1xi32>
          %min3A_485 = arith.minsi %add3A_463, %while3A : i32
          %swap3A_486 = arith.index_cast %min3A_485 : i32 to index
          %swap3A_487 = tpu.vector_load %arg7[%swap3A_486] masked %gt3A_481 {strides = array<i32>} : memref<784xi32, #tpu.memory_space<vmem>>, vector<16xi32>, vector<16xi1>
          tpu.vector_store %arg7[%swap3A_486], %add3A_475 masked %gt3A_481 {strides = array<i32>} : memref<784xi32, #tpu.memory_space<vmem>>, vector<16xi32>, vector<16xi1>
          %add3A_488 = arith.addi %add3A_463, %squeeze3A_484 : i32
          %get3A_489 = arith.index_cast %while3A_195 : i32 to index
          %get3A_490 = arith.constant 192 : index
          %get3A_491 = tpu.vector_load %arg5[%get3A_489, %get3A_490] {strides = array<i32>} : memref<8x224xf32, #tpu.memory_space<vmem>>, vector<16xf32>,
          %shift_left3A_492 = arith.constant 11 : i32
          %shift_left3A_493 = arith.shli %while3A_117, %shift_left3A_492 : i32
          %shift_left3A_494 = arith.constant 8 : i32
          %shift_left3A_495 = arith.shli %while3A_195, %shift_left3A_494 : i32
          %or3A_496 = arith.ori %shift_left3A_493, %shift_left3A_495 : i32
          %or3A_497 = arith.constant 192 : i32
          %or3A_498 = arith.ori %or3A_496, %or3A_497 : i32
          %add3A_499 = vector.broadcast %or3A_498 : i32 to vector<16xi32>
          %add3A_500 = arith.addi %add3A_499, %iota3A : vector<16xi32>
          %sub3A_501 = arith.constant 1.000000e+00 : f32
          %sub3A_502 = vector.broadcast %sub3A_501 : f32 to vector<16xf32>
          %sub3A_503 = arith.subf %sub3A_502, %get3A_491 : vector<16xf32>
          %gt3A_504 = arith.constant 0.000000e+00 : f32
          %gt3A_505 = vector.broadcast %gt3A_504 : f32 to vector<16xf32>
          %gt3A_506 = arith.cmpf ogt, %sub3A_503, %gt3A_505 : vector<16xf32>
          %all_reduce_population_count3A_507 = tpu.all_reduce %gt3A_506 {dim = 0 : i64, kind = #tpu.reduction_kind<sum>} : vector<16xi1> -> vector<16xi32>
          %slice3A_508 = vector.extract_strided_slice %all_reduce_population_count3A_507 {offsets = [0], sizes = [1], strides = [1]} : vector<16xi32> to vector<1xi32>
          %squeeze3A_509 = vector.extract %slice3A_508[0] : i32 from vector<1xi32>
          %min3A_510 = arith.minsi %add3A_488, %while3A : i32
          %swap3A_511 = arith.index_cast %min3A_510 : i32 to index
          %swap3A_512 = tpu.vector_load %arg7[%swap3A_511] masked %gt3A_506 {strides = array<i32>} : memref<784xi32, #tpu.memory_space<vmem>>, vector<16xi32>, vector<16xi1>
          tpu.vector_store %arg7[%swap3A_511], %add3A_500 masked %gt3A_506 {strides = array<i32>} : memref<784xi32, #tpu.memory_space<vmem>>, vector<16xi32>, vector<16xi1>
          %add3A_513 = arith.addi %add3A_488, %squeeze3A_509 : i32
          %get3A_514 = arith.index_cast %while3A_195 : i32 to index
          %get3A_515 = arith.constant 208 : index
          %get3A_516 = tpu.vector_load %arg5[%get3A_514, %get3A_515] {strides = array<i32>} : memref<8x224xf32, #tpu.memory_space<vmem>>, vector<16xf32>,
          %shift_left3A_517 = arith.constant 11 : i32
          %shift_left3A_518 = arith.shli %while3A_117, %shift_left3A_517 : i32
          %shift_left3A_519 = arith.constant 8 : i32
          %shift_left3A_520 = arith.shli %while3A_195, %shift_left3A_519 : i32
          %or3A_521 = arith.ori %shift_left3A_518, %shift_left3A_520 : i32
          %or3A_522 = arith.constant 208 : i32
          %or3A_523 = arith.ori %or3A_521, %or3A_522 : i32
          %add3A_524 = vector.broadcast %or3A_523 : i32 to vector<16xi32>
          %add3A_525 = arith.addi %add3A_524, %iota3A : vector<16xi32>
          %sub3A_526 = arith.constant 1.000000e+00 : f32
          %sub3A_527 = vector.broadcast %sub3A_526 : f32 to vector<16xf32>
          %sub3A_528 = arith.subf %sub3A_527, %get3A_516 : vector<16xf32>
          %gt3A_529 = arith.constant 0.000000e+00 : f32
          %gt3A_530 = vector.broadcast %gt3A_529 : f32 to vector<16xf32>
          %gt3A_531 = arith.cmpf ogt, %sub3A_528, %gt3A_530 : vector<16xf32>
          %all_reduce_population_count3A_532 = tpu.all_reduce %gt3A_531 {dim = 0 : i64, kind = #tpu.reduction_kind<sum>} : vector<16xi1> -> vector<16xi32>
          %slice3A_533 = vector.extract_strided_slice %all_reduce_population_count3A_532 {offsets = [0], sizes = [1], strides = [1]} : vector<16xi32> to vector<1xi32>
          %squeeze3A_534 = vector.extract %slice3A_533[0] : i32 from vector<1xi32>
          %min3A_535 = arith.minsi %add3A_513, %while3A : i32
          %swap3A_536 = arith.index_cast %min3A_535 : i32 to index
          %swap3A_537 = tpu.vector_load %arg7[%swap3A_536] masked %gt3A_531 {strides = array<i32>} : memref<784xi32, #tpu.memory_space<vmem>>, vector<16xi32>, vector<16xi1>
          tpu.vector_store %arg7[%swap3A_536], %add3A_525 masked %gt3A_531 {strides = array<i32>} : memref<784xi32, #tpu.memory_space<vmem>>, vector<16xi32>, vector<16xi1>
          %add3A_538 = arith.addi %add3A_513, %squeeze3A_534 : i32
          %add3A_539 = arith.constant 1 : i32
          %add3A_540 = arith.addi %while3A_195, %add3A_539 : i32
          scf.yield %add3A_540, %add3A_538 : i32, i32
        }
        %add3A_193 = arith.constant 1 : i32
        %add3A_194 = arith.addi %while3A_117, %add3A_193 : i32
        scf.yield %add3A_194, %while3A_192#1 : i32, i32
      }
      "tpu.region"() ({
        %run_scoped3A = tpu.sem_alloc : memref<!tpu.dma_semaphore, #tpu.memory_space<semaphore_mem>>
        %dma_start3A = arith.constant 0 : i32
        %dma_start3A_117 = tpu.memref_slice %arg7[%dma_start3A] : memref<784xi32, #tpu.memory_space<vmem>> -> memref<768xi32, #tpu.memory_space<vmem>>
        %dma_start3A_118 = arith.constant 128 : i32
        %dma_start3A_119 = tpu.memref_slice %arg8[%dma_start3A_118] : memref<1024xi32, #tpu.memory_space<vmem_shared>> -> memref<768xi32, #tpu.memory_space<vmem_shared>>
        %dma_start3A_120 = arith.constant 128 : i32
        %dma_start3A_121 = tpu.memref_slice %arg8[%dma_start3A_120] : memref<1024xi32, #tpu.memory_space<vmem_shared>> -> memref<768xi32, #tpu.memory_space<vmem_shared>>
        %dma_start3A_122 = arith.constant 0 : i32
        %dma_start3A_123 = tpu.memref_slice %arg7[%dma_start3A_122] : memref<784xi32, #tpu.memory_space<vmem>> -> memref<768xi32, #tpu.memory_space<vmem>>
        tpu.enqueue_dma source(%dma_start3A_123 : memref<768xi32, #tpu.memory_space<vmem>>) target(%dma_start3A_121 : memref<768xi32, #tpu.memory_space<vmem_shared>>) target_semaphore(%run_scoped3A : memref<!tpu.dma_semaphore, #tpu.memory_space<semaphore_mem>>)
        %dma_wait3A = arith.constant 0 : i32
        %dma_wait3A_124 = tpu.memref_slice %arg7[%dma_wait3A] : memref<784xi32, #tpu.memory_space<vmem>> -> memref<768xi32, #tpu.memory_space<vmem>>
        %dma_wait3A_125 = arith.constant 128 : i32
        %dma_wait3A_126 = tpu.memref_slice %arg8[%dma_wait3A_125] : memref<1024xi32, #tpu.memory_space<vmem_shared>> -> memref<768xi32, #tpu.memory_space<vmem_shared>>
        %dma_wait3A_127 = arith.constant 128 : i32
        %dma_wait3A_128 = tpu.memref_slice %arg8[%dma_wait3A_127] : memref<1024xi32, #tpu.memory_space<vmem_shared>> -> memref<768xi32, #tpu.memory_space<vmem_shared>>
        %dma_wait3A_129 = arith.constant 0 : i32
        %dma_wait3A_130 = tpu.memref_slice %arg7[%dma_wait3A_129] : memref<784xi32, #tpu.memory_space<vmem>> -> memref<768xi32, #tpu.memory_space<vmem>>
        tpu.wait_dma2 semaphore(%run_scoped3A : memref<!tpu.dma_semaphore, #tpu.memory_space<semaphore_mem>>) src(%dma_wait3A_130 : memref<768xi32, #tpu.memory_space<vmem>>) dst(%dma_wait3A_128 : memref<768xi32, #tpu.memory_space<vmem_shared>>)
        tpu.yield
      }) : () -> ()
    } else {
    }
    %lt3A = arith.constant 12 : i32
    %lt3A_7 = arith.cmpi slt, %arg1, %lt3A : i32
    %convert_element_type3A_8 = arith.extui %lt3A_7 : i1 to i32
    %cond3A_9 = arith.constant 0 : i32
    %cond3A_10 = arith.cmpi ne, %convert_element_type3A_8, %cond3A_9 : i32
    scf.if %cond3A_10 {
      %jit3A = arith.constant 0 : i32
      %jit3A_16 = arith.constant 28 : i32
      %div3A = arith.divsi %jit3A, %jit3A_16 : i32
      %sign3A = arith.constant 0 : i32
      %sign3A_17 = arith.cmpi sgt, %jit3A, %sign3A : i32
      %sign3A_18 = arith.extui %sign3A_17 : i1 to i32
      %sign3A_19 = arith.constant 0 : i32
      %sign3A_20 = arith.cmpi slt, %jit3A, %sign3A_19 : i32
      %sign3A_21 = arith.extui %sign3A_20 : i1 to i32
      %sign3A_22 = arith.subi %sign3A_18, %sign3A_21 : i32
      %sign3A_23 = arith.constant 0 : i32
      %sign3A_24 = arith.cmpi sgt, %jit3A_16, %sign3A_23 : i32
      %sign3A_25 = arith.extui %sign3A_24 : i1 to i32
      %sign3A_26 = arith.constant 0 : i32
      %sign3A_27 = arith.cmpi slt, %jit3A_16, %sign3A_26 : i32
      %sign3A_28 = arith.extui %sign3A_27 : i1 to i32
      %sign3A_29 = arith.subi %sign3A_25, %sign3A_28 : i32
      %ne3A = arith.cmpi ne, %sign3A_22, %sign3A_29 : i32
      %rem3A = arith.remsi %jit3A, %jit3A_16 : i32
      %ne3A_30 = arith.constant 0 : i32
      %ne3A_31 = arith.cmpi ne, %rem3A, %ne3A_30 : i32
      %and3A = arith.andi %ne3A, %ne3A_31 : i1
      %sub3A = arith.constant 1 : i32
      %sub3A_32 = arith.subi %div3A, %sub3A : i32
      %select_n3A = arith.select %and3A, %sub3A_32, %div3A : i32
      %jit3A_33 = arith.constant 2 : i32
      %eq3A_34 = arith.constant 0 : i32
      %eq3A_35 = arith.cmpi eq, %jit3A_33, %eq3A_34 : i32
      %jit3A_36 = arith.constant 1 : i32
      %select_n3A_37 = arith.select %eq3A_35, %jit3A_36, %jit3A_33 : i32
      %rem3A_38 = arith.remsi %select_n3A, %select_n3A_37 : i32
      %ne3A_39 = arith.constant 0 : i32
      %ne3A_40 = arith.cmpi ne, %rem3A_38, %ne3A_39 : i32
      %lt3A_41 = arith.constant 0 : i32
      %lt3A_42 = arith.cmpi slt, %rem3A_38, %lt3A_41 : i32
      %lt3A_43 = arith.constant 0 : i32
      %lt3A_44 = arith.cmpi slt, %select_n3A_37, %lt3A_43 : i32
      %ne3A_45 = arith.xori %lt3A_42, %lt3A_44 : i1
      %and3A_46 = arith.andi %ne3A_45, %ne3A_40 : i1
      %add3A = arith.addi %rem3A_38, %select_n3A_37 : i32
      %select_n3A_47 = arith.select %and3A_46, %add3A, %rem3A_38 : i32
      %jit3A_48 = arith.constant 2 : i32
      %div3A_49 = arith.divsi %select_n3A, %jit3A_48 : i32
      %sign3A_50 = arith.constant 0 : i32
      %sign3A_51 = arith.cmpi sgt, %select_n3A, %sign3A_50 : i32
      %sign3A_52 = arith.extui %sign3A_51 : i1 to i32
      %sign3A_53 = arith.constant 0 : i32
      %sign3A_54 = arith.cmpi slt, %select_n3A, %sign3A_53 : i32
      %sign3A_55 = arith.extui %sign3A_54 : i1 to i32
      %sign3A_56 = arith.subi %sign3A_52, %sign3A_55 : i32
      %sign3A_57 = arith.constant 0 : i32
      %sign3A_58 = arith.cmpi sgt, %jit3A_48, %sign3A_57 : i32
      %sign3A_59 = arith.extui %sign3A_58 : i1 to i32
      %sign3A_60 = arith.constant 0 : i32
      %sign3A_61 = arith.cmpi slt, %jit3A_48, %sign3A_60 : i32
      %sign3A_62 = arith.extui %sign3A_61 : i1 to i32
      %sign3A_63 = arith.subi %sign3A_59, %sign3A_62 : i32
      %ne3A_64 = arith.cmpi ne, %sign3A_56, %sign3A_63 : i32
      %rem3A_65 = arith.remsi %select_n3A, %jit3A_48 : i32
      %ne3A_66 = arith.constant 0 : i32
      %ne3A_67 = arith.cmpi ne, %rem3A_65, %ne3A_66 : i32
      %and3A_68 = arith.andi %ne3A_64, %ne3A_67 : i1
      %sub3A_69 = arith.constant 1 : i32
      %sub3A_70 = arith.subi %div3A_49, %sub3A_69 : i32
      %select_n3A_71 = arith.select %and3A_68, %sub3A_70, %div3A_49 : i32
      %jit3A_72 = arith.constant 0 : i32
      %jit3A_73 = arith.constant 28 : i32
      %eq3A_74 = arith.constant 0 : i32
      %eq3A_75 = arith.cmpi eq, %jit3A_73, %eq3A_74 : i32
      %jit3A_76 = arith.constant 1 : i32
      %select_n3A_77 = arith.select %eq3A_75, %jit3A_76, %jit3A_73 : i32
      %rem3A_78 = arith.remsi %jit3A_72, %select_n3A_77 : i32
      %ne3A_79 = arith.constant 0 : i32
      %ne3A_80 = arith.cmpi ne, %rem3A_78, %ne3A_79 : i32
      %lt3A_81 = arith.constant 0 : i32
      %lt3A_82 = arith.cmpi slt, %rem3A_78, %lt3A_81 : i32
      %lt3A_83 = arith.constant 0 : i32
      %lt3A_84 = arith.cmpi slt, %select_n3A_77, %lt3A_83 : i32
      %ne3A_85 = arith.xori %lt3A_82, %lt3A_84 : i1
      %and3A_86 = arith.andi %ne3A_85, %ne3A_80 : i1
      %add3A_87 = arith.addi %rem3A_78, %select_n3A_77 : i32
      %select_n3A_88 = arith.select %and3A_86, %add3A_87, %rem3A_78 : i32
      %mul3A = arith.constant 16 : i32
      %mul3A_89 = arith.muli %arg1, %mul3A : i32
      %mul3A_90 = arith.constant 8 : i32
      %mul3A_91 = arith.muli %select_n3A_88, %mul3A_90 : i32
      "tpu.region"() ({
        %run_scoped3A = tpu.sem_alloc : memref<!tpu.dma_semaphore, #tpu.memory_space<semaphore_mem>>
        %dma_start3A = arith.constant 0 : i32
        %dma_start3A_92 = tpu.memref_slice %arg3[%select_n3A_47, %select_n3A_71, %mul3A_89, %mul3A_91, %dma_start3A] : memref<2x2x192x224x224xf32, #tpu.memory_space<hbm>> -> memref<1x1x16x8x224xf32, #tpu.memory_space<hbm>>
        %dma_start3A_93 = tpu.memref_squeeze %dma_start3A_92 : memref<1x1x16x8x224xf32, #tpu.memory_space<hbm>> -> memref<16x8x224xf32, #tpu.memory_space<hbm>>
        %dma_start3A_94 = arith.constant 0 : i32
        %dma_start3A_95 = tpu.memref_slice %arg3[%select_n3A_47, %select_n3A_71, %mul3A_89, %mul3A_91, %dma_start3A_94] : memref<2x2x192x224x224xf32, #tpu.memory_space<hbm>> -> memref<1x1x16x8x224xf32, #tpu.memory_space<hbm>>
        %dma_start3A_96 = tpu.memref_squeeze %dma_start3A_95 : memref<1x1x16x8x224xf32, #tpu.memory_space<hbm>> -> memref<16x8x224xf32, #tpu.memory_space<hbm>>
        tpu.enqueue_dma source(%dma_start3A_96 : memref<16x8x224xf32, #tpu.memory_space<hbm>>) target(%arg13 : memref<16x8x224xf32, #tpu.memory_space<vmem>>) target_semaphore(%run_scoped3A : memref<!tpu.dma_semaphore, #tpu.memory_space<semaphore_mem>>)
        %dma_wait3A = arith.constant 0 : i32
        %dma_wait3A_97 = tpu.memref_slice %arg3[%select_n3A_47, %select_n3A_71, %mul3A_89, %mul3A_91, %dma_wait3A] : memref<2x2x192x224x224xf32, #tpu.memory_space<hbm>> -> memref<1x1x16x8x224xf32, #tpu.memory_space<hbm>>
        %dma_wait3A_98 = tpu.memref_squeeze %dma_wait3A_97 : memref<1x1x16x8x224xf32, #tpu.memory_space<hbm>> -> memref<16x8x224xf32, #tpu.memory_space<hbm>>
        %dma_wait3A_99 = arith.constant 0 : i32
        %dma_wait3A_100 = tpu.memref_slice %arg3[%select_n3A_47, %select_n3A_71, %mul3A_89, %mul3A_91, %dma_wait3A_99] : memref<2x2x192x224x224xf32, #tpu.memory_space<hbm>> -> memref<1x1x16x8x224xf32, #tpu.memory_space<hbm>>
        %dma_wait3A_101 = tpu.memref_squeeze %dma_wait3A_100 : memref<1x1x16x8x224xf32, #tpu.memory_space<hbm>> -> memref<16x8x224xf32, #tpu.memory_space<hbm>>
        tpu.wait_dma2 semaphore(%run_scoped3A : memref<!tpu.dma_semaphore, #tpu.memory_space<semaphore_mem>>) src(%dma_wait3A_101 : memref<16x8x224xf32, #tpu.memory_space<hbm>>) dst(%arg13 : memref<16x8x224xf32, #tpu.memory_space<vmem>>)
        tpu.yield
      }) : () -> ()
    } else {
    }
    %barrier3A = arith.constant 0 : index
    tpu.barrier barrier_id(%barrier3A)
    %lt3A_11 = arith.constant 12 : i32
    %lt3A_12 = arith.cmpi slt, %arg1, %lt3A_11 : i32
    %convert_element_type3A_13 = arith.extui %lt3A_12 : i1 to i32
    %cond3A_14 = arith.constant 0 : i32
    %cond3A_15 = arith.cmpi ne, %convert_element_type3A_13, %cond3A_14 : i32
    scf.if %cond3A_15 {
      %mul3A = arith.constant 448 : i32
      %mul3A_16 = arith.muli %arg0, %mul3A : i32
      "tpu.region"() ({
        %run_scoped3A = tpu.sem_alloc : memref<!tpu.dma_semaphore, #tpu.memory_space<semaphore_mem>>
        %dma_start3A = tpu.memref_slice %arg8[%mul3A_16] : memref<1024xi32, #tpu.memory_space<vmem_shared>> -> memref<448xi32, #tpu.memory_space<vmem_shared>>
        %dma_start3A_61 = tpu.memref_slice %arg8[%mul3A_16] : memref<1024xi32, #tpu.memory_space<vmem_shared>> -> memref<448xi32, #tpu.memory_space<vmem_shared>>
        tpu.enqueue_dma source(%dma_start3A_61 : memref<448xi32, #tpu.memory_space<vmem_shared>>) target(%arg9 : memref<448xi32, #tpu.memory_space<vmem>>) target_semaphore(%run_scoped3A : memref<!tpu.dma_semaphore, #tpu.memory_space<semaphore_mem>>)
        %dma_wait3A = tpu.memref_slice %arg8[%mul3A_16] : memref<1024xi32, #tpu.memory_space<vmem_shared>> -> memref<448xi32, #tpu.memory_space<vmem_shared>>
        %dma_wait3A_62 = tpu.memref_slice %arg8[%mul3A_16] : memref<1024xi32, #tpu.memory_space<vmem_shared>> -> memref<448xi32, #tpu.memory_space<vmem_shared>>
        tpu.wait_dma2 semaphore(%run_scoped3A : memref<!tpu.dma_semaphore, #tpu.memory_space<semaphore_mem>>) src(%dma_wait3A_62 : memref<448xi32, #tpu.memory_space<vmem_shared>>) dst(%arg9 : memref<448xi32, #tpu.memory_space<vmem>>)
        tpu.yield
      }) : () -> ()
      %scan3A = arith.constant 0 : i32
      %scan3A_17 = arith.constant 0 : i32
      %scan3A_18 = arith.constant 28 : i32
      %scan3A_19 = arith.addi %scan3A_17, %scan3A_18 : i32
      %scan3A_20 = arith.constant 1 : i32
      %scan3A_21 = scf.for %scan3A_61 = %scan3A_17 to %scan3A_19 step %scan3A_20 iter_args(%scan3A_62 = %scan3A) -> (i32)  : i32 {
        %mul3A_63 = arith.constant 16 : i32
        %mul3A_64 = arith.muli %scan3A_61, %mul3A_63 : i32
        %get3A = arith.index_cast %mul3A_64 : i32 to index
        %get3A_65 = tpu.vector_load %arg9[%get3A] {strides = array<i32>} : memref<448xi32, #tpu.memory_space<vmem>>, vector<16xi32>,
        %shift_right_arithmetic3A = arith.constant 11 : i32
        %shift_right_arithmetic3A_66 = vector.broadcast %shift_right_arithmetic3A : i32 to vector<16xi32>
        %shift_right_arithmetic3A_67 = arith.shrsi %get3A_65, %shift_right_arithmetic3A_66 : vector<16xi32>
        %mul3A_68 = arith.constant 16 : i32
        %mul3A_69 = arith.muli %scan3A_61, %mul3A_68 : i32
        %swap3A = arith.index_cast %mul3A_69 : i32 to index
        %swap3A_70 = tpu.vector_load %arg10[%swap3A] {strides = array<i32>} : memref<448xi32, #tpu.memory_space<vmem>>, vector<16xi32>,
        tpu.vector_store %arg10[%swap3A], %shift_right_arithmetic3A_67 {strides = array<i32>} : memref<448xi32, #tpu.memory_space<vmem>>, vector<16xi32>,
        %shift_right_arithmetic3A_71 = arith.constant 8 : i32
        %shift_right_arithmetic3A_72 = vector.broadcast %shift_right_arithmetic3A_71 : i32 to vector<16xi32>
        %shift_right_arithmetic3A_73 = arith.shrsi %get3A_65, %shift_right_arithmetic3A_72 : vector<16xi32>
        %and3A = arith.constant 7 : i32
        %and3A_74 = vector.broadcast %and3A : i32 to vector<16xi32>
        %and3A_75 = arith.andi %shift_right_arithmetic3A_73, %and3A_74 : vector<16xi32>
        %mul3A_76 = arith.constant 16 : i32
        %mul3A_77 = arith.muli %scan3A_61, %mul3A_76 : i32
        %swap3A_78 = arith.index_cast %mul3A_77 : i32 to index
        %swap3A_79 = tpu.vector_load %arg11[%swap3A_78] {strides = array<i32>} : memref<448xi32, #tpu.memory_space<vmem>>, vector<16xi32>,
        tpu.vector_store %arg11[%swap3A_78], %and3A_75 {strides = array<i32>} : memref<448xi32, #tpu.memory_space<vmem>>, vector<16xi32>,
        %and3A_80 = arith.constant 255 : i32
        %and3A_81 = vector.broadcast %and3A_80 : i32 to vector<16xi32>
        %and3A_82 = arith.andi %get3A_65, %and3A_81 : vector<16xi32>
        %mul3A_83 = arith.constant 16 : i32
        %mul3A_84 = arith.muli %scan3A_61, %mul3A_83 : i32
        %swap3A_85 = arith.index_cast %mul3A_84 : i32 to index
        %swap3A_86 = tpu.vector_load %arg12[%swap3A_85] {strides = array<i32>} : memref<448xi32, #tpu.memory_space<vmem>>, vector<16xi32>,
        tpu.vector_store %arg12[%swap3A_85], %and3A_82 {strides = array<i32>} : memref<448xi32, #tpu.memory_space<vmem>>, vector<16xi32>,
        %scan3A_87 = arith.constant 0 : i32
        scf.yield %scan3A_87 : i32
      }
      %scan3A_22 = arith.constant 28 : i32
      %broadcast_in_dim3A = arith.constant 0 : i32
      %broadcast_in_dim3A_23 = vector.broadcast %broadcast_in_dim3A : i32 to vector<16xi32>
      %broadcast_in_dim3A_24 = arith.constant 1 : i32
      %broadcast_in_dim3A_25 = vector.broadcast %broadcast_in_dim3A_24 : i32 to vector<16xi32>
      %broadcast_in_dim3A_26 = arith.constant 2 : i32
      %broadcast_in_dim3A_27 = vector.broadcast %broadcast_in_dim3A_26 : i32 to vector<16xi32>
      %broadcast_in_dim3A_28 = arith.constant 3 : i32
      %broadcast_in_dim3A_29 = vector.broadcast %broadcast_in_dim3A_28 : i32 to vector<16xi32>
      %broadcast_in_dim3A_30 = arith.constant 4 : i32
      %broadcast_in_dim3A_31 = vector.broadcast %broadcast_in_dim3A_30 : i32 to vector<16xi32>
      %broadcast_in_dim3A_32 = arith.constant 5 : i32
      %broadcast_in_dim3A_33 = vector.broadcast %broadcast_in_dim3A_32 : i32 to vector<16xi32>
      %broadcast_in_dim3A_34 = arith.constant 6 : i32
      %broadcast_in_dim3A_35 = vector.broadcast %broadcast_in_dim3A_34 : i32 to vector<16xi32>
      %broadcast_in_dim3A_36 = arith.constant 7 : i32
      %broadcast_in_dim3A_37 = vector.broadcast %broadcast_in_dim3A_36 : i32 to vector<16xi32>
      %broadcast_in_dim3A_38 = arith.constant 8 : i32
      %broadcast_in_dim3A_39 = vector.broadcast %broadcast_in_dim3A_38 : i32 to vector<16xi32>
      %broadcast_in_dim3A_40 = arith.constant 9 : i32
      %broadcast_in_dim3A_41 = vector.broadcast %broadcast_in_dim3A_40 : i32 to vector<16xi32>
      %broadcast_in_dim3A_42 = arith.constant 10 : i32
      %broadcast_in_dim3A_43 = vector.broadcast %broadcast_in_dim3A_42 : i32 to vector<16xi32>
      %broadcast_in_dim3A_44 = arith.constant 11 : i32
      %broadcast_in_dim3A_45 = vector.broadcast %broadcast_in_dim3A_44 : i32 to vector<16xi32>
      %broadcast_in_dim3A_46 = arith.constant 12 : i32
      %broadcast_in_dim3A_47 = vector.broadcast %broadcast_in_dim3A_46 : i32 to vector<16xi32>
      %broadcast_in_dim3A_48 = arith.constant 13 : i32
      %broadcast_in_dim3A_49 = vector.broadcast %broadcast_in_dim3A_48 : i32 to vector<16xi32>
      %broadcast_in_dim3A_50 = arith.constant 14 : i32
      %broadcast_in_dim3A_51 = vector.broadcast %broadcast_in_dim3A_50 : i32 to vector<16xi32>
      %broadcast_in_dim3A_52 = arith.constant 15 : i32
      %broadcast_in_dim3A_53 = vector.broadcast %broadcast_in_dim3A_52 : i32 to vector<16xi32>
      %iota3A = tpu.iota {dimensions = array<i32: 0>} : vector<16xi32>
      %scan3A_54 = arith.constant 0 : i32
      %scan3A_55 = arith.constant 0 : i32
      %scan3A_56 = arith.constant 28 : i32
      %scan3A_57 = arith.addi %scan3A_55, %scan3A_56 : i32
      %scan3A_58 = arith.constant 1 : i32
      %scan3A_59 = scf.for %scan3A_61 = %scan3A_55 to %scan3A_57 step %scan3A_58 iter_args(%scan3A_62 = %scan3A_54) -> (i32)  : i32 {
        %mul3A_63 = arith.constant 16 : i32
        %mul3A_64 = arith.muli %scan3A_61, %mul3A_63 : i32
        %get3A = arith.index_cast %mul3A_64 : i32 to index
        %get3A_65 = tpu.vector_load %arg10[%get3A] {strides = array<i32>} : memref<448xi32, #tpu.memory_space<vmem>>, vector<16xi32>,
        %mul3A_66 = arith.constant 16 : i32
        %mul3A_67 = arith.muli %scan3A_61, %mul3A_66 : i32
        %get3A_68 = arith.index_cast %mul3A_67 : i32 to index
        %get3A_69 = tpu.vector_load %arg11[%get3A_68] {strides = array<i32>} : memref<448xi32, #tpu.memory_space<vmem>>, vector<16xi32>,
        %mul3A_70 = arith.constant 16 : i32
        %mul3A_71 = arith.muli %scan3A_61, %mul3A_70 : i32
        %get3A_72 = arith.index_cast %mul3A_71 : i32 to index
        %get3A_73 = tpu.vector_load %arg12[%get3A_72] {strides = array<i32>} : memref<448xi32, #tpu.memory_space<vmem>>, vector<16xi32>,
        %slice3A = vector.extract_strided_slice %get3A_65 {offsets = [0], sizes = [1], strides = [1]} : vector<16xi32> to vector<1xi32>
        %squeeze3A = vector.extract %slice3A[0] : i32 from vector<1xi32>
        %eq3A_74 = vector.broadcast %squeeze3A : i32 to vector<16xi32>
        %eq3A_75 = arith.cmpi eq, %get3A_65, %eq3A_74 : vector<16xi32>
        %all_reduce_population_count3A = tpu.all_reduce %eq3A_75 {dim = 0 : i64, kind = #tpu.reduction_kind<sum>} : vector<16xi1> -> vector<16xi32>
        %slice3A_76 = vector.extract_strided_slice %all_reduce_population_count3A {offsets = [0], sizes = [1], strides = [1]} : vector<16xi32> to vector<1xi32>
        %squeeze3A_77 = vector.extract %slice3A_76[0] : i32 from vector<1xi32>
        %eq3A_78 = arith.constant 16 : i32
        %eq3A_79 = arith.cmpi eq, %squeeze3A_77, %eq3A_78 : i32
        %convert_element_type3A_80 = arith.extui %eq3A_79 : i1 to i32
        %cond3A_81 = arith.constant 0 : i32
        %cond3A_82 = arith.cmpi ne, %convert_element_type3A_80, %cond3A_81 : i32
        %cond3A_83 = scf.if %cond3A_82 -> (i32) {
          %ne3A = arith.cmpi ne, %squeeze3A, %scan3A_62 : i32
          %convert_element_type3A_84 = arith.extui %ne3A : i1 to i32
          %cond3A_85 = arith.constant 0 : i32
          %cond3A_86 = arith.cmpi ne, %convert_element_type3A_84, %cond3A_85 : i32
          scf.if %cond3A_86 {
            %jit3A = arith.constant 28 : i32
            %div3A = arith.divsi %squeeze3A, %jit3A : i32
            %sign3A = arith.constant 0 : i32
            %sign3A_197 = arith.cmpi sgt, %squeeze3A, %sign3A : i32
            %sign3A_198 = arith.extui %sign3A_197 : i1 to i32
            %sign3A_199 = arith.constant 0 : i32
            %sign3A_200 = arith.cmpi slt, %squeeze3A, %sign3A_199 : i32
            %sign3A_201 = arith.extui %sign3A_200 : i1 to i32
            %sign3A_202 = arith.subi %sign3A_198, %sign3A_201 : i32
            %sign3A_203 = arith.constant 0 : i32
            %sign3A_204 = arith.cmpi sgt, %jit3A, %sign3A_203 : i32
            %sign3A_205 = arith.extui %sign3A_204 : i1 to i32
            %sign3A_206 = arith.constant 0 : i32
            %sign3A_207 = arith.cmpi slt, %jit3A, %sign3A_206 : i32
            %sign3A_208 = arith.extui %sign3A_207 : i1 to i32
            %sign3A_209 = arith.subi %sign3A_205, %sign3A_208 : i32
            %ne3A_210 = arith.cmpi ne, %sign3A_202, %sign3A_209 : i32
            %rem3A = arith.remsi %squeeze3A, %jit3A : i32
            %ne3A_211 = arith.constant 0 : i32
            %ne3A_212 = arith.cmpi ne, %rem3A, %ne3A_211 : i32
            %and3A = arith.andi %ne3A_210, %ne3A_212 : i1
            %sub3A = arith.constant 1 : i32
            %sub3A_213 = arith.subi %div3A, %sub3A : i32
            %select_n3A = arith.select %and3A, %sub3A_213, %div3A : i32
            %jit3A_214 = arith.constant 2 : i32
            %eq3A_215 = arith.constant 0 : i32
            %eq3A_216 = arith.cmpi eq, %jit3A_214, %eq3A_215 : i32
            %jit3A_217 = arith.constant 1 : i32
            %select_n3A_218 = arith.select %eq3A_216, %jit3A_217, %jit3A_214 : i32
            %rem3A_219 = arith.remsi %select_n3A, %select_n3A_218 : i32
            %ne3A_220 = arith.constant 0 : i32
            %ne3A_221 = arith.cmpi ne, %rem3A_219, %ne3A_220 : i32
            %lt3A_222 = arith.constant 0 : i32
            %lt3A_223 = arith.cmpi slt, %rem3A_219, %lt3A_222 : i32
            %lt3A_224 = arith.constant 0 : i32
            %lt3A_225 = arith.cmpi slt, %select_n3A_218, %lt3A_224 : i32
            %ne3A_226 = arith.xori %lt3A_223, %lt3A_225 : i1
            %and3A_227 = arith.andi %ne3A_226, %ne3A_221 : i1
            %add3A = arith.addi %rem3A_219, %select_n3A_218 : i32
            %select_n3A_228 = arith.select %and3A_227, %add3A, %rem3A_219 : i32
            %jit3A_229 = arith.constant 2 : i32
            %div3A_230 = arith.divsi %select_n3A, %jit3A_229 : i32
            %sign3A_231 = arith.constant 0 : i32
            %sign3A_232 = arith.cmpi sgt, %select_n3A, %sign3A_231 : i32
            %sign3A_233 = arith.extui %sign3A_232 : i1 to i32
            %sign3A_234 = arith.constant 0 : i32
            %sign3A_235 = arith.cmpi slt, %select_n3A, %sign3A_234 : i32
            %sign3A_236 = arith.extui %sign3A_235 : i1 to i32
            %sign3A_237 = arith.subi %sign3A_233, %sign3A_236 : i32
            %sign3A_238 = arith.constant 0 : i32
            %sign3A_239 = arith.cmpi sgt, %jit3A_229, %sign3A_238 : i32
            %sign3A_240 = arith.extui %sign3A_239 : i1 to i32
            %sign3A_241 = arith.constant 0 : i32
            %sign3A_242 = arith.cmpi slt, %jit3A_229, %sign3A_241 : i32
            %sign3A_243 = arith.extui %sign3A_242 : i1 to i32
            %sign3A_244 = arith.subi %sign3A_240, %sign3A_243 : i32
            %ne3A_245 = arith.cmpi ne, %sign3A_237, %sign3A_244 : i32
            %rem3A_246 = arith.remsi %select_n3A, %jit3A_229 : i32
            %ne3A_247 = arith.constant 0 : i32
            %ne3A_248 = arith.cmpi ne, %rem3A_246, %ne3A_247 : i32
            %and3A_249 = arith.andi %ne3A_245, %ne3A_248 : i1
            %sub3A_250 = arith.constant 1 : i32
            %sub3A_251 = arith.subi %div3A_230, %sub3A_250 : i32
            %select_n3A_252 = arith.select %and3A_249, %sub3A_251, %div3A_230 : i32
            %jit3A_253 = arith.constant 28 : i32
            %eq3A_254 = arith.constant 0 : i32
            %eq3A_255 = arith.cmpi eq, %jit3A_253, %eq3A_254 : i32
            %jit3A_256 = arith.constant 1 : i32
            %select_n3A_257 = arith.select %eq3A_255, %jit3A_256, %jit3A_253 : i32
            %rem3A_258 = arith.remsi %squeeze3A, %select_n3A_257 : i32
            %ne3A_259 = arith.constant 0 : i32
            %ne3A_260 = arith.cmpi ne, %rem3A_258, %ne3A_259 : i32
            %lt3A_261 = arith.constant 0 : i32
            %lt3A_262 = arith.cmpi slt, %rem3A_258, %lt3A_261 : i32
            %lt3A_263 = arith.constant 0 : i32
            %lt3A_264 = arith.cmpi slt, %select_n3A_257, %lt3A_263 : i32
            %ne3A_265 = arith.xori %lt3A_262, %lt3A_264 : i1
            %and3A_266 = arith.andi %ne3A_265, %ne3A_260 : i1
            %add3A_267 = arith.addi %rem3A_258, %select_n3A_257 : i32
            %select_n3A_268 = arith.select %and3A_266, %add3A_267, %rem3A_258 : i32
            %mul3A_269 = arith.constant 16 : i32
            %mul3A_270 = arith.muli %arg1, %mul3A_269 : i32
            %mul3A_271 = arith.constant 8 : i32
            %mul3A_272 = arith.muli %select_n3A_268, %mul3A_271 : i32
            "tpu.region"() ({
              %run_scoped3A = tpu.sem_alloc : memref<!tpu.dma_semaphore, #tpu.memory_space<semaphore_mem>>
              %dma_start3A = arith.constant 0 : i32
              %dma_start3A_273 = tpu.memref_slice %arg3[%select_n3A_228, %select_n3A_252, %mul3A_270, %mul3A_272, %dma_start3A] : memref<2x2x192x224x224xf32, #tpu.memory_space<hbm>> -> memref<1x1x16x8x224xf32, #tpu.memory_space<hbm>>
              %dma_start3A_274 = tpu.memref_squeeze %dma_start3A_273 : memref<1x1x16x8x224xf32, #tpu.memory_space<hbm>> -> memref<16x8x224xf32, #tpu.memory_space<hbm>>
              %dma_start3A_275 = arith.constant 0 : i32
              %dma_start3A_276 = tpu.memref_slice %arg3[%select_n3A_228, %select_n3A_252, %mul3A_270, %mul3A_272, %dma_start3A_275] : memref<2x2x192x224x224xf32, #tpu.memory_space<hbm>> -> memref<1x1x16x8x224xf32, #tpu.memory_space<hbm>>
              %dma_start3A_277 = tpu.memref_squeeze %dma_start3A_276 : memref<1x1x16x8x224xf32, #tpu.memory_space<hbm>> -> memref<16x8x224xf32, #tpu.memory_space<hbm>>
              tpu.enqueue_dma source(%dma_start3A_277 : memref<16x8x224xf32, #tpu.memory_space<hbm>>) target(%arg13 : memref<16x8x224xf32, #tpu.memory_space<vmem>>) target_semaphore(%run_scoped3A : memref<!tpu.dma_semaphore, #tpu.memory_space<semaphore_mem>>)
              %dma_wait3A = arith.constant 0 : i32
              %dma_wait3A_278 = tpu.memref_slice %arg3[%select_n3A_228, %select_n3A_252, %mul3A_270, %mul3A_272, %dma_wait3A] : memref<2x2x192x224x224xf32, #tpu.memory_space<hbm>> -> memref<1x1x16x8x224xf32, #tpu.memory_space<hbm>>
              %dma_wait3A_279 = tpu.memref_squeeze %dma_wait3A_278 : memref<1x1x16x8x224xf32, #tpu.memory_space<hbm>> -> memref<16x8x224xf32, #tpu.memory_space<hbm>>
              %dma_wait3A_280 = arith.constant 0 : i32
              %dma_wait3A_281 = tpu.memref_slice %arg3[%select_n3A_228, %select_n3A_252, %mul3A_270, %mul3A_272, %dma_wait3A_280] : memref<2x2x192x224x224xf32, #tpu.memory_space<hbm>> -> memref<1x1x16x8x224xf32, #tpu.memory_space<hbm>>
              %dma_wait3A_282 = tpu.memref_squeeze %dma_wait3A_281 : memref<1x1x16x8x224xf32, #tpu.memory_space<hbm>> -> memref<16x8x224xf32, #tpu.memory_space<hbm>>
              tpu.wait_dma2 semaphore(%run_scoped3A : memref<!tpu.dma_semaphore, #tpu.memory_space<semaphore_mem>>) src(%dma_wait3A_282 : memref<16x8x224xf32, #tpu.memory_space<hbm>>) dst(%arg13 : memref<16x8x224xf32, #tpu.memory_space<vmem>>)
              tpu.yield
            }) : () -> ()
          } else {
          }
          %gather3A = tpu.vector_load_idx %arg13[%broadcast_in_dim3A_23, %get3A_69, %get3A_73] : memref<16x8x224xf32, #tpu.memory_space<vmem>>[vector<16xi32>, vector<16xi32>, vector<16xi32>], vector<16xf32>,
          %mul3A_87 = arith.constant 16 : i32
          %mul3A_88 = arith.muli %scan3A_61, %mul3A_87 : i32
          %swap3A = arith.constant 0 : i32
          %swap3A_89 = arith.index_cast %swap3A : i32 to index
          %swap3A_90 = arith.index_cast %mul3A_88 : i32 to index
          %swap3A_91 = tpu.vector_load %arg14[%swap3A_89, %swap3A_90] {strides = array<i32>} : memref<16x448xf32, #tpu.memory_space<vmem>>, vector<16xf32>,
          tpu.vector_store %arg14[%swap3A_89, %swap3A_90], %gather3A {strides = array<i32>} : memref<16x448xf32, #tpu.memory_space<vmem>>, vector<16xf32>,
          %gather3A_92 = tpu.vector_load_idx %arg13[%broadcast_in_dim3A_25, %get3A_69, %get3A_73] : memref<16x8x224xf32, #tpu.memory_space<vmem>>[vector<16xi32>, vector<16xi32>, vector<16xi32>], vector<16xf32>,
          %mul3A_93 = arith.constant 16 : i32
          %mul3A_94 = arith.muli %scan3A_61, %mul3A_93 : i32
          %swap3A_95 = arith.constant 1 : i32
          %swap3A_96 = arith.index_cast %swap3A_95 : i32 to index
          %swap3A_97 = arith.index_cast %mul3A_94 : i32 to index
          %swap3A_98 = tpu.vector_load %arg14[%swap3A_96, %swap3A_97] {strides = array<i32>} : memref<16x448xf32, #tpu.memory_space<vmem>>, vector<16xf32>,
          tpu.vector_store %arg14[%swap3A_96, %swap3A_97], %gather3A_92 {strides = array<i32>} : memref<16x448xf32, #tpu.memory_space<vmem>>, vector<16xf32>,
          %gather3A_99 = tpu.vector_load_idx %arg13[%broadcast_in_dim3A_27, %get3A_69, %get3A_73] : memref<16x8x224xf32, #tpu.memory_space<vmem>>[vector<16xi32>, vector<16xi32>, vector<16xi32>], vector<16xf32>,
          %mul3A_100 = arith.constant 16 : i32
          %mul3A_101 = arith.muli %scan3A_61, %mul3A_100 : i32
          %swap3A_102 = arith.constant 2 : i32
          %swap3A_103 = arith.index_cast %swap3A_102 : i32 to index
          %swap3A_104 = arith.index_cast %mul3A_101 : i32 to index
          %swap3A_105 = tpu.vector_load %arg14[%swap3A_103, %swap3A_104] {strides = array<i32>} : memref<16x448xf32, #tpu.memory_space<vmem>>, vector<16xf32>,
          tpu.vector_store %arg14[%swap3A_103, %swap3A_104], %gather3A_99 {strides = array<i32>} : memref<16x448xf32, #tpu.memory_space<vmem>>, vector<16xf32>,
          %gather3A_106 = tpu.vector_load_idx %arg13[%broadcast_in_dim3A_29, %get3A_69, %get3A_73] : memref<16x8x224xf32, #tpu.memory_space<vmem>>[vector<16xi32>, vector<16xi32>, vector<16xi32>], vector<16xf32>,
          %mul3A_107 = arith.constant 16 : i32
          %mul3A_108 = arith.muli %scan3A_61, %mul3A_107 : i32
          %swap3A_109 = arith.constant 3 : i32
          %swap3A_110 = arith.index_cast %swap3A_109 : i32 to index
          %swap3A_111 = arith.index_cast %mul3A_108 : i32 to index
          %swap3A_112 = tpu.vector_load %arg14[%swap3A_110, %swap3A_111] {strides = array<i32>} : memref<16x448xf32, #tpu.memory_space<vmem>>, vector<16xf32>,
          tpu.vector_store %arg14[%swap3A_110, %swap3A_111], %gather3A_106 {strides = array<i32>} : memref<16x448xf32, #tpu.memory_space<vmem>>, vector<16xf32>,
          %gather3A_113 = tpu.vector_load_idx %arg13[%broadcast_in_dim3A_31, %get3A_69, %get3A_73] : memref<16x8x224xf32, #tpu.memory_space<vmem>>[vector<16xi32>, vector<16xi32>, vector<16xi32>], vector<16xf32>,
          %mul3A_114 = arith.constant 16 : i32
          %mul3A_115 = arith.muli %scan3A_61, %mul3A_114 : i32
          %swap3A_116 = arith.constant 4 : i32
          %swap3A_117 = arith.index_cast %swap3A_116 : i32 to index
          %swap3A_118 = arith.index_cast %mul3A_115 : i32 to index
          %swap3A_119 = tpu.vector_load %arg14[%swap3A_117, %swap3A_118] {strides = array<i32>} : memref<16x448xf32, #tpu.memory_space<vmem>>, vector<16xf32>,
          tpu.vector_store %arg14[%swap3A_117, %swap3A_118], %gather3A_113 {strides = array<i32>} : memref<16x448xf32, #tpu.memory_space<vmem>>, vector<16xf32>,
          %gather3A_120 = tpu.vector_load_idx %arg13[%broadcast_in_dim3A_33, %get3A_69, %get3A_73] : memref<16x8x224xf32, #tpu.memory_space<vmem>>[vector<16xi32>, vector<16xi32>, vector<16xi32>], vector<16xf32>,
          %mul3A_121 = arith.constant 16 : i32
          %mul3A_122 = arith.muli %scan3A_61, %mul3A_121 : i32
          %swap3A_123 = arith.constant 5 : i32
          %swap3A_124 = arith.index_cast %swap3A_123 : i32 to index
          %swap3A_125 = arith.index_cast %mul3A_122 : i32 to index
          %swap3A_126 = tpu.vector_load %arg14[%swap3A_124, %swap3A_125] {strides = array<i32>} : memref<16x448xf32, #tpu.memory_space<vmem>>, vector<16xf32>,
          tpu.vector_store %arg14[%swap3A_124, %swap3A_125], %gather3A_120 {strides = array<i32>} : memref<16x448xf32, #tpu.memory_space<vmem>>, vector<16xf32>,
          %gather3A_127 = tpu.vector_load_idx %arg13[%broadcast_in_dim3A_35, %get3A_69, %get3A_73] : memref<16x8x224xf32, #tpu.memory_space<vmem>>[vector<16xi32>, vector<16xi32>, vector<16xi32>], vector<16xf32>,
          %mul3A_128 = arith.constant 16 : i32
          %mul3A_129 = arith.muli %scan3A_61, %mul3A_128 : i32
          %swap3A_130 = arith.constant 6 : i32
          %swap3A_131 = arith.index_cast %swap3A_130 : i32 to index
          %swap3A_132 = arith.index_cast %mul3A_129 : i32 to index
          %swap3A_133 = tpu.vector_load %arg14[%swap3A_131, %swap3A_132] {strides = array<i32>} : memref<16x448xf32, #tpu.memory_space<vmem>>, vector<16xf32>,
          tpu.vector_store %arg14[%swap3A_131, %swap3A_132], %gather3A_127 {strides = array<i32>} : memref<16x448xf32, #tpu.memory_space<vmem>>, vector<16xf32>,
          %gather3A_134 = tpu.vector_load_idx %arg13[%broadcast_in_dim3A_37, %get3A_69, %get3A_73] : memref<16x8x224xf32, #tpu.memory_space<vmem>>[vector<16xi32>, vector<16xi32>, vector<16xi32>], vector<16xf32>,
          %mul3A_135 = arith.constant 16 : i32
          %mul3A_136 = arith.muli %scan3A_61, %mul3A_135 : i32
          %swap3A_137 = arith.constant 7 : i32
          %swap3A_138 = arith.index_cast %swap3A_137 : i32 to index
          %swap3A_139 = arith.index_cast %mul3A_136 : i32 to index
          %swap3A_140 = tpu.vector_load %arg14[%swap3A_138, %swap3A_139] {strides = array<i32>} : memref<16x448xf32, #tpu.memory_space<vmem>>, vector<16xf32>,
          tpu.vector_store %arg14[%swap3A_138, %swap3A_139], %gather3A_134 {strides = array<i32>} : memref<16x448xf32, #tpu.memory_space<vmem>>, vector<16xf32>,
          %gather3A_141 = tpu.vector_load_idx %arg13[%broadcast_in_dim3A_39, %get3A_69, %get3A_73] : memref<16x8x224xf32, #tpu.memory_space<vmem>>[vector<16xi32>, vector<16xi32>, vector<16xi32>], vector<16xf32>,
          %mul3A_142 = arith.constant 16 : i32
          %mul3A_143 = arith.muli %scan3A_61, %mul3A_142 : i32
          %swap3A_144 = arith.constant 8 : i32
          %swap3A_145 = arith.index_cast %swap3A_144 : i32 to index
          %swap3A_146 = arith.index_cast %mul3A_143 : i32 to index
          %swap3A_147 = tpu.vector_load %arg14[%swap3A_145, %swap3A_146] {strides = array<i32>} : memref<16x448xf32, #tpu.memory_space<vmem>>, vector<16xf32>,
          tpu.vector_store %arg14[%swap3A_145, %swap3A_146], %gather3A_141 {strides = array<i32>} : memref<16x448xf32, #tpu.memory_space<vmem>>, vector<16xf32>,
          %gather3A_148 = tpu.vector_load_idx %arg13[%broadcast_in_dim3A_41, %get3A_69, %get3A_73] : memref<16x8x224xf32, #tpu.memory_space<vmem>>[vector<16xi32>, vector<16xi32>, vector<16xi32>], vector<16xf32>,
          %mul3A_149 = arith.constant 16 : i32
          %mul3A_150 = arith.muli %scan3A_61, %mul3A_149 : i32
          %swap3A_151 = arith.constant 9 : i32
          %swap3A_152 = arith.index_cast %swap3A_151 : i32 to index
          %swap3A_153 = arith.index_cast %mul3A_150 : i32 to index
          %swap3A_154 = tpu.vector_load %arg14[%swap3A_152, %swap3A_153] {strides = array<i32>} : memref<16x448xf32, #tpu.memory_space<vmem>>, vector<16xf32>,
          tpu.vector_store %arg14[%swap3A_152, %swap3A_153], %gather3A_148 {strides = array<i32>} : memref<16x448xf32, #tpu.memory_space<vmem>>, vector<16xf32>,
          %gather3A_155 = tpu.vector_load_idx %arg13[%broadcast_in_dim3A_43, %get3A_69, %get3A_73] : memref<16x8x224xf32, #tpu.memory_space<vmem>>[vector<16xi32>, vector<16xi32>, vector<16xi32>], vector<16xf32>,
          %mul3A_156 = arith.constant 16 : i32
          %mul3A_157 = arith.muli %scan3A_61, %mul3A_156 : i32
          %swap3A_158 = arith.constant 10 : i32
          %swap3A_159 = arith.index_cast %swap3A_158 : i32 to index
          %swap3A_160 = arith.index_cast %mul3A_157 : i32 to index
          %swap3A_161 = tpu.vector_load %arg14[%swap3A_159, %swap3A_160] {strides = array<i32>} : memref<16x448xf32, #tpu.memory_space<vmem>>, vector<16xf32>,
          tpu.vector_store %arg14[%swap3A_159, %swap3A_160], %gather3A_155 {strides = array<i32>} : memref<16x448xf32, #tpu.memory_space<vmem>>, vector<16xf32>,
          %gather3A_162 = tpu.vector_load_idx %arg13[%broadcast_in_dim3A_45, %get3A_69, %get3A_73] : memref<16x8x224xf32, #tpu.memory_space<vmem>>[vector<16xi32>, vector<16xi32>, vector<16xi32>], vector<16xf32>,
          %mul3A_163 = arith.constant 16 : i32
          %mul3A_164 = arith.muli %scan3A_61, %mul3A_163 : i32
          %swap3A_165 = arith.constant 11 : i32
          %swap3A_166 = arith.index_cast %swap3A_165 : i32 to index
          %swap3A_167 = arith.index_cast %mul3A_164 : i32 to index
          %swap3A_168 = tpu.vector_load %arg14[%swap3A_166, %swap3A_167] {strides = array<i32>} : memref<16x448xf32, #tpu.memory_space<vmem>>, vector<16xf32>,
          tpu.vector_store %arg14[%swap3A_166, %swap3A_167], %gather3A_162 {strides = array<i32>} : memref<16x448xf32, #tpu.memory_space<vmem>>, vector<16xf32>,
          %gather3A_169 = tpu.vector_load_idx %arg13[%broadcast_in_dim3A_47, %get3A_69, %get3A_73] : memref<16x8x224xf32, #tpu.memory_space<vmem>>[vector<16xi32>, vector<16xi32>, vector<16xi32>], vector<16xf32>,
          %mul3A_170 = arith.constant 16 : i32
          %mul3A_171 = arith.muli %scan3A_61, %mul3A_170 : i32
          %swap3A_172 = arith.constant 12 : i32
          %swap3A_173 = arith.index_cast %swap3A_172 : i32 to index
          %swap3A_174 = arith.index_cast %mul3A_171 : i32 to index
          %swap3A_175 = tpu.vector_load %arg14[%swap3A_173, %swap3A_174] {strides = array<i32>} : memref<16x448xf32, #tpu.memory_space<vmem>>, vector<16xf32>,
          tpu.vector_store %arg14[%swap3A_173, %swap3A_174], %gather3A_169 {strides = array<i32>} : memref<16x448xf32, #tpu.memory_space<vmem>>, vector<16xf32>,
          %gather3A_176 = tpu.vector_load_idx %arg13[%broadcast_in_dim3A_49, %get3A_69, %get3A_73] : memref<16x8x224xf32, #tpu.memory_space<vmem>>[vector<16xi32>, vector<16xi32>, vector<16xi32>], vector<16xf32>,
          %mul3A_177 = arith.constant 16 : i32
          %mul3A_178 = arith.muli %scan3A_61, %mul3A_177 : i32
          %swap3A_179 = arith.constant 13 : i32
          %swap3A_180 = arith.index_cast %swap3A_179 : i32 to index
          %swap3A_181 = arith.index_cast %mul3A_178 : i32 to index
          %swap3A_182 = tpu.vector_load %arg14[%swap3A_180, %swap3A_181] {strides = array<i32>} : memref<16x448xf32, #tpu.memory_space<vmem>>, vector<16xf32>,
          tpu.vector_store %arg14[%swap3A_180, %swap3A_181], %gather3A_176 {strides = array<i32>} : memref<16x448xf32, #tpu.memory_space<vmem>>, vector<16xf32>,
          %gather3A_183 = tpu.vector_load_idx %arg13[%broadcast_in_dim3A_51, %get3A_69, %get3A_73] : memref<16x8x224xf32, #tpu.memory_space<vmem>>[vector<16xi32>, vector<16xi32>, vector<16xi32>], vector<16xf32>,
          %mul3A_184 = arith.constant 16 : i32
          %mul3A_185 = arith.muli %scan3A_61, %mul3A_184 : i32
          %swap3A_186 = arith.constant 14 : i32
          %swap3A_187 = arith.index_cast %swap3A_186 : i32 to index
          %swap3A_188 = arith.index_cast %mul3A_185 : i32 to index
          %swap3A_189 = tpu.vector_load %arg14[%swap3A_187, %swap3A_188] {strides = array<i32>} : memref<16x448xf32, #tpu.memory_space<vmem>>, vector<16xf32>,
          tpu.vector_store %arg14[%swap3A_187, %swap3A_188], %gather3A_183 {strides = array<i32>} : memref<16x448xf32, #tpu.memory_space<vmem>>, vector<16xf32>,
          %gather3A_190 = tpu.vector_load_idx %arg13[%broadcast_in_dim3A_53, %get3A_69, %get3A_73] : memref<16x8x224xf32, #tpu.memory_space<vmem>>[vector<16xi32>, vector<16xi32>, vector<16xi32>], vector<16xf32>,
          %mul3A_191 = arith.constant 16 : i32
          %mul3A_192 = arith.muli %scan3A_61, %mul3A_191 : i32
          %swap3A_193 = arith.constant 15 : i32
          %swap3A_194 = arith.index_cast %swap3A_193 : i32 to index
          %swap3A_195 = arith.index_cast %mul3A_192 : i32 to index
          %swap3A_196 = tpu.vector_load %arg14[%swap3A_194, %swap3A_195] {strides = array<i32>} : memref<16x448xf32, #tpu.memory_space<vmem>>, vector<16xf32>,
          tpu.vector_store %arg14[%swap3A_194, %swap3A_195], %gather3A_190 {strides = array<i32>} : memref<16x448xf32, #tpu.memory_space<vmem>>, vector<16xf32>,
          scf.yield %squeeze3A : i32
        } else {
          %reduce_min3A = arith.constant true
          %reduce_min3A_84 = vector.broadcast %reduce_min3A : i1 to vector<16xi1>
          %reduce_min3A_85 = arith.constant -2147483648 : i32
          %reduce_min3A_86 = vector.broadcast %reduce_min3A_85 : i32 to vector<16xi32>
          %reduce_min3A_87 = arith.xori %get3A_65, %reduce_min3A_86 : vector<16xi32>
          %reduce_min3A_88 = tpu.scan <min>, %reduce_min3A_87 masked %reduce_min3A_84 : vector<16xi32>, vector<16xi1> -> vector<16xi32>
          %reduce_min3A_89 = arith.xori %reduce_min3A_88, %reduce_min3A_86 : vector<16xi32>
          %reduce_min3A_90 = vector.extract %reduce_min3A_89[15] : i32 from vector<16xi32>
          %reduce_max3A = arith.constant true
          %reduce_max3A_91 = vector.broadcast %reduce_max3A : i1 to vector<16xi1>
          %reduce_max3A_92 = arith.constant -2147483648 : i32
          %reduce_max3A_93 = vector.broadcast %reduce_max3A_92 : i32 to vector<16xi32>
          %reduce_max3A_94 = arith.xori %get3A_65, %reduce_max3A_93 : vector<16xi32>
          %reduce_max3A_95 = tpu.scan <max>, %reduce_max3A_94 masked %reduce_max3A_91 : vector<16xi32>, vector<16xi1> -> vector<16xi32>
          %reduce_max3A_96 = arith.xori %reduce_max3A_95, %reduce_max3A_93 : vector<16xi32>
          %reduce_max3A_97 = vector.extract %reduce_max3A_96[15] : i32 from vector<16xi32>
          %mul3A_98 = arith.constant 16 : i32
          %mul3A_99 = arith.muli %scan3A_61, %mul3A_98 : i32
          %add3A = vector.broadcast %mul3A_99 : i32 to vector<16xi32>
          %add3A_100 = arith.addi %add3A, %iota3A : vector<16xi32>
          %while3A:2 = scf.while (%while3A_101 = %reduce_min3A_90, %while3A_102 = %scan3A_62) : (i32, i32) -> (i32, i32) {
            %le3A = arith.cmpi sle, %while3A_101, %reduce_max3A_97 : i32
            scf.condition(%le3A) %while3A_101, %while3A_102 : i32, i32
          } do {
          ^bb0(%while3A_101: i32, %while3A_102: i32):
            %ne3A = arith.cmpi ne, %while3A_101, %while3A_102 : i32
            %convert_element_type3A_103 = arith.extui %ne3A : i1 to i32
            %cond3A_104 = arith.constant 0 : i32
            %cond3A_105 = arith.cmpi ne, %convert_element_type3A_103, %cond3A_104 : i32
            scf.if %cond3A_105 {
              %jit3A = arith.constant 28 : i32
              %div3A = arith.divsi %while3A_101, %jit3A : i32
              %sign3A = arith.constant 0 : i32
              %sign3A_125 = arith.cmpi sgt, %while3A_101, %sign3A : i32
              %sign3A_126 = arith.extui %sign3A_125 : i1 to i32
              %sign3A_127 = arith.constant 0 : i32
              %sign3A_128 = arith.cmpi slt, %while3A_101, %sign3A_127 : i32
              %sign3A_129 = arith.extui %sign3A_128 : i1 to i32
              %sign3A_130 = arith.subi %sign3A_126, %sign3A_129 : i32
              %sign3A_131 = arith.constant 0 : i32
              %sign3A_132 = arith.cmpi sgt, %jit3A, %sign3A_131 : i32
              %sign3A_133 = arith.extui %sign3A_132 : i1 to i32
              %sign3A_134 = arith.constant 0 : i32
              %sign3A_135 = arith.cmpi slt, %jit3A, %sign3A_134 : i32
              %sign3A_136 = arith.extui %sign3A_135 : i1 to i32
              %sign3A_137 = arith.subi %sign3A_133, %sign3A_136 : i32
              %ne3A_138 = arith.cmpi ne, %sign3A_130, %sign3A_137 : i32
              %rem3A = arith.remsi %while3A_101, %jit3A : i32
              %ne3A_139 = arith.constant 0 : i32
              %ne3A_140 = arith.cmpi ne, %rem3A, %ne3A_139 : i32
              %and3A = arith.andi %ne3A_138, %ne3A_140 : i1
              %sub3A = arith.constant 1 : i32
              %sub3A_141 = arith.subi %div3A, %sub3A : i32
              %select_n3A = arith.select %and3A, %sub3A_141, %div3A : i32
              %jit3A_142 = arith.constant 2 : i32
              %eq3A_143 = arith.constant 0 : i32
              %eq3A_144 = arith.cmpi eq, %jit3A_142, %eq3A_143 : i32
              %jit3A_145 = arith.constant 1 : i32
              %select_n3A_146 = arith.select %eq3A_144, %jit3A_145, %jit3A_142 : i32
              %rem3A_147 = arith.remsi %select_n3A, %select_n3A_146 : i32
              %ne3A_148 = arith.constant 0 : i32
              %ne3A_149 = arith.cmpi ne, %rem3A_147, %ne3A_148 : i32
              %lt3A_150 = arith.constant 0 : i32
              %lt3A_151 = arith.cmpi slt, %rem3A_147, %lt3A_150 : i32
              %lt3A_152 = arith.constant 0 : i32
              %lt3A_153 = arith.cmpi slt, %select_n3A_146, %lt3A_152 : i32
              %ne3A_154 = arith.xori %lt3A_151, %lt3A_153 : i1
              %and3A_155 = arith.andi %ne3A_154, %ne3A_149 : i1
              %add3A_156 = arith.addi %rem3A_147, %select_n3A_146 : i32
              %select_n3A_157 = arith.select %and3A_155, %add3A_156, %rem3A_147 : i32
              %jit3A_158 = arith.constant 2 : i32
              %div3A_159 = arith.divsi %select_n3A, %jit3A_158 : i32
              %sign3A_160 = arith.constant 0 : i32
              %sign3A_161 = arith.cmpi sgt, %select_n3A, %sign3A_160 : i32
              %sign3A_162 = arith.extui %sign3A_161 : i1 to i32
              %sign3A_163 = arith.constant 0 : i32
              %sign3A_164 = arith.cmpi slt, %select_n3A, %sign3A_163 : i32
              %sign3A_165 = arith.extui %sign3A_164 : i1 to i32
              %sign3A_166 = arith.subi %sign3A_162, %sign3A_165 : i32
              %sign3A_167 = arith.constant 0 : i32
              %sign3A_168 = arith.cmpi sgt, %jit3A_158, %sign3A_167 : i32
              %sign3A_169 = arith.extui %sign3A_168 : i1 to i32
              %sign3A_170 = arith.constant 0 : i32
              %sign3A_171 = arith.cmpi slt, %jit3A_158, %sign3A_170 : i32
              %sign3A_172 = arith.extui %sign3A_171 : i1 to i32
              %sign3A_173 = arith.subi %sign3A_169, %sign3A_172 : i32
              %ne3A_174 = arith.cmpi ne, %sign3A_166, %sign3A_173 : i32
              %rem3A_175 = arith.remsi %select_n3A, %jit3A_158 : i32
              %ne3A_176 = arith.constant 0 : i32
              %ne3A_177 = arith.cmpi ne, %rem3A_175, %ne3A_176 : i32
              %and3A_178 = arith.andi %ne3A_174, %ne3A_177 : i1
              %sub3A_179 = arith.constant 1 : i32
              %sub3A_180 = arith.subi %div3A_159, %sub3A_179 : i32
              %select_n3A_181 = arith.select %and3A_178, %sub3A_180, %div3A_159 : i32
              %jit3A_182 = arith.constant 28 : i32
              %eq3A_183 = arith.constant 0 : i32
              %eq3A_184 = arith.cmpi eq, %jit3A_182, %eq3A_183 : i32
              %jit3A_185 = arith.constant 1 : i32
              %select_n3A_186 = arith.select %eq3A_184, %jit3A_185, %jit3A_182 : i32
              %rem3A_187 = arith.remsi %while3A_101, %select_n3A_186 : i32
              %ne3A_188 = arith.constant 0 : i32
              %ne3A_189 = arith.cmpi ne, %rem3A_187, %ne3A_188 : i32
              %lt3A_190 = arith.constant 0 : i32
              %lt3A_191 = arith.cmpi slt, %rem3A_187, %lt3A_190 : i32
              %lt3A_192 = arith.constant 0 : i32
              %lt3A_193 = arith.cmpi slt, %select_n3A_186, %lt3A_192 : i32
              %ne3A_194 = arith.xori %lt3A_191, %lt3A_193 : i1
              %and3A_195 = arith.andi %ne3A_194, %ne3A_189 : i1
              %add3A_196 = arith.addi %rem3A_187, %select_n3A_186 : i32
              %select_n3A_197 = arith.select %and3A_195, %add3A_196, %rem3A_187 : i32
              %mul3A_198 = arith.constant 16 : i32
              %mul3A_199 = arith.muli %arg1, %mul3A_198 : i32
              %mul3A_200 = arith.constant 8 : i32
              %mul3A_201 = arith.muli %select_n3A_197, %mul3A_200 : i32
              "tpu.region"() ({
                %run_scoped3A = tpu.sem_alloc : memref<!tpu.dma_semaphore, #tpu.memory_space<semaphore_mem>>
                %dma_start3A = arith.constant 0 : i32
                %dma_start3A_202 = tpu.memref_slice %arg3[%select_n3A_157, %select_n3A_181, %mul3A_199, %mul3A_201, %dma_start3A] : memref<2x2x192x224x224xf32, #tpu.memory_space<hbm>> -> memref<1x1x16x8x224xf32, #tpu.memory_space<hbm>>
                %dma_start3A_203 = tpu.memref_squeeze %dma_start3A_202 : memref<1x1x16x8x224xf32, #tpu.memory_space<hbm>> -> memref<16x8x224xf32, #tpu.memory_space<hbm>>
                %dma_start3A_204 = arith.constant 0 : i32
                %dma_start3A_205 = tpu.memref_slice %arg3[%select_n3A_157, %select_n3A_181, %mul3A_199, %mul3A_201, %dma_start3A_204] : memref<2x2x192x224x224xf32, #tpu.memory_space<hbm>> -> memref<1x1x16x8x224xf32, #tpu.memory_space<hbm>>
                %dma_start3A_206 = tpu.memref_squeeze %dma_start3A_205 : memref<1x1x16x8x224xf32, #tpu.memory_space<hbm>> -> memref<16x8x224xf32, #tpu.memory_space<hbm>>
                tpu.enqueue_dma source(%dma_start3A_206 : memref<16x8x224xf32, #tpu.memory_space<hbm>>) target(%arg13 : memref<16x8x224xf32, #tpu.memory_space<vmem>>) target_semaphore(%run_scoped3A : memref<!tpu.dma_semaphore, #tpu.memory_space<semaphore_mem>>)
                %dma_wait3A = arith.constant 0 : i32
                %dma_wait3A_207 = tpu.memref_slice %arg3[%select_n3A_157, %select_n3A_181, %mul3A_199, %mul3A_201, %dma_wait3A] : memref<2x2x192x224x224xf32, #tpu.memory_space<hbm>> -> memref<1x1x16x8x224xf32, #tpu.memory_space<hbm>>
                %dma_wait3A_208 = tpu.memref_squeeze %dma_wait3A_207 : memref<1x1x16x8x224xf32, #tpu.memory_space<hbm>> -> memref<16x8x224xf32, #tpu.memory_space<hbm>>
                %dma_wait3A_209 = arith.constant 0 : i32
                %dma_wait3A_210 = tpu.memref_slice %arg3[%select_n3A_157, %select_n3A_181, %mul3A_199, %mul3A_201, %dma_wait3A_209] : memref<2x2x192x224x224xf32, #tpu.memory_space<hbm>> -> memref<1x1x16x8x224xf32, #tpu.memory_space<hbm>>
                %dma_wait3A_211 = tpu.memref_squeeze %dma_wait3A_210 : memref<1x1x16x8x224xf32, #tpu.memory_space<hbm>> -> memref<16x8x224xf32, #tpu.memory_space<hbm>>
                tpu.wait_dma2 semaphore(%run_scoped3A : memref<!tpu.dma_semaphore, #tpu.memory_space<semaphore_mem>>) src(%dma_wait3A_211 : memref<16x8x224xf32, #tpu.memory_space<hbm>>) dst(%arg13 : memref<16x8x224xf32, #tpu.memory_space<vmem>>)
                tpu.yield
              }) : () -> ()
            } else {
            }
            %eq3A_106 = vector.broadcast %while3A_101 : i32 to vector<16xi32>
            %eq3A_107 = arith.cmpi eq, %get3A_65, %eq3A_106 : vector<16xi32>
            %gather3A = tpu.vector_load_idx %arg13[%broadcast_in_dim3A_23, %get3A_69, %get3A_73] masked %eq3A_107 : memref<16x8x224xf32, #tpu.memory_space<vmem>>[vector<16xi32>, vector<16xi32>, vector<16xi32>], vector<16xf32>, vector<16xi1>
            tpu.vector_store_idx %arg14[%broadcast_in_dim3A_23, %add3A_100], %gather3A masked %eq3A_107 : memref<16x448xf32, #tpu.memory_space<vmem>>[vector<16xi32>, vector<16xi32>], vector<16xf32>, vector<16xi1>
            %gather3A_108 = tpu.vector_load_idx %arg13[%broadcast_in_dim3A_25, %get3A_69, %get3A_73] masked %eq3A_107 : memref<16x8x224xf32, #tpu.memory_space<vmem>>[vector<16xi32>, vector<16xi32>, vector<16xi32>], vector<16xf32>, vector<16xi1>
            tpu.vector_store_idx %arg14[%broadcast_in_dim3A_25, %add3A_100], %gather3A_108 masked %eq3A_107 : memref<16x448xf32, #tpu.memory_space<vmem>>[vector<16xi32>, vector<16xi32>], vector<16xf32>, vector<16xi1>
            %gather3A_109 = tpu.vector_load_idx %arg13[%broadcast_in_dim3A_27, %get3A_69, %get3A_73] masked %eq3A_107 : memref<16x8x224xf32, #tpu.memory_space<vmem>>[vector<16xi32>, vector<16xi32>, vector<16xi32>], vector<16xf32>, vector<16xi1>
            tpu.vector_store_idx %arg14[%broadcast_in_dim3A_27, %add3A_100], %gather3A_109 masked %eq3A_107 : memref<16x448xf32, #tpu.memory_space<vmem>>[vector<16xi32>, vector<16xi32>], vector<16xf32>, vector<16xi1>
            %gather3A_110 = tpu.vector_load_idx %arg13[%broadcast_in_dim3A_29, %get3A_69, %get3A_73] masked %eq3A_107 : memref<16x8x224xf32, #tpu.memory_space<vmem>>[vector<16xi32>, vector<16xi32>, vector<16xi32>], vector<16xf32>, vector<16xi1>
            tpu.vector_store_idx %arg14[%broadcast_in_dim3A_29, %add3A_100], %gather3A_110 masked %eq3A_107 : memref<16x448xf32, #tpu.memory_space<vmem>>[vector<16xi32>, vector<16xi32>], vector<16xf32>, vector<16xi1>
            %gather3A_111 = tpu.vector_load_idx %arg13[%broadcast_in_dim3A_31, %get3A_69, %get3A_73] masked %eq3A_107 : memref<16x8x224xf32, #tpu.memory_space<vmem>>[vector<16xi32>, vector<16xi32>, vector<16xi32>], vector<16xf32>, vector<16xi1>
            tpu.vector_store_idx %arg14[%broadcast_in_dim3A_31, %add3A_100], %gather3A_111 masked %eq3A_107 : memref<16x448xf32, #tpu.memory_space<vmem>>[vector<16xi32>, vector<16xi32>], vector<16xf32>, vector<16xi1>
            %gather3A_112 = tpu.vector_load_idx %arg13[%broadcast_in_dim3A_33, %get3A_69, %get3A_73] masked %eq3A_107 : memref<16x8x224xf32, #tpu.memory_space<vmem>>[vector<16xi32>, vector<16xi32>, vector<16xi32>], vector<16xf32>, vector<16xi1>
            tpu.vector_store_idx %arg14[%broadcast_in_dim3A_33, %add3A_100], %gather3A_112 masked %eq3A_107 : memref<16x448xf32, #tpu.memory_space<vmem>>[vector<16xi32>, vector<16xi32>], vector<16xf32>, vector<16xi1>
            %gather3A_113 = tpu.vector_load_idx %arg13[%broadcast_in_dim3A_35, %get3A_69, %get3A_73] masked %eq3A_107 : memref<16x8x224xf32, #tpu.memory_space<vmem>>[vector<16xi32>, vector<16xi32>, vector<16xi32>], vector<16xf32>, vector<16xi1>
            tpu.vector_store_idx %arg14[%broadcast_in_dim3A_35, %add3A_100], %gather3A_113 masked %eq3A_107 : memref<16x448xf32, #tpu.memory_space<vmem>>[vector<16xi32>, vector<16xi32>], vector<16xf32>, vector<16xi1>
            %gather3A_114 = tpu.vector_load_idx %arg13[%broadcast_in_dim3A_37, %get3A_69, %get3A_73] masked %eq3A_107 : memref<16x8x224xf32, #tpu.memory_space<vmem>>[vector<16xi32>, vector<16xi32>, vector<16xi32>], vector<16xf32>, vector<16xi1>
            tpu.vector_store_idx %arg14[%broadcast_in_dim3A_37, %add3A_100], %gather3A_114 masked %eq3A_107 : memref<16x448xf32, #tpu.memory_space<vmem>>[vector<16xi32>, vector<16xi32>], vector<16xf32>, vector<16xi1>
            %gather3A_115 = tpu.vector_load_idx %arg13[%broadcast_in_dim3A_39, %get3A_69, %get3A_73] masked %eq3A_107 : memref<16x8x224xf32, #tpu.memory_space<vmem>>[vector<16xi32>, vector<16xi32>, vector<16xi32>], vector<16xf32>, vector<16xi1>
            tpu.vector_store_idx %arg14[%broadcast_in_dim3A_39, %add3A_100], %gather3A_115 masked %eq3A_107 : memref<16x448xf32, #tpu.memory_space<vmem>>[vector<16xi32>, vector<16xi32>], vector<16xf32>, vector<16xi1>
            %gather3A_116 = tpu.vector_load_idx %arg13[%broadcast_in_dim3A_41, %get3A_69, %get3A_73] masked %eq3A_107 : memref<16x8x224xf32, #tpu.memory_space<vmem>>[vector<16xi32>, vector<16xi32>, vector<16xi32>], vector<16xf32>, vector<16xi1>
            tpu.vector_store_idx %arg14[%broadcast_in_dim3A_41, %add3A_100], %gather3A_116 masked %eq3A_107 : memref<16x448xf32, #tpu.memory_space<vmem>>[vector<16xi32>, vector<16xi32>], vector<16xf32>, vector<16xi1>
            %gather3A_117 = tpu.vector_load_idx %arg13[%broadcast_in_dim3A_43, %get3A_69, %get3A_73] masked %eq3A_107 : memref<16x8x224xf32, #tpu.memory_space<vmem>>[vector<16xi32>, vector<16xi32>, vector<16xi32>], vector<16xf32>, vector<16xi1>
            tpu.vector_store_idx %arg14[%broadcast_in_dim3A_43, %add3A_100], %gather3A_117 masked %eq3A_107 : memref<16x448xf32, #tpu.memory_space<vmem>>[vector<16xi32>, vector<16xi32>], vector<16xf32>, vector<16xi1>
            %gather3A_118 = tpu.vector_load_idx %arg13[%broadcast_in_dim3A_45, %get3A_69, %get3A_73] masked %eq3A_107 : memref<16x8x224xf32, #tpu.memory_space<vmem>>[vector<16xi32>, vector<16xi32>, vector<16xi32>], vector<16xf32>, vector<16xi1>
            tpu.vector_store_idx %arg14[%broadcast_in_dim3A_45, %add3A_100], %gather3A_118 masked %eq3A_107 : memref<16x448xf32, #tpu.memory_space<vmem>>[vector<16xi32>, vector<16xi32>], vector<16xf32>, vector<16xi1>
            %gather3A_119 = tpu.vector_load_idx %arg13[%broadcast_in_dim3A_47, %get3A_69, %get3A_73] masked %eq3A_107 : memref<16x8x224xf32, #tpu.memory_space<vmem>>[vector<16xi32>, vector<16xi32>, vector<16xi32>], vector<16xf32>, vector<16xi1>
            tpu.vector_store_idx %arg14[%broadcast_in_dim3A_47, %add3A_100], %gather3A_119 masked %eq3A_107 : memref<16x448xf32, #tpu.memory_space<vmem>>[vector<16xi32>, vector<16xi32>], vector<16xf32>, vector<16xi1>
            %gather3A_120 = tpu.vector_load_idx %arg13[%broadcast_in_dim3A_49, %get3A_69, %get3A_73] masked %eq3A_107 : memref<16x8x224xf32, #tpu.memory_space<vmem>>[vector<16xi32>, vector<16xi32>, vector<16xi32>], vector<16xf32>, vector<16xi1>
            tpu.vector_store_idx %arg14[%broadcast_in_dim3A_49, %add3A_100], %gather3A_120 masked %eq3A_107 : memref<16x448xf32, #tpu.memory_space<vmem>>[vector<16xi32>, vector<16xi32>], vector<16xf32>, vector<16xi1>
            %gather3A_121 = tpu.vector_load_idx %arg13[%broadcast_in_dim3A_51, %get3A_69, %get3A_73] masked %eq3A_107 : memref<16x8x224xf32, #tpu.memory_space<vmem>>[vector<16xi32>, vector<16xi32>, vector<16xi32>], vector<16xf32>, vector<16xi1>
            tpu.vector_store_idx %arg14[%broadcast_in_dim3A_51, %add3A_100], %gather3A_121 masked %eq3A_107 : memref<16x448xf32, #tpu.memory_space<vmem>>[vector<16xi32>, vector<16xi32>], vector<16xf32>, vector<16xi1>
            %gather3A_122 = tpu.vector_load_idx %arg13[%broadcast_in_dim3A_53, %get3A_69, %get3A_73] masked %eq3A_107 : memref<16x8x224xf32, #tpu.memory_space<vmem>>[vector<16xi32>, vector<16xi32>, vector<16xi32>], vector<16xf32>, vector<16xi1>
            tpu.vector_store_idx %arg14[%broadcast_in_dim3A_53, %add3A_100], %gather3A_122 masked %eq3A_107 : memref<16x448xf32, #tpu.memory_space<vmem>>[vector<16xi32>, vector<16xi32>], vector<16xf32>, vector<16xi1>
            %add3A_123 = arith.constant 1 : i32
            %add3A_124 = arith.addi %while3A_101, %add3A_123 : i32
            scf.yield %add3A_124, %while3A_101 : i32, i32
          }
          scf.yield %reduce_max3A_97 : i32
        }
        scf.yield %cond3A_83 : i32
      }
      %scan3A_60 = arith.constant 28 : i32
      "tpu.region"() ({
        %run_scoped3A = tpu.sem_alloc : memref<!tpu.dma_semaphore, #tpu.memory_space<semaphore_mem>>
        %dma_start3A = arith.constant 0 : i32
        %dma_start3A_61 = arith.constant 0 : i32
        %dma_start3A_62 = tpu.memref_slice %arg4[%arg0, %arg1, %dma_start3A, %dma_start3A_61] : memref<2x12x16x448xf32, #tpu.memory_space<hbm>> -> memref<1x1x16x448xf32, #tpu.memory_space<hbm>>
        %dma_start3A_63 = tpu.memref_squeeze %dma_start3A_62 : memref<1x1x16x448xf32, #tpu.memory_space<hbm>> -> memref<16x448xf32, #tpu.memory_space<hbm>>
        %dma_start3A_64 = arith.constant 0 : i32
        %dma_start3A_65 = arith.constant 0 : i32
        %dma_start3A_66 = tpu.memref_slice %arg4[%arg0, %arg1, %dma_start3A_64, %dma_start3A_65] : memref<2x12x16x448xf32, #tpu.memory_space<hbm>> -> memref<1x1x16x448xf32, #tpu.memory_space<hbm>>
        %dma_start3A_67 = tpu.memref_squeeze %dma_start3A_66 : memref<1x1x16x448xf32, #tpu.memory_space<hbm>> -> memref<16x448xf32, #tpu.memory_space<hbm>>
        tpu.enqueue_dma source(%arg14 : memref<16x448xf32, #tpu.memory_space<vmem>>) target(%dma_start3A_67 : memref<16x448xf32, #tpu.memory_space<hbm>>) target_semaphore(%run_scoped3A : memref<!tpu.dma_semaphore, #tpu.memory_space<semaphore_mem>>)
        %dma_wait3A = arith.constant 0 : i32
        %dma_wait3A_68 = arith.constant 0 : i32
        %dma_wait3A_69 = tpu.memref_slice %arg4[%arg0, %arg1, %dma_wait3A, %dma_wait3A_68] : memref<2x12x16x448xf32, #tpu.memory_space<hbm>> -> memref<1x1x16x448xf32, #tpu.memory_space<hbm>>
        %dma_wait3A_70 = tpu.memref_squeeze %dma_wait3A_69 : memref<1x1x16x448xf32, #tpu.memory_space<hbm>> -> memref<16x448xf32, #tpu.memory_space<hbm>>
        %dma_wait3A_71 = arith.constant 0 : i32
        %dma_wait3A_72 = arith.constant 0 : i32
        %dma_wait3A_73 = tpu.memref_slice %arg4[%arg0, %arg1, %dma_wait3A_71, %dma_wait3A_72] : memref<2x12x16x448xf32, #tpu.memory_space<hbm>> -> memref<1x1x16x448xf32, #tpu.memory_space<hbm>>
        %dma_wait3A_74 = tpu.memref_squeeze %dma_wait3A_73 : memref<1x1x16x448xf32, #tpu.memory_space<hbm>> -> memref<16x448xf32, #tpu.memory_space<hbm>>
        tpu.wait_dma2 semaphore(%run_scoped3A : memref<!tpu.dma_semaphore, #tpu.memory_space<semaphore_mem>>) src(%arg14 : memref<16x448xf32, #tpu.memory_space<vmem>>) dst(%dma_wait3A_74 : memref<16x448xf32, #tpu.memory_space<hbm>>)
        tpu.yield
      }) : () -> ()
    } else {
    }
    return
  }
}

</mosaic_0001>

<sc_bundles>
// kernel: _sc_sample_gather.3.cloned.1.call-start
scs
__scs_entry_jumppad:
0x0: {  	(pc) =	sbr.rel $0x88, $3  }
0x1: {  	(tag) =	ssettag $0x0;
	lr =	simm.s32 $0x1  }
0x2: {  	[smem:$0x3F9F] =	sst lr;
	_ =	strace $0xD0000000  }
0x3: {  	_ = 	snop  }
0x4: {  	_ = 	snop  }
0x5: {  	_ = 	snop  }
0x6: {  	_ = 	snop  }
0x7: {  	_ = 	snop  }
__scs_overlays_trampoline_lowered:
0x8: {  	[smem:$0x3FAE] =	sst s0  }
0x9: {  	[smem:$0x3FAF] =	sst s1  }
0xa: {  	[smem:$0x3FB0] =	sst s2  }
0xb: {  	[smem:$0x3FB1] =	sst s3  }
0xc: {  	[smem:$0x3FB2] =	sst s4  }
0xd: {  	[smem:$0x3FB3] =	sst s5  }
0xe: {  	[smem:$0x3FB4] =	sst s6  }
0xf: {  	[smem:$0x3FB5] =	sst s7  }
0x10: {  	[smem:$0x3FB6] =	sst s8  }
0x11: {  	[smem:$0x3FB7] =	sst s9;
	s0 =	simm.s32 @!p0 $0x0  }
0x12: {  	s1 =	sld [smem:$0x3F9D];
	s0 =	simm.s32 @p0 $0x1  }
0x13: {  	[smem:$0x3FB8] =	sst s0;
	s0 =	simm.s32 @!p1 $0x0  }
0x14: {  	s2 =	sld [smem:$0x3F9C];
	s0 =	simm.s32 @p1 $0x1  }
0x15: {  	[smem:$0x3FB9] =	sst s0;
	s0 =	simm.s32 @!p2 $0x0  }
0x16: {  	s3 =	sld [smem:$0x3FDB];
	s0 =	simm.s32 @p2 $0x1  }
0x17: {  	s4 =	simm.s32 $0x1BF5;
	[smem:$0x3FBB] =	sst s0  }
0x18: {  	s0 =	sld [smem:$0x3F9E];
	_ =	swait.ge [sflag:s4], $0x0  }
0x19: {  	s7 =	sld [smem:$0x3F9F]  }
0x1a: {  	s8 =	sadd.s32 $0xFFFFE003, lr  }
0x1b: {  	s9 =	sadd.s32 $0xFFFFFEF7, lr;
	s5 =	simm.s32 $0xFFFFFFFF;
	p2 =	slt.u32 s8, $0xFFFFF086  }
0x1c: {  	p1 =	slt.u32 s9, $0xF7A;
	s5 =	simm.s32 @!p2 $0x0  }
0x1d: {  	s5 =	simm.s32 @p1 $0x1;
	p0 =	seq.s32 s7, s2  }
0x1e: {  	s7 =	smul.u32 @!p0 $0xF7A, s2;
	p2 =	seq.s32 @!p0 s5, $0x0  }
0x1f: {  	s9 =	smul.u32 $0xF7A, s1;
	s8 =	simm.s32 @!p0 $0x1BF5;
	p2 =	por !p2, p0  }
0x20: {  	[sflag:s8] =	ssyncset.s32 @!p0 $0xFFFFF086;
	s6 =	sadd.s32 @!p0 s3, s7;
	s7 =	simm.s32 @!p0 $0x108  }
0x21: {  	s3 =	sadd.s32 s3, s9;
	s6 =	sadd.s32 @!p0 $0x88, s6;
	s7 =	simm.s32 @p2 $0x1082  }
0x22: {  	[simem:s7], [sflag:s8] =	dma.local @!p0 [hbm:s6], $0xF7A  }
0x23: {  	s9 =	sor.u32 $0xD0000000, s2;
	s6 =	simm.s32 $0x108;
	_ =	swait.ge @!p0 [sflag:s8], $0x0  }
0x24: {  	s3 =	sadd.s32 $0x88, s3;
	s6 =	simm.s32 @!p1 $0x1082;
	[sflag:s4] =	ssyncset.s32 $0xFFFFF086  }
0x25: {  	[simem:s6], [sflag:s4] =	dma.local [hbm:s3], $0xF7A  }
0x26: {  	[smem:$0x3F9F] =	sst s1;
	(tag) =	ssettag s2;
	_ =	strace s9  }
0x27: {  	s1 =	sld [smem:$0x3FAF]  }
0x28: {  	s2 =	sld [smem:$0x3FB0]  }
0x29: {  	s4 =	sld [smem:$0x3FB2]  }
0x2a: {  	p0 =	seq.s32 s5, $0x0;
	s5 =	sld [smem:$0x3FB3]  }
0x2b: {  	s6 =	sld [smem:$0x3FB4]  }
0x2c: {  	s7 =	sld [smem:$0x3FB5]  }
0x2d: {  	s3 =	simm.s32 $0x108;
	s8 =	sld [smem:$0x3FB6]  }
0x2e: {  	s3 =	simm.s32 @!p0 $0x1082;
	s9 =	sld [smem:$0x3FB7]  }
0x2f: {  	lr =	sadd.s32 s0, s3;
	s0 =	sld [smem:$0x3FAE]  }
0x30: {  	s3 =	sld [smem:$0x3FB1]  }
0x31: {  	[smem:$0x3FBA] =	sst s10  }
0x32: {  	s10 =	sld [smem:$0x3FB8];
	_ =	sdelay $0x3  }
0x33: {  	p0 =	seq.s32 s10, $0x1;
	s10 =	sld [smem:$0x3FBA];
	_ =	sdelay $0x3  }
0x34: {  	[smem:$0x3FBA] =	sst s10  }
0x35: {  	s10 =	sld [smem:$0x3FB9];
	_ =	sdelay $0x3  }
0x36: {  	p1 =	seq.s32 s10, $0x1;
	s10 =	sld [smem:$0x3FBA];
	_ =	sdelay $0x3  }
0x37: {  	[smem:$0x3FBA] =	sst s10  }
0x38: {  	s10 =	sld [smem:$0x3FBB]  }
0x39: {  	_ = 	snop;
	(pc) =	sbr.ind lr, $3  }
0x3a: {  	_ = 	snop  }
0x3b: {  	_ = 	snop  }
0x3c: {  	p2 =	seq.s32 s10, $0x1;
	s10 =	sld [smem:$0x3FBA]  }
0x3d: {  	_ =	shalt  }
0x3e: {  	_ =	shalt  }
0x3f: {  	_ =	shalt  }
0x40: {  	_ =	shalt  }
0x41: {  	_ =	shalt  }
0x42: {  	_ =	shalt  }
0x43: {  	_ =	shalt  }
0x44: {  	_ =	shalt  }
0x45: {  	_ =	shalt  }
0x46: {  	_ =	shalt  }
0x47: {  	_ =	shalt  }
0x48: {  	_ =	shalt  }
0x49: {  	_ =	shalt  }
0x4a: {  	_ =	shalt  }
0x4b: {  	_ =	shalt  }
0x4c: {  	_ =	shalt  }
0x4d: {  	_ =	shalt  }
0x4e: {  	_ =	shalt  }
0x4f: {  	_ =	shalt  }
0x50: {  	_ =	shalt  }
0x51: {  	_ =	shalt  }
0x52: {  	_ =	shalt  }
0x53: {  	_ =	shalt  }
0x54: {  	_ =	shalt  }
0x55: {  	_ =	shalt  }
0x56: {  	_ =	shalt  }
0x57: {  	_ =	shalt  }
0x58: {  	_ =	shalt  }
0x59: {  	_ =	shalt  }
0x5a: {  	_ =	shalt  }
0x5b: {  	_ =	shalt  }
0x5c: {  	_ =	shalt  }
0x5d: {  	_ =	shalt  }
0x5e: {  	_ =	shalt  }
0x5f: {  	_ =	shalt  }
0x60: {  	_ =	shalt  }
0x61: {  	_ =	shalt  }
0x62: {  	_ =	shalt  }
0x63: {  	_ =	shalt  }
0x64: {  	_ =	shalt  }
0x65: {  	_ =	shalt  }
0x66: {  	_ =	shalt  }
0x67: {  	_ =	shalt  }
0x68: {  	_ =	shalt  }
0x69: {  	_ =	shalt  }
0x6a: {  	_ =	shalt  }
0x6b: {  	_ =	shalt  }
0x6c: {  	_ =	shalt  }
0x6d: {  	_ =	shalt  }
0x6e: {  	_ =	shalt  }
0x6f: {  	_ =	shalt  }
0x70: {  	_ =	shalt  }
0x71: {  	_ =	shalt  }
0x72: {  	_ =	shalt  }
0x73: {  	_ =	shalt  }
0x74: {  	_ =	shalt  }
0x75: {  	_ =	shalt  }
0x76: {  	_ =	shalt  }
0x77: {  	_ =	shalt  }
0x78: {  	_ =	shalt  }
0x79: {  	_ =	shalt  }
0x7a: {  	_ =	shalt  }
0x7b: {  	_ =	shalt  }
0x7c: {  	_ =	shalt  }
0x7d: {  	_ =	shalt  }
0x7e: {  	_ =	shalt  }
0x7f: {  	_ =	shalt  }
0x80: {  	_ =	shalt  }
0x81: {  	_ =	shalt  }
0x82: {  	_ =	shalt  }
0x83: {  	_ =	shalt  }
0x84: {  	_ =	shalt  }
0x85: {  	_ =	shalt  }
0x86: {  	_ =	shalt  }
0x87: {  	_ =	shalt  }
.Lfunc_end0:
.L_simem_size_0:
called_computation_lowered:
.L_overlay_start_0:
0x88: {  	s2 =	sld [smem:$0x3FD9]  }
0x89: {  	s3 =	sld [smem:$0x3FFE];
	_ =	sdelay $0x1  }
0x8a: {  	s1 =	srdreg.scid  }
0x8b: {  	s0 =	sand.u32 $0x1, s1  }
0x8c: {  	s18 =	sshll.u32 s0, $0xA;
	s2 =	sadd.s32 s3, s2  }
0x8d: {  	s2 =	sadd.s32 s2, s18  }
0x8e: {  	[smem:$0x3FC6] =	sst s2  }
0x8f: {  	_ = 	snop  }
0x90: {  	s2 =	sld [smem:$0x3FC9]  }
0x91: {  	s19 =	sld [smem:$0x3FC8]  }
0x92: {  	s4 =	sld [smem:$0x3FD0];
	(tm) =	ssettm $0x1  }
0x93: {  	s5 =	sld [smem:$0x3FFB];
	_ =	sdelay $0x3  }
0x94: {  	_ =	strace s5  }
0x95: {  	s5 =	sld [smem:$0x3FFC];
	_ =	sdelay $0x3  }
0x96: {  	_ =	strace s5  }
0x97: {  	s5 =	sld [smem:$0x3FFD];
	_ =	sdelay $0x3  }
0x98: {  	_ =	strace s5  }
0x99: {  	_ =	strace $0x8FFFFFFF  }
0x9a: {  	s20 =	sld [smem:$0x3FDB];
	_ =	sdelay $0x1  }
0x9b: {  	s6 =	simm.s32 $_scs_section_size  }
0x9c: {  	s7 =	simm.s32 $_size__tile_overlayer_lowered;
	s8 =	simm.s32 $_tile_overlayer_lowered  }
0x9d: {  	s23 =	simm.s32 $0x1BFF;
	s22 =	sshll.u32 s8, $0x1;
	s5 =	sadd.s32 s6, s20  }
0x9e: {  	s9 =	simm.s32 $0x0;
	s21 =	sshll.u32 s7, $0x1;
	s7 =	sadd.s32 s22, s5  }
0x9f: {  	[timem:s9], [sflag:s23] =	dma.local [hbm:s7], s21  }
0xa0: {  	_ =	swait.ge [sflag:s23], s21  }
0xa1: {  	s6 =	ssub.s32 $0x0, s21;
	[sflag:s23] =	ssyncset.done $0x0  }
0xa2: {  	[sflag:s23] =	ssyncadd.s32 s6;
	_ =	sdelay $0x1  }
0xa3: {  	s24 =	simm.s32 $0x1B8B  }
0xa4: {  	_ =	swait.ge [sflag:s24], $0x1  }
0xa5: {  	[sflag:s24] =	ssyncset.done $0x0  }
0xa6: {  	s25 =	simm.s32 $0x1B8E;
	[sflag:s24] =	ssyncadd.s32 $0xFFFFFFFF  }
0xa7: {  	s26 =	simm.s32 $execute0_lowered;
	[smem:$0x3FD2] =	sst s25  }
0xa8: {  	s6 =	sshll.u32 s26, $0x1;
	_ =	strace $0x80000046;
	[dreg:$0x1] =	wrdreg $0xFFFFFFFF  }
0xa9: {  	s28 =	simm.s32 $_size_execute0_lowered;
	s5 =	sadd.s32 s5, s6;
	[dreg:$0x0] =	wrdreg $0x0  }
0xaa: {  	s6 =	sshll.u32 s28, $0x1;
	[dreg:$0x2] =	wrdreg s5  }
0xab: {  	[dreg:$0x3] =	wrdreg s6  }
0xac: {  	[dreg:$0x4] =	wrdreg $0xC0  }
0xad: {  	_ =	task [dreg:s9], $0x5FFFF  }
0xae: {  	[dreg:$0x1] =	wrdreg $0xFFFFFFFF  }
0xaf: {  	[dreg:$0x0] =	wrdreg $0x60  }
0xb0: {  	[dreg:$0x2] =	wrdreg s19  }
0xb1: {  	[dreg:$0x3] =	wrdreg s2  }
0xb2: {  	[dreg:$0x4] =	wrdreg s4  }
0xb3: {  	[dreg:$0x5] =	wrdreg $0xC800  }
0xb4: {  	[dreg:$0x6] =	wrdreg $0x9  }
0xb5: {  	_ =	task.clear_ibuf [dreg:s9], $0x7FFFF;
	_ =	strace $0x90000046  }
0xb6: {  	s29 =	simm.s32 $0x9;
	_ =	strace $0x80000048  }
0xb7: {  	_ =	swait.ge [sflag:s29], $0x1  }
0xb8: {  	[sflag:s29] =	ssyncadd.s32 $0xFFFFFFFF  }
0xb9: {  	_ =	strace $0x90000048  }
0xba: {  	_ =	sfence  }
0xbb: {  	s30 =	sld [smem:$0x0];
	_ =	sdelay $0x2  }
0xbc: {  	s31 =	sshll.u32 s1, $0xD;
	s1 =	sshrl.u32 s1, $0x2  }
0xbd: {  	s3 =	sand.u32 $0x4000, s31;
	s1 =	sadd.s32 s1, s30  }
0xbe: {  	s0 =	sor.u32 s3, s0;
	s1 =	sshll.u32 s1, $0x11  }
0xbf: {  	s0 =	sor.u32 s1, s0  }
0xc0: {  	s0 =	sadd.s32 $0x8F2B, s0  }
0xc1: {  	[sflag:s0] =	ssyncadd.remote.s32 $0x1  }
0xc2: {  	_ =	sfence.sel $0xFFFF  }
0xc3: {  	[dreg:$0x0] =	wrdreg $0xFFFFFFFF;
	(pc) =	sbr.abs _section_cstart, $3  }
0xc4: {  	[dreg:$0x1] =	wrdreg $0xFFFFFFFF  }
0xc5: {  	_ =	task.clear_ibuf [dreg:s9], $0x2FFFF;
	_ =	strace $0x9FFFFFFF  }
0xc6: {  	(tm) =	ssettm $0x7FFFFFFF  }
0xc7: {  	_ =	shalt  }
tec
execute0_lowered:
.L_overlay_start_1:
0x0: {  	(tag) =	ssettag $0x1  }
0x1: {  	s1 =	rddreg [dreg:$0x0]  }
0x2: {  	s2 =	rddreg [dreg:$0x1]  }
0x3: {  	s10 =	rddreg [dreg:$0x2]  }
0x4: {  	s4 =	rddreg [dreg:$0x3]  }
0x5: {  	s5 =	simm.s32 $0x0;
	s6 =	srdreg.scid;
	s0 =	stileid.u32  }
0x6: {  	s14 =	simm.s32 $0x800;
	s15 =	simm.s32 $0xE000;
	s16 =	simm.s32 $0x14C0  }
0x7: {  	s17 =	simm.s32 $0xCC0;
	s18 =	simm.s32 $0x94C0;
	s19 =	simm.s32 $0x0  }
0x8: {  	[smem:$0x7FF] =	sst s5;
	s7 =	sand.u32 $0x1, s6;
	s6 =	smul.u32 $0xE0000, s0  }
0x9: {  	s13 =	sshll.u32 s0, $0xD;
	p0 =	seq.s32 s0, $0xF;
	p1 =	sgt.u32 s0, $0xB  }
0xa: {  	_ =	strace $0x80000047;
	s8 =	ssub.s32 $0x2, s7;
	s9 =	smul.u32 $0x18000, s7  }
0xb: {  	s12 =	smul.u32 $0x700, s7;
	s7 =	sadd.s32 $0x80, s4;
	s3 =	simm.s32 @!p0 $0x0  }
0xc: {  	s11 =	sshrl.u32 s8, $0x1;
	s31 =	sshrl.u32 s6, $0x3;
	s3 =	simm.s32 @p0 $0x1  }
.Ltmp0:
0xd: {  	p0 =	sne.s32 s0, $0xE;
	s11 =	ssub.s32 s8, s11;
	(pc) =	sbr.rel .LBB2_1-.Ltmp0, $4  }
0xe: {  	s30 =	sadd.s32 s13, s9;
	s12 =	sshrl.u32 s12, $0x2;
	s8 =	sadd.s32 s2, s31  }
0xf: {  	[smem:$0x7FC] =	sst s3;
	s0 =	simm.s32 @!p0 $0x0;
	s13 =	sshrl.u32 s30, $0x3  }
0x10: {  	s9 =	sadd.s32 s12, s4;
	s11 =	smax.u32 s11, $0x1;
	s0 =	simm.s32 @p0 $0x1  }
0x11: {  	v0 =	vimm.s32 $0x0;
	v1 =	vlaneseq.u32;
	s12 =	simm.s32 $0x1;
	s10 =	sadd.s32 s10, s13;
	[smem:$0x7FD] =	sst s0  }
.LBB2_29:
0x12: {  	[bflag:$0x0] =	sbarrier.arrive $0xFFFF  }
.LBB2_30:
0x13: {  	s19 =	sadd.s32 $0x1, s19  }
0x14: {  	p0 =	sne.s32 s19, s11  }
.Ltmp1:
0x15: {  	_ = 	snop;
	(pc) =	sbr.rel @!p0 .LBB2_31-.Ltmp1, $1  }
0x16: {  	_ =	sdelay $0x3  }
.LBB2_1:
0x17: {  	s0 =	sld [smem:$0x7FC];
	_ =	sdelay $0x2  }
0x18: {  	p0 =	seq.s32 s0, $0x1  }
.Ltmp2:
0x19: {  	_ = 	snop;
	(pc) =	sbr.rel @p0 .LBB2_8-.Ltmp2, $1  }
0x1a: {  	_ =	sdelay $0x3  }
0x1b: {  	s0 =	sld [smem:$0x7FD];
	_ =	sdelay $0x2  }
0x1c: {  	p0 =	seq.s32 s0, $0x1  }
.Ltmp3:
0x1d: {  	_ = 	snop;
	(pc) =	sbr.rel @p0 .LBB2_13-.Ltmp3, $1  }
0x1e: {  	_ =	sdelay $0x3  }
0x1f: {  	[tilespmem:$0x800] =	vst v0  }
0x20: {  	[tilespmem:$0x810] =	vst v0  }
0x21: {  	[tilespmem:$0x820] =	vst v0  }
0x22: {  	[tilespmem:$0x830] =	vst v0  }
0x23: {  	[tilespmem:$0x840] =	vst v0  }
0x24: {  	[tilespmem:$0x850] =	vst v0  }
0x25: {  	[tilespmem:$0x860] =	vst v0  }
0x26: {  	[tilespmem:$0x870] =	vst v0  }
0x27: {  	[tilespmem:$0x880] =	vst v0;
	s20 =	simm.s32 $0x0  }
0x28: {  	[tilespmem:$0x890] =	vst v0;
	s21 =	simm.s32 $0x0;
	s26 =	simm.s32 $0x0;
	s22 =	simm.s32 $0x0  }
.LBB2_4:
0x29: {  	s23 =	sand.u32 $0xFC, s22  }
0x2a: {  	s23 =	sshrl.u32 s23, $0x2  }
0x2b: {  	s23 =	smul.u32 $0x25, s23;
	_ =	sdelay $0x1  }
0x2c: {  	s23 =	sshrl.u32 s23, $0x8  }
0x2d: {  	s24 =	sand.u32 $0x1, s23  }
0x2e: {  	p4 =	slt.u32 s22, $0x1C;
	p3 =	seq.s32 s24, $0x1  }
0x2f: {  	p5 =	sgt.u32 s22, $0x37;
	s23 =	smul.u32 $0x1C, s23;
	p4 =	por !p4, !p3  }
0x30: {  	s25 =	simm.s32 $0x1;
	s24 =	simm.s32 $0x1;
	p4 =	por !p4, !p4  }
0x31: {  	s24 =	simm.s32 @!p5 $0x0;
	s23 =	ssub.s32 s22, s23;
	s25 =	simm.s32 @!p4 $0x0  }
0x32: {  	s28 =	simm.s32 $0x1C000;
	s23 =	sand.u32 $0xFF, s23;
	s24 =	ssub.s32 s24, s25  }
0x33: {  	s28 =	simm.s32 @!p3 $0x0;
	s23 =	sshll.u32 s23, $0xB;
	s24 =	smul.u32 $0xE000, s24  }
0x34: {  	s23 =	sadd.s32 s28, s23  }
0x35: {  	s23 =	sadd.s32 s24, s23  }
0x36: {  	s23 =	sshrl.u32 s23, $0x3  }
0x37: {  	s23 =	sadd.s32 s1, s23  }
0x38: {  	[tilespmem:s20], [sflag:$0x1] =	stream.linear.gather [hbm4b:s23+s20], $0x800, $0x38;
	[tilespmem:$0xB4C0] =	vst v63  }
0x39: {  	_ =	swait.ge [sflag:s12], $0x800  }
0x3a: {  	s25 =	simm.s32 $0x0;
	[sflag:s12] =	ssyncset.done $0x0  }
0x3b: {  	s24 =	smov.u32 s21;
	s23 =	simm.s32 $0x400;
	[sflag:s12] =	ssyncadd.s32 $0xFFFFF800  }
.LBB2_5:
0x3c: {  	v2 =	vld [tilespmem:s23+$0xFFFFFC00];
	_ =	sdelay $0x4  }
0x3d: {  	v3 =	vor.u32 s24, v1;
	vm0 =	vgt.f32 v2, $0.0e+00  }
0x3e: {  	[tilespmem:s26+$0x800] =	vst.msk vm0, v3  }
0x3f: {  	v2 =	vld [tilespmem:s23+$0xFFFFFC10];
	_ =	sdelay $0x3  }
0x40: {  	v3 =	vmpcnt.ones.xlane vm0  }
0x41: {  	vm15 =	vgt.f32 v2, $0.0e+00  }
0x42: {  	(v2sf) =	vpush v3, $0x0;
	v2 =	vmpcnt.ones.xlane vm15;
	_ =	sdelay $0x1  }
0x43: {  	(v2sf) =	vpush v2, $0x0;
	_ =	sdelay $0xc  }
0x44: {  	s28 =	spop (v2sf)  }
0x45: {  	s26 =	sadd.s32 s26, s28  }
0x46: {  	s29 =	sadd.s32 $0x10, s24;
	p3 =	slt.s32 s26, $0x80;
	s0 =	spop (v2sf)  }
0x47: {  	v2 =	vor.u32 s29, v1;
	s28 =	sadd.s32 s26, s0;
	s26 =	simm.s32 @!p3 $0x80  }
0x48: {  	[tilespmem:s26+$0x800] =	vst.msk vm15, v2  }
0x49: {  	v2 =	vld [tilespmem:s23+$0xFFFFFC20];
	_ =	sdelay $0x4  }
0x4a: {  	vm4 =	vgt.f32 v2, $0.0e+00  }
0x4b: {  	v2 =	vmpcnt.ones.xlane vm4;
	_ =	sdelay $0x1  }
0x4c: {  	(v2sf) =	vpush v2, $0x0;
	_ =	sdelay $0xe  }
0x4d: {  	s13 =	sadd.s32 $0x20, s24;
	p3 =	slt.s32 s28, $0x80;
	s3 =	spop (v2sf)  }
0x4e: {  	v2 =	vor.u32 s13, v1;
	s26 =	sadd.s32 s28, s3;
	s28 =	simm.s32 @!p3 $0x80  }
0x4f: {  	[tilespmem:s28+$0x800] =	vst.msk vm4, v2  }
0x50: {  	v2 =	vld [tilespmem:s23+$0xFFFFFC30];
	_ =	sdelay $0x4  }
0x51: {  	vm5 =	vgt.f32 v2, $0.0e+00  }
0x52: {  	v2 =	vmpcnt.ones.xlane vm5;
	_ =	sdelay $0x1  }
0x53: {  	(v2sf) =	vpush v2, $0x0;
	_ =	sdelay $0xe  }
0x54: {  	s31 =	sadd.s32 $0x30, s24;
	p3 =	slt.s32 s26, $0x80;
	s30 =	spop (v2sf)  }
0x55: {  	v2 =	vor.u32 s31, v1;
	s28 =	sadd.s32 s26, s30;
	s26 =	simm.s32 @!p3 $0x80  }
0x56: {  	[tilespmem:s26+$0x800] =	vst.msk vm5, v2  }
0x57: {  	v2 =	vld [tilespmem:s23+$0xFFFFFC40];
	_ =	sdelay $0x4  }
0x58: {  	vm6 =	vgt.f32 v2, $0.0e+00  }
0x59: {  	v2 =	vmpcnt.ones.xlane vm6;
	_ =	sdelay $0x1  }
0x5a: {  	(v2sf) =	vpush v2, $0x0;
	_ =	sdelay $0xe  }
0x5b: {  	s3 =	sadd.s32 $0x40, s24;
	p3 =	slt.s32 s28, $0x80;
	s0 =	spop (v2sf)  }
0x5c: {  	v2 =	vor.u32 s3, v1;
	s26 =	sadd.s32 s28, s0;
	s28 =	simm.s32 @!p3 $0x80  }
0x5d: {  	[tilespmem:s28+$0x800] =	vst.msk vm6, v2  }
0x5e: {  	v2 =	vld [tilespmem:s23+$0xFFFFFC50];
	_ =	sdelay $0x4  }
0x5f: {  	vm7 =	vgt.f32 v2, $0.0e+00  }
0x60: {  	v2 =	vmpcnt.ones.xlane vm7;
	_ =	sdelay $0x1  }
0x61: {  	(v2sf) =	vpush v2, $0x0;
	_ =	sdelay $0xe  }
0x62: {  	s30 =	sadd.s32 $0x50, s24;
	p3 =	slt.s32 s26, $0x80;
	s13 =	spop (v2sf)  }
0x63: {  	v2 =	vor.u32 s30, v1;
	s28 =	sadd.s32 s26, s13;
	s26 =	simm.s32 @!p3 $0x80  }
0x64: {  	[tilespmem:s26+$0x800] =	vst.msk vm7, v2  }
0x65: {  	v2 =	vld [tilespmem:s23+$0xFFFFFC60];
	_ =	sdelay $0x4  }
0x66: {  	vm8 =	vgt.f32 v2, $0.0e+00  }
0x67: {  	v2 =	vmpcnt.ones.xlane vm8;
	_ =	sdelay $0x1  }
0x68: {  	(v2sf) =	vpush v2, $0x0;
	_ =	sdelay $0xe  }
0x69: {  	s0 =	sadd.s32 $0x60, s24;
	p3 =	slt.s32 s28, $0x80;
	s31 =	spop (v2sf)  }
0x6a: {  	v2 =	vor.u32 s0, v1;
	s26 =	sadd.s32 s28, s31;
	s28 =	simm.s32 @!p3 $0x80  }
0x6b: {  	[tilespmem:s28+$0x800] =	vst.msk vm8, v2  }
0x6c: {  	v2 =	vld [tilespmem:s23+$0xFFFFFC70];
	_ =	sdelay $0x4  }
0x6d: {  	vm9 =	vgt.f32 v2, $0.0e+00  }
0x6e: {  	v2 =	vmpcnt.ones.xlane vm9;
	_ =	sdelay $0x1  }
0x6f: {  	(v2sf) =	vpush v2, $0x0;
	_ =	sdelay $0xe  }
0x70: {  	s13 =	sadd.s32 $0x70, s24;
	p3 =	slt.s32 s26, $0x80;
	s3 =	spop (v2sf)  }
0x71: {  	v2 =	vor.u32 s13, v1;
	s28 =	sadd.s32 s26, s3;
	s26 =	simm.s32 @!p3 $0x80  }
0x72: {  	[tilespmem:s26+$0x800] =	vst.msk vm9, v2  }
0x73: {  	v2 =	vld [tilespmem:s23+$0x0];
	_ =	sdelay $0x4  }
0x74: {  	vm10 =	vgt.f32 v2, $0.0e+00  }
0x75: {  	v2 =	vmpcnt.ones.xlane vm10;
	_ =	sdelay $0x1  }
0x76: {  	(v2sf) =	vpush v2, $0x0;
	_ =	sdelay $0xe  }
0x77: {  	s31 =	sadd.s32 $0x80, s24;
	p3 =	slt.s32 s28, $0x80;
	s30 =	spop (v2sf)  }
0x78: {  	v2 =	vor.u32 s31, v1;
	s26 =	sadd.s32 s28, s30;
	s28 =	simm.s32 @!p3 $0x80  }
0x79: {  	[tilespmem:s28+$0x800] =	vst.msk vm10, v2  }
0x7a: {  	v2 =	vld [tilespmem:s23+$0x10];
	_ =	sdelay $0x4  }
0x7b: {  	vm11 =	vgt.f32 v2, $0.0e+00  }
0x7c: {  	v2 =	vmpcnt.ones.xlane vm11;
	_ =	sdelay $0x1  }
0x7d: {  	(v2sf) =	vpush v2, $0x0;
	_ =	sdelay $0xe  }
0x7e: {  	s3 =	sadd.s32 $0x90, s24;
	p3 =	slt.s32 s26, $0x80;
	s0 =	spop (v2sf)  }
0x7f: {  	v2 =	vor.u32 s3, v1;
	s28 =	sadd.s32 s26, s0;
	s26 =	simm.s32 @!p3 $0x80  }
0x80: {  	[tilespmem:s26+$0x800] =	vst.msk vm11, v2  }
0x81: {  	v2 =	vld [tilespmem:s23+$0x20];
	_ =	sdelay $0x4  }
0x82: {  	vm12 =	vgt.f32 v2, $0.0e+00  }
0x83: {  	v2 =	vmpcnt.ones.xlane vm12;
	_ =	sdelay $0x1  }
0x84: {  	(v2sf) =	vpush v2, $0x0;
	_ =	sdelay $0xe  }
0x85: {  	s30 =	sadd.s32 $0xA0, s24;
	p3 =	slt.s32 s28, $0x80;
	s13 =	spop (v2sf)  }
0x86: {  	v2 =	vor.u32 s30, v1;
	s26 =	sadd.s32 s28, s13;
	s28 =	simm.s32 @!p3 $0x80  }
0x87: {  	[tilespmem:s28+$0x800] =	vst.msk vm12, v2  }
0x88: {  	v2 =	vld [tilespmem:s23+$0x30];
	_ =	sdelay $0x4  }
0x89: {  	vm13 =	vgt.f32 v2, $0.0e+00  }
0x8a: {  	v2 =	vmpcnt.ones.xlane vm13;
	_ =	sdelay $0x1  }
0x8b: {  	(v2sf) =	vpush v2, $0x0;
	_ =	sdelay $0xe  }
0x8c: {  	s0 =	sadd.s32 $0xB0, s24;
	p3 =	slt.s32 s26, $0x80;
	s31 =	spop (v2sf)  }
0x8d: {  	v2 =	vor.u32 s0, v1;
	s28 =	sadd.s32 s26, s31;
	s26 =	simm.s32 @!p3 $0x80  }
0x8e: {  	[tilespmem:s26+$0x800] =	vst.msk vm13, v2  }
0x8f: {  	v2 =	vld [tilespmem:s23+$0x40];
	_ =	sdelay $0x4  }
0x90: {  	vm14 =	vgt.f32 v2, $0.0e+00  }
0x91: {  	v2 =	vmpcnt.ones.xlane vm14;
	_ =	sdelay $0x1  }
0x92: {  	(v2sf) =	vpush v2, $0x0;
	_ =	sdelay $0xe  }
0x93: {  	s13 =	sadd.s32 $0xC0, s24;
	p3 =	slt.s32 s28, $0x80;
	s3 =	spop (v2sf)  }
0x94: {  	v2 =	vor.u32 s13, v1;
	s30 =	sadd.s32 s28, s3;
	s28 =	simm.s32 @!p3 $0x80  }
0x95: {  	[tilespmem:s28+$0x800] =	vst.msk vm14, v2  }
0x96: {  	v2 =	vld [tilespmem:s23+$0x50];
	_ =	sdelay $0x4  }
0x97: {  	vm15 =	vgt.f32 v2, $0.0e+00  }
0x98: {  	v2 =	vmpcnt.ones.xlane vm15;
	_ =	sdelay $0x1  }
0x99: {  	(v2sf) =	vpush v2, $0x0;
	_ =	sdelay $0xe  }
0x9a: {  	s29 =	spop (v2sf)  }
0x9b: {  	p3 =	sgt.u32 s25, $0x6;
	s26 =	sadd.s32 s30, s29  }
0x9c: {  	p5 =	slt.s32 @!p3 s26, $0x80  }
0x9d: {  	p3 =	por p3, !p5  }
.Ltmp4:
0x9e: {  	_ = 	snop;
	(pc) =	sbr.rel @!p3 .LBB2_5-.Ltmp4, $4  }
0x9f: {  	_ = 	snop  }
0xa0: {  	s31 =	sadd.s32 $0xD0, s24;
	p4 =	slt.s32 s30, $0x80  }
0xa1: {  	v2 =	vor.u32 s31, v1;
	s30 =	simm.s32 @!p4 $0x80  }
0xa2: {  	s24 =	sadd.s32 $0x100, s24;
	s25 =	sadd.s32 $0x1, s25;
	s23 =	sadd.s32 $0x80, s23;
	[tilespmem:s30+$0x800] =	vst.msk vm15, v2  }
0xa3: {  	p3 =	sgt.u32 s22, $0x6E  }
0xa4: {  	p4 =	slt.s32 @!p3 s26, $0x80  }
0xa5: {  	p3 =	por p3, !p4  }
.Ltmp5:
0xa6: {  	_ = 	snop;
	(pc) =	sbr.rel @!p3 .LBB2_4-.Ltmp5, $2  }
0xa7: {  	_ =	sdelay $0x2  }
0xa8: {  	s22 =	sadd.s32 $0x1, s22;
	s21 =	sadd.s32 $0x800, s21  }
.Ltmp6:
0xa9: {  	(pc) =	sbr.rel .LBB2_13-.Ltmp6, $4  }
0xaa: {  	[spmem:s4] =	stream.linear.scatter [tilespmem:s14], [sflag:$0x1], $0x80, $0x38;
	[tilespmem:$0xB4C0] =	vst v63  }
0xab: {  	_ =	swait.ge [sflag:s12], $0x80  }
0xac: {  	[sflag:s12] =	ssyncset.done $0x0  }
0xad: {  	[sflag:s12] =	ssyncadd.s32 $0xFFFFFF80  }
.LBB2_8:
0xae: {  	[tilespmem:$0x900] =	vst v0  }
0xaf: {  	[tilespmem:$0x910] =	vst v0  }
0xb0: {  	[tilespmem:$0x920] =	vst v0  }
0xb1: {  	[tilespmem:$0x930] =	vst v0  }
0xb2: {  	[tilespmem:$0x940] =	vst v0  }
0xb3: {  	[tilespmem:$0x950] =	vst v0  }
0xb4: {  	[tilespmem:$0x960] =	vst v0  }
0xb5: {  	[tilespmem:$0x970] =	vst v0  }
0xb6: {  	[tilespmem:$0x980] =	vst v0  }
0xb7: {  	[tilespmem:$0x990] =	vst v0  }
0xb8: {  	[tilespmem:$0x9A0] =	vst v0  }
0xb9: {  	[tilespmem:$0x9B0] =	vst v0  }
0xba: {  	[tilespmem:$0x9C0] =	vst v0  }
0xbb: {  	[tilespmem:$0x9D0] =	vst v0  }
0xbc: {  	[tilespmem:$0x9E0] =	vst v0  }
0xbd: {  	[tilespmem:$0x9F0] =	vst v0  }
0xbe: {  	[tilespmem:$0xA00] =	vst v0  }
0xbf: {  	[tilespmem:$0xA10] =	vst v0  }
0xc0: {  	[tilespmem:$0xA20] =	vst v0  }
0xc1: {  	[tilespmem:$0xA30] =	vst v0  }
0xc2: {  	[tilespmem:$0xA40] =	vst v0  }
0xc3: {  	[tilespmem:$0xA50] =	vst v0  }
0xc4: {  	[tilespmem:$0xA60] =	vst v0  }
0xc5: {  	[tilespmem:$0xA70] =	vst v0  }
0xc6: {  	[tilespmem:$0xA80] =	vst v0  }
0xc7: {  	[tilespmem:$0xA90] =	vst v0  }
0xc8: {  	[tilespmem:$0xAA0] =	vst v0  }
0xc9: {  	[tilespmem:$0xAB0] =	vst v0  }
0xca: {  	[tilespmem:$0xAC0] =	vst v0  }
0xcb: {  	[tilespmem:$0xAD0] =	vst v0  }
0xcc: {  	[tilespmem:$0xAE0] =	vst v0  }
0xcd: {  	[tilespmem:$0xAF0] =	vst v0  }
0xce: {  	[tilespmem:$0xB00] =	vst v0  }
0xcf: {  	[tilespmem:$0xB10] =	vst v0  }
0xd0: {  	[tilespmem:$0xB20] =	vst v0  }
0xd1: {  	[tilespmem:$0xB30] =	vst v0  }
0xd2: {  	[tilespmem:$0xB40] =	vst v0  }
0xd3: {  	[tilespmem:$0xB50] =	vst v0  }
0xd4: {  	[tilespmem:$0xB60] =	vst v0  }
0xd5: {  	[tilespmem:$0xB70] =	vst v0  }
0xd6: {  	[tilespmem:$0xB80] =	vst v0  }
0xd7: {  	[tilespmem:$0xB90] =	vst v0  }
0xd8: {  	[tilespmem:$0xBA0] =	vst v0  }
0xd9: {  	[tilespmem:$0xBB0] =	vst v0  }
0xda: {  	[tilespmem:$0xBC0] =	vst v0  }
0xdb: {  	[tilespmem:$0xBD0] =	vst v0  }
0xdc: {  	[tilespmem:$0xBE0] =	vst v0  }
0xdd: {  	[tilespmem:$0xBF0] =	vst v0;
	s20 =	simm.s32 $0x0  }
0xde: {  	[tilespmem:$0xC00] =	vst v0;
	s21 =	simm.s32 $0x0;
	s26 =	simm.s32 $0x0;
	s22 =	simm.s32 $0x0  }
.LBB2_9:
0xdf: {  	s23 =	sand.u32 $0xFC, s22  }
0xe0: {  	s23 =	sshrl.u32 s23, $0x2  }
0xe1: {  	s23 =	smul.u32 $0x25, s23;
	_ =	sdelay $0x1  }
0xe2: {  	s23 =	sshrl.u32 s23, $0x8  }
0xe3: {  	s24 =	sand.u32 $0x1, s23  }
0xe4: {  	p4 =	slt.u32 s22, $0x1C;
	p3 =	seq.s32 s24, $0x1  }
0xe5: {  	p5 =	sgt.u32 s22, $0x37;
	s23 =	smul.u32 $0x1C, s23;
	p4 =	por !p4, !p3  }
0xe6: {  	s25 =	simm.s32 $0x1;
	s24 =	simm.s32 $0x1;
	p4 =	por !p4, !p4  }
0xe7: {  	s24 =	simm.s32 @!p5 $0x0;
	s23 =	ssub.s32 s22, s23;
	s25 =	simm.s32 @!p4 $0x0  }
0xe8: {  	s28 =	simm.s32 $0x1C000;
	s23 =	sand.u32 $0xFF, s23;
	s24 =	ssub.s32 s24, s25  }
0xe9: {  	s28 =	simm.s32 @!p3 $0x0;
	s23 =	sshll.u32 s23, $0xB;
	s24 =	smul.u32 $0xE000, s24  }
0xea: {  	s23 =	sadd.s32 s28, s23  }
0xeb: {  	s23 =	sadd.s32 s24, s23  }
0xec: {  	s23 =	sshrl.u32 s23, $0x3  }
0xed: {  	s23 =	sadd.s32 s1, s23  }
0xee: {  	[tilespmem:s20], [sflag:$0x1] =	stream.linear.gather [hbm4b:s23+s20], $0x800, $0x38;
	[tilespmem:$0xB4C0] =	vst v63  }
0xef: {  	_ =	swait.ge [sflag:s12], $0x800  }
0xf0: {  	s25 =	simm.s32 $0x0;
	[sflag:s12] =	ssyncset.done $0x0  }
0xf1: {  	s24 =	smov.u32 s21;
	s23 =	simm.s32 $0x400;
	[sflag:s12] =	ssyncadd.s32 $0xFFFFF800  }
.LBB2_10:
0xf2: {  	v2 =	vld [tilespmem:s23+$0xFFFFFC00];
	_ =	sdelay $0x4  }
0xf3: {  	v3 =	vor.u32 s24, v1;
	vm0 =	vlt.f32 v2, $1.000000000e+00  }
0xf4: {  	[tilespmem:s26+$0x900] =	vst.msk vm0, v3  }
0xf5: {  	v2 =	vld [tilespmem:s23+$0xFFFFFC10];
	_ =	sdelay $0x3  }
0xf6: {  	v3 =	vmpcnt.ones.xlane vm0  }
0xf7: {  	vm15 =	vlt.f32 v2, $1.000000000e+00  }
0xf8: {  	(v2sf) =	vpush v3, $0x0;
	v2 =	vmpcnt.ones.xlane vm15;
	_ =	sdelay $0x1  }
0xf9: {  	(v2sf) =	vpush v2, $0x0;
	_ =	sdelay $0xc  }
0xfa: {  	s28 =	spop (v2sf)  }
0xfb: {  	s26 =	sadd.s32 s26, s28  }
0xfc: {  	s29 =	sadd.s32 $0x10, s24;
	p3 =	slt.s32 s26, $0x300;
	s0 =	spop (v2sf)  }
0xfd: {  	v2 =	vor.u32 s29, v1;
	s28 =	sadd.s32 s26, s0;
	s26 =	simm.s32 @!p3 $0x300  }
0xfe: {  	[tilespmem:s26+$0x900] =	vst.msk vm15, v2  }
0xff: {  	v2 =	vld [tilespmem:s23+$0xFFFFFC20];
	_ =	sdelay $0x4  }
0x100: {  	vm4 =	vlt.f32 v2, $1.000000000e+00  }
0x101: {  	v2 =	vmpcnt.ones.xlane vm4;
	_ =	sdelay $0x1  }
0x102: {  	(v2sf) =	vpush v2, $0x0;
	_ =	sdelay $0xe  }
0x103: {  	s13 =	sadd.s32 $0x20, s24;
	p3 =	slt.s32 s28, $0x300;
	s3 =	spop (v2sf)  }
0x104: {  	v2 =	vor.u32 s13, v1;
	s26 =	sadd.s32 s28, s3;
	s28 =	simm.s32 @!p3 $0x300  }
0x105: {  	[tilespmem:s28+$0x900] =	vst.msk vm4, v2  }
0x106: {  	v2 =	vld [tilespmem:s23+$0xFFFFFC30];
	_ =	sdelay $0x4  }
0x107: {  	vm5 =	vlt.f32 v2, $1.000000000e+00  }
0x108: {  	v2 =	vmpcnt.ones.xlane vm5;
	_ =	sdelay $0x1  }
0x109: {  	(v2sf) =	vpush v2, $0x0;
	_ =	sdelay $0xe  }
0x10a: {  	s31 =	sadd.s32 $0x30, s24;
	p3 =	slt.s32 s26, $0x300;
	s30 =	spop (v2sf)  }
0x10b: {  	v2 =	vor.u32 s31, v1;
	s28 =	sadd.s32 s26, s30;
	s26 =	simm.s32 @!p3 $0x300  }
0x10c: {  	[tilespmem:s26+$0x900] =	vst.msk vm5, v2  }
0x10d: {  	v2 =	vld [tilespmem:s23+$0xFFFFFC40];
	_ =	sdelay $0x4  }
0x10e: {  	vm6 =	vlt.f32 v2, $1.000000000e+00  }
0x10f: {  	v2 =	vmpcnt.ones.xlane vm6;
	_ =	sdelay $0x1  }
0x110: {  	(v2sf) =	vpush v2, $0x0;
	_ =	sdelay $0xe  }
0x111: {  	s3 =	sadd.s32 $0x40, s24;
	p3 =	slt.s32 s28, $0x300;
	s0 =	spop (v2sf)  }
0x112: {  	v2 =	vor.u32 s3, v1;
	s26 =	sadd.s32 s28, s0;
	s28 =	simm.s32 @!p3 $0x300  }
0x113: {  	[tilespmem:s28+$0x900] =	vst.msk vm6, v2  }
0x114: {  	v2 =	vld [tilespmem:s23+$0xFFFFFC50];
	_ =	sdelay $0x4  }
0x115: {  	vm7 =	vlt.f32 v2, $1.000000000e+00  }
0x116: {  	v2 =	vmpcnt.ones.xlane vm7;
	_ =	sdelay $0x1  }
0x117: {  	(v2sf) =	vpush v2, $0x0;
	_ =	sdelay $0xe  }
0x118: {  	s30 =	sadd.s32 $0x50, s24;
	p3 =	slt.s32 s26, $0x300;
	s13 =	spop (v2sf)  }
0x119: {  	v2 =	vor.u32 s30, v1;
	s28 =	sadd.s32 s26, s13;
	s26 =	simm.s32 @!p3 $0x300  }
0x11a: {  	[tilespmem:s26+$0x900] =	vst.msk vm7, v2  }
0x11b: {  	v2 =	vld [tilespmem:s23+$0xFFFFFC60];
	_ =	sdelay $0x4  }
0x11c: {  	vm8 =	vlt.f32 v2, $1.000000000e+00  }
0x11d: {  	v2 =	vmpcnt.ones.xlane vm8;
	_ =	sdelay $0x1  }
0x11e: {  	(v2sf) =	vpush v2, $0x0;
	_ =	sdelay $0xe  }
0x11f: {  	s0 =	sadd.s32 $0x60, s24;
	p3 =	slt.s32 s28, $0x300;
	s31 =	spop (v2sf)  }
0x120: {  	v2 =	vor.u32 s0, v1;
	s26 =	sadd.s32 s28, s31;
	s28 =	simm.s32 @!p3 $0x300  }
0x121: {  	[tilespmem:s28+$0x900] =	vst.msk vm8, v2  }
0x122: {  	v2 =	vld [tilespmem:s23+$0xFFFFFC70];
	_ =	sdelay $0x4  }
0x123: {  	vm9 =	vlt.f32 v2, $1.000000000e+00  }
0x124: {  	v2 =	vmpcnt.ones.xlane vm9;
	_ =	sdelay $0x1  }
0x125: {  	(v2sf) =	vpush v2, $0x0;
	_ =	sdelay $0xe  }
0x126: {  	s13 =	sadd.s32 $0x70, s24;
	p3 =	slt.s32 s26, $0x300;
	s3 =	spop (v2sf)  }
0x127: {  	v2 =	vor.u32 s13, v1;
	s28 =	sadd.s32 s26, s3;
	s26 =	simm.s32 @!p3 $0x300  }
0x128: {  	[tilespmem:s26+$0x900] =	vst.msk vm9, v2  }
0x129: {  	v2 =	vld [tilespmem:s23+$0x0];
	_ =	sdelay $0x4  }
0x12a: {  	vm10 =	vlt.f32 v2, $1.000000000e+00  }
0x12b: {  	v2 =	vmpcnt.ones.xlane vm10;
	_ =	sdelay $0x1  }
0x12c: {  	(v2sf) =	vpush v2, $0x0;
	_ =	sdelay $0xe  }
0x12d: {  	s31 =	sadd.s32 $0x80, s24;
	p3 =	slt.s32 s28, $0x300;
	s30 =	spop (v2sf)  }
0x12e: {  	v2 =	vor.u32 s31, v1;
	s26 =	sadd.s32 s28, s30;
	s28 =	simm.s32 @!p3 $0x300  }
0x12f: {  	[tilespmem:s28+$0x900] =	vst.msk vm10, v2  }
0x130: {  	v2 =	vld [tilespmem:s23+$0x10];
	_ =	sdelay $0x4  }
0x131: {  	vm11 =	vlt.f32 v2, $1.000000000e+00  }
0x132: {  	v2 =	vmpcnt.ones.xlane vm11;
	_ =	sdelay $0x1  }
0x133: {  	(v2sf) =	vpush v2, $0x0;
	_ =	sdelay $0xe  }
0x134: {  	s3 =	sadd.s32 $0x90, s24;
	p3 =	slt.s32 s26, $0x300;
	s0 =	spop (v2sf)  }
0x135: {  	v2 =	vor.u32 s3, v1;
	s28 =	sadd.s32 s26, s0;
	s26 =	simm.s32 @!p3 $0x300  }
0x136: {  	[tilespmem:s26+$0x900] =	vst.msk vm11, v2  }
0x137: {  	v2 =	vld [tilespmem:s23+$0x20];
	_ =	sdelay $0x4  }
0x138: {  	vm12 =	vlt.f32 v2, $1.000000000e+00  }
0x139: {  	v2 =	vmpcnt.ones.xlane vm12;
	_ =	sdelay $0x1  }
0x13a: {  	(v2sf) =	vpush v2, $0x0;
	_ =	sdelay $0xe  }
0x13b: {  	s30 =	sadd.s32 $0xA0, s24;
	p3 =	slt.s32 s28, $0x300;
	s13 =	spop (v2sf)  }
0x13c: {  	v2 =	vor.u32 s30, v1;
	s26 =	sadd.s32 s28, s13;
	s28 =	simm.s32 @!p3 $0x300  }
0x13d: {  	[tilespmem:s28+$0x900] =	vst.msk vm12, v2  }
0x13e: {  	v2 =	vld [tilespmem:s23+$0x30];
	_ =	sdelay $0x4  }
0x13f: {  	vm13 =	vlt.f32 v2, $1.000000000e+00  }
0x140: {  	v2 =	vmpcnt.ones.xlane vm13;
	_ =	sdelay $0x1  }
0x141: {  	(v2sf) =	vpush v2, $0x0;
	_ =	sdelay $0xe  }
0x142: {  	s0 =	sadd.s32 $0xB0, s24;
	p3 =	slt.s32 s26, $0x300;
	s31 =	spop (v2sf)  }
0x143: {  	v2 =	vor.u32 s0, v1;
	s28 =	sadd.s32 s26, s31;
	s26 =	simm.s32 @!p3 $0x300  }
0x144: {  	[tilespmem:s26+$0x900] =	vst.msk vm13, v2  }
0x145: {  	v2 =	vld [tilespmem:s23+$0x40];
	_ =	sdelay $0x4  }
0x146: {  	vm14 =	vlt.f32 v2, $1.000000000e+00  }
0x147: {  	v2 =	vmpcnt.ones.xlane vm14;
	_ =	sdelay $0x1  }
0x148: {  	(v2sf) =	vpush v2, $0x0;
	_ =	sdelay $0xe  }
0x149: {  	s13 =	sadd.s32 $0xC0, s24;
	p3 =	slt.s32 s28, $0x300;
	s3 =	spop (v2sf)  }
0x14a: {  	v2 =	vor.u32 s13, v1;
	s30 =	sadd.s32 s28, s3;
	s28 =	simm.s32 @!p3 $0x300  }
0x14b: {  	[tilespmem:s28+$0x900] =	vst.msk vm14, v2  }
0x14c: {  	v2 =	vld [tilespmem:s23+$0x50];
	_ =	sdelay $0x4  }
0x14d: {  	vm15 =	vlt.f32 v2, $1.000000000e+00  }
0x14e: {  	v2 =	vmpcnt.ones.xlane vm15;
	_ =	sdelay $0x1  }
0x14f: {  	(v2sf) =	vpush v2, $0x0;
	_ =	sdelay $0xe  }
0x150: {  	s29 =	spop (v2sf)  }
0x151: {  	p3 =	sgt.u32 s25, $0x6;
	s26 =	sadd.s32 s30, s29  }
0x152: {  	p5 =	slt.s32 @!p3 s26, $0x300  }
0x153: {  	p3 =	por p3, !p5  }
.Ltmp7:
0x154: {  	_ = 	snop;
	(pc) =	sbr.rel @!p3 .LBB2_10-.Ltmp7, $4  }
0x155: {  	_ = 	snop  }
0x156: {  	s31 =	sadd.s32 $0xD0, s24;
	p4 =	slt.s32 s30, $0x300  }
0x157: {  	v2 =	vor.u32 s31, v1;
	s30 =	simm.s32 @!p4 $0x300  }
0x158: {  	s24 =	sadd.s32 $0x100, s24;
	s25 =	sadd.s32 $0x1, s25;
	s23 =	sadd.s32 $0x80, s23;
	[tilespmem:s30+$0x900] =	vst.msk vm15, v2  }
0x159: {  	p3 =	sgt.u32 s22, $0x6E  }
0x15a: {  	p4 =	slt.s32 @!p3 s26, $0x300  }
0x15b: {  	p3 =	por p3, !p4  }
.Ltmp8:
0x15c: {  	_ = 	snop;
	(pc) =	sbr.rel @!p3 .LBB2_9-.Ltmp8, $2  }
0x15d: {  	_ =	sdelay $0x2  }
0x15e: {  	s22 =	sadd.s32 $0x1, s22;
	s21 =	sadd.s32 $0x800, s21  }
0x15f: {  	s0 =	simm.s32 $0x900  }
0x160: {  	[spmem:s7] =	stream.linear.scatter [tilespmem:s0], [sflag:$0x1], $0x300, $0x38;
	[tilespmem:$0xB4C0] =	vst v63  }
0x161: {  	_ =	swait.ge [sflag:s12], $0x300  }
0x162: {  	[sflag:s12] =	ssyncset.done $0x0  }
0x163: {  	[sflag:s12] =	ssyncadd.s32 $0xFFFFFD00  }
.LBB2_13:
.Ltmp9:
0x164: {  	(pc) =	sbr.rel @p1 .LBB2_29-.Ltmp9, $1  }
0x165: {  	_ =	sdelay $0x3  }
0x166: {  	[tilespmem:s16], [sflag:$0x1] =	stream.strided.gather [hbm4b:s8+s14], $0x8000, s15, s14, $0x38;
	[tilespmem:$0xB4C0] =	vst v63  }
0x167: {  	_ =	swait.ge [sflag:s12], $0x8000  }
0x168: {  	[sflag:s12] =	ssyncset.done $0x0  }
0x169: {  	[sflag:s12] =	ssyncadd.s32 $0xFFFF8000  }
0x16a: {  	[bflag:$0x0] =	sbarrier.arrive $0xFFFF  }
0x16b: {  	[tilespmem:s17], [sflag:$0x1] =	stream.linear.gather [spmem:s9], $0x1C0, $0x38;
	[tilespmem:$0xB4C0] =	vst v63  }
0x16c: {  	_ =	swait.ge [sflag:s12], $0x1C0  }
0x16d: {  	[sflag:s12] =	ssyncset.done $0x0  }
0x16e: {  	s20 =	simm.s32 $0x0;
	[sflag:s12] =	ssyncadd.s32 $0xFFFFFE40  }
0x16f: {  	v2 =	vld [tilespmem:s20+$0xCC0];
	_ =	sdelay $0x1  }
0x170: {  	s23 =	simm.s32 $0x0;
	s21 =	simm.s32 $0x40  }
.LBB2_15:
0x171: {  	p3 =	sne.s32 s21, $0x6C0  }
.Ltmp10:
0x172: {  	_ = 	snop;
	(pc) =	sbr.rel @p3 .LBB2_15-.Ltmp10, $4  }
0x173: {  	s22 =	sshra.s32 s21, $0x2;
	v3 =	vshra.s32 v2, $0xB  }
0x174: {  	v4 =	vshrl.u32 v2, $0x8;
	v5 =	vand.u32 $0xFF, v2;
	v2 =	vld [tilespmem:s22+$0xCC0];
	[tilespmem:s20+$0xEC0] =	vst v3  }
0x175: {  	v3 =	vand.u32 $0x7, v4;
	[tilespmem:s20+$0x12C0] =	vst v5  }
0x176: {  	s21 =	sadd.s32 $0x40, s21;
	[tilespmem:s20+$0x10C0] =	vst v3;
	s20 =	smov.u32 s22  }
0x177: {  	_ = 	snop  }
.Ltmp11:
0x178: {  	_ = 	snop;
	(pc) =	sbr.rel .LBB2_17-.Ltmp11, $4  }
0x179: {  	v3 =	vshra.s32 v2, $0xB  }
0x17a: {  	v4 =	vshrl.u32 v2, $0x8;
	v2 =	vand.u32 $0xFF, v2;
	[tilespmem:s20+$0xEC0] =	vst v3  }
0x17b: {  	v3 =	vand.u32 $0x7, v4;
	[tilespmem:s20+$0x12C0] =	vst v2  }
0x17c: {  	[tilespmem:s20+$0x10C0] =	vst v3;
	s20 =	simm.s32 $0x0  }
.LBB2_18:
0x17d: {  	p3 =	seq.s32 s21, s23  }
0x17e: {  	s23 =	smulhi.u32 @!p3 $0x92492493, s21;
	s24 =	sshra.s32 @!p3 s21, $0x1F  }
0x17f: {  	s24 =	smul.u32 @!p3 $0x92492493, s24  }
0x180: {  	s23 =	ssub.s32 @!p3 s23, s21  }
0x181: {  	s23 =	sadd.s32 @!p3 s24, s23  }
0x182: {  	s23 =	sadd.s32 @!p3 s21, s23  }
0x183: {  	s24 =	sshrl.u32 @!p3 s23, $0x1F;
	s23 =	sshra.s32 @!p3 s23, $0x4  }
0x184: {  	s23 =	sadd.s32 @!p3 s24, s23  }
0x185: {  	s24 =	smul.u32 @!p3 $0xFFFFFFE4, s23;
	_ =	sdelay $0x1  }
0x186: {  	s24 =	sadd.s32 @!p3 s21, s24  }
0x187: {  	p4 =	slt.s32 @!p3 s21, $0x1;
	p5 =	sne.s32 @!p3 s24, $0x0  }
0x188: {  	p4 =	por @!p3 !p4, !p5  }
0x189: {  	p4 =	por @!p3 !p4, !p4  }
0x18a: {  	s25 =	simm.s32 @!p3 $0x1;
	p4 =	por !p4, p3  }
0x18b: {  	s25 =	simm.s32 @p4 $0x0  }
0x18c: {  	s23 =	ssub.s32 @!p3 s23, s25  }
0x18d: {  	s25 =	sshrl.u32 @!p3 s23, $0x1F  }
0x18e: {  	s25 =	sadd.s32 @!p3 s25, s23  }
0x18f: {  	s26 =	sand.u32 @!p3 $0xFFFFFFFE, s25  }
0x190: {  	p4 =	slt.s32 @!p3 s23, $0x1;
	p5 =	sne.s32 @!p3 s23, s26  }
0x191: {  	p4 =	por @!p3 !p4, !p5  }
0x192: {  	s25 =	sshrl.u32 @!p3 s25, $0x1;
	s23 =	sand.u32 @!p3 $0x1, s23;
	p4 =	por @!p3 !p4, !p4  }
0x193: {  	p5 =	seq.s32 @!p3 s23, $0x1;
	s23 =	simm.s32 @!p3 $0x1;
	p4 =	por !p4, p3  }
0x194: {  	s23 =	simm.s32 @p4 $0x0;
	p4 =	slt.s32 @!p3 s24, $0x0;
	s24 =	sshll.u32 @!p3 s24, $0xB  }
0x195: {  	s26 =	simm.s32 @!p3 $0x1500000;
	s28 =	sadd.s32 @!p3 $0xE000, s24;
	p4 =	por !p4, p3  }
0x196: {  	p5 =	por !p5, p3;
	s23 =	ssub.s32 @!p3 s25, s23;
	s28 =	smov.u32 @p4 s24  }
0x197: {  	v2 =	vshll.u32 v3, $0x8;
	v5 =	vshll.u32 v4, $0x3;
	s26 =	simm.s32 @p5 $0x0;
	s23 =	smul.u32 @!p3 $0xA80000, s23;
	s24 =	sadd.s32 @!p3 s6, s28  }
0x198: {  	v3 =	vshll.u32 v3, $0x7;
	v2 =	vand.u32 $0xFFFFF800, v2;
	v5 =	vand.u32 $0xFFFFFC00, v5;
	s24 =	sadd.s32 @!p3 s26, s24  }
0x199: {  	v3 =	vand.u32 $0x380, v3;
	v2 =	vadd.s32 v2, v5;
	s23 =	sadd.s32 @!p3 s23, s24  }
0x19a: {  	v50 =	vand.u32 $0x7F, v4;
	v2 =	vor.u32 v3, v2;
	s25 =	simm.s32 @!p3 $0x800;
	s28 =	simm.s32 @!p3 $0x14C0;
	s23 =	sshrl.u32 @!p3 s23, $0x3  }
0x19b: {  	v2 =	vor.u32 v50, v2;
	s26 =	simm.s32 @!p3 $0xE000;
	s24 =	simm.s32 @!p3 $0x1;
	s23 =	sadd.s32 @!p3 s2, s23  }
0x19c: {  	[tilespmem:s28], [sflag:$0x1] =	stream.strided.gather @!p3 [hbm4b:s23+s25], $0x8000, s26, s25, $0x38;
	[tilespmem:$0xB4C0] =	vst v63  }
0x19d: {  	_ =	swait.ge @!p3 [sflag:s24], $0x8000  }
0x19e: {  	[sflag:s24] =	ssyncset.done @!p3 $0x0  }
0x19f: {  	[sflag:s24] =	ssyncadd.s32 @!p3 $0xFFFF8000  }
0x1a0: {  	v3 =	vld.idx.msk [tilespmem:v2+s16+$0x0], $0xffff  }
0x1a1: {  	v4 =	vadd.s32 $0x800, v2  }
0x1a2: {  	s28 =	sshll.u32 s20, $0x7  }
0x1a3: {  	s29 =	sand.u32 $0x70, s22;
	s30 =	sand.u32 $0xC00, s28  }
0x1a4: {  	s24 =	sor.u32 s29, s30  }
0x1a5: {  	[tilespmem:s24+$0x94C0] =	vst v3  }
0x1a6: {  	v3 =	vld.idx.msk [tilespmem:v4+s16+$0x0], $0xffff  }
0x1a7: {  	v51 =	vadd.s32 $0x1000, v2;
	_ =	sdelay $0x3  }
0x1a8: {  	[tilespmem:s24+$0x9540] =	vst v3  }
0x1a9: {  	v3 =	vld.idx.msk [tilespmem:v51+s16+$0x0], $0xffff  }
0x1aa: {  	v52 =	vadd.s32 $0x1800, v2;
	_ =	sdelay $0x3  }
0x1ab: {  	[tilespmem:s24+$0x95C0] =	vst v3  }
0x1ac: {  	v3 =	vld.idx.msk [tilespmem:v52+s16+$0x0], $0xffff  }
0x1ad: {  	v53 =	vadd.s32 $0x2000, v2;
	_ =	sdelay $0x3  }
0x1ae: {  	[tilespmem:s24+$0x9640] =	vst v3  }
0x1af: {  	v3 =	vld.idx.msk [tilespmem:v53+s16+$0x0], $0xffff  }
0x1b0: {  	v54 =	vadd.s32 $0x2800, v2;
	_ =	sdelay $0x3  }
0x1b1: {  	[tilespmem:s24+$0x96C0] =	vst v3  }
0x1b2: {  	v3 =	vld.idx.msk [tilespmem:v54+s16+$0x0], $0xffff  }
0x1b3: {  	v55 =	vadd.s32 $0x3000, v2;
	_ =	sdelay $0x3  }
0x1b4: {  	[tilespmem:s24+$0x9740] =	vst v3  }
0x1b5: {  	v3 =	vld.idx.msk [tilespmem:v55+s16+$0x0], $0xffff  }
0x1b6: {  	v56 =	vadd.s32 $0x3800, v2;
	_ =	sdelay $0x3  }
0x1b7: {  	[tilespmem:s24+$0x97C0] =	vst v3  }
0x1b8: {  	v3 =	vld.idx.msk [tilespmem:v56+s16+$0x0], $0xffff  }
0x1b9: {  	v57 =	vadd.s32 $0x4000, v2;
	_ =	sdelay $0x1  }
0x1ba: {  	s31 =	sor.u32 s28, s22  }
0x1bb: {  	s22 =	sor.u32 $0x380, s31  }
0x1bc: {  	[tilespmem:s22+$0x94C0] =	vst v3  }
0x1bd: {  	v3 =	vld.idx.msk [tilespmem:v57+s16+$0x0], $0xffff  }
0x1be: {  	v58 =	vadd.s32 $0x4800, v2;
	_ =	sdelay $0x3  }
0x1bf: {  	[tilespmem:s24+$0xA4C0] =	vst v3  }
0x1c0: {  	v3 =	vld.idx.msk [tilespmem:v58+s16+$0x0], $0xffff  }
0x1c1: {  	v59 =	vadd.s32 $0x5000, v2;
	_ =	sdelay $0x3  }
0x1c2: {  	[tilespmem:s24+$0xA540] =	vst v3  }
0x1c3: {  	v3 =	vld.idx.msk [tilespmem:v59+s16+$0x0], $0xffff  }
0x1c4: {  	v60 =	vadd.s32 $0x5800, v2;
	_ =	sdelay $0x3  }
0x1c5: {  	[tilespmem:s24+$0xA5C0] =	vst v3  }
0x1c6: {  	v3 =	vld.idx.msk [tilespmem:v60+s16+$0x0], $0xffff  }
0x1c7: {  	v61 =	vadd.s32 $0x6000, v2;
	_ =	sdelay $0x3  }
0x1c8: {  	[tilespmem:s24+$0xA640] =	vst v3  }
0x1c9: {  	v3 =	vld.idx.msk [tilespmem:v61+s16+$0x0], $0xffff  }
0x1ca: {  	v62 =	vadd.s32 $0x6800, v2;
	_ =	sdelay $0x3  }
0x1cb: {  	[tilespmem:s24+$0xA6C0] =	vst v3  }
0x1cc: {  	v3 =	vld.idx.msk [tilespmem:v62+s16+$0x0], $0xffff  }
0x1cd: {  	v63 =	vadd.s32 $0x7000, v2;
	_ =	sdelay $0x3  }
0x1ce: {  	[tilespmem:s24+$0xA740] =	vst v3  }
0x1cf: {  	v3 =	vld.idx.msk [tilespmem:v63+s16+$0x0], $0xffff  }
0x1d0: {  	v2 =	vadd.s32 $0x7800, v2;
	_ =	sdelay $0x3  }
0x1d1: {  	[tilespmem:s24+$0xA7C0] =	vst v3  }
0x1d2: {  	v2 =	vld.idx.msk [tilespmem:v2+s16+$0x0], $0xffff;
	_ =	sdelay $0x4  }
0x1d3: {  	[tilespmem:s24+$0xA840] =	vst v2  }
.LBB2_27:
0x1d4: {  	s20 =	sadd.s32 $0x1, s20  }
0x1d5: {  	p0 =	sne.s32 s20, $0x1C  }
.Ltmp12:
0x1d6: {  	_ = 	snop;
	(pc) =	sbr.rel @!p0 .LBB2_28-.Ltmp12, $2  }
0x1d7: {  	_ =	sdelay $0x2  }
0x1d8: {  	s23 =	smov.u32 s21  }
.LBB2_17:
0x1d9: {  	s22 =	sshll.u32 s20, $0x4  }
0x1da: {  	v2 =	vld [tilespmem:s22+$0xEC0];
	_ =	sdelay $0x4  }
0x1db: {  	v3 =	vbroadcast v2, $0x0;
	_ =	sdelay $0x1  }
0x1dc: {  	vm0 =	veq.s32 v2, v3  }
0x1dd: {  	v3 =	vmpcnt.ones.xlane vm0  }
0x1de: {  	(v2sf) =	vpush v2, $0x0  }
0x1df: {  	(v2sf) =	vpush v3, $0x0;
	_ =	sdelay $0xd  }
0x1e0: {  	s21 =	spop (v2sf)  }
0x1e1: {  	s24 =	spop (v2sf)  }
0x1e2: {  	p3 =	sne.s32 s24, $0x10  }
.Ltmp13:
0x1e3: {  	_ = 	snop;
	(pc) =	sbr.rel @!p3 .LBB2_18-.Ltmp13, $3  }
0x1e4: {  	_ =	sdelay $0x1  }
0x1e5: {  	v4 =	vld [tilespmem:s22+$0x12C0]  }
0x1e6: {  	v3 =	vld [tilespmem:s22+$0x10C0]  }
0x1e7: {  	v5 =	vxor.u32 $0x80000000, v2  }
0x1e8: {  	(xrf0) =	vmin.scan.msk.u32 $0xffff, v5  }
0x1e9: {  	(xrf0) =	vmax.scan.msk.u32 $0xffff, v5;
	_ =	sdelay $0x4  }
0x1ea: {  	v5, _, _ =	vpop (xrf0)  }
0x1eb: {  	(v2sf) =	vpush v5, $0xF;
	v5, _, _ =	vpop (xrf0)  }
0x1ec: {  	(v2sf) =	vpush v5, $0xF;
	_ =	sdelay $0xd  }
0x1ed: {  	s25 =	spop (v2sf)  }
0x1ee: {  	s21 =	spop (v2sf)  }
0x1ef: {  	s24 =	sxor.u32 $0x80000000, s25;
	s21 =	sxor.u32 $0x80000000, s21  }
0x1f0: {  	p3 =	sgt.s32 s24, s21  }
.Ltmp14:
0x1f1: {  	_ = 	snop;
	(pc) =	sbr.rel @p3 .LBB2_27-.Ltmp14, $1  }
0x1f2: {  	_ =	sdelay $0x3  }
0x1f3: {  	p3 =	seq.s32 s24, s23  }
0x1f4: {  	s23 =	smulhi.u32 @!p3 $0x92492493, s24;
	s26 =	sshra.s32 @!p3 s24, $0x1F  }
0x1f5: {  	s26 =	smul.u32 @!p3 $0x92492493, s26  }
0x1f6: {  	s23 =	ssub.s32 @!p3 s23, s24  }
0x1f7: {  	s23 =	sadd.s32 @!p3 s26, s23  }
0x1f8: {  	s23 =	sadd.s32 @!p3 s24, s23  }
0x1f9: {  	s26 =	sshrl.u32 @!p3 s23, $0x1F;
	s23 =	sshra.s32 @!p3 s23, $0x4  }
0x1fa: {  	s23 =	sadd.s32 @!p3 s26, s23  }
0x1fb: {  	s26 =	smul.u32 @!p3 $0xFFFFFFE4, s23;
	_ =	sdelay $0x1  }
0x1fc: {  	s26 =	sadd.s32 @!p3 s26, s24  }
0x1fd: {  	p4 =	slt.s32 @!p3 s24, $0x1;
	p5 =	sne.s32 @!p3 s26, $0x0  }
0x1fe: {  	p4 =	por @!p3 !p4, !p5  }
0x1ff: {  	p4 =	por @!p3 !p4, !p4  }
0x200: {  	v5 =	vmov s22;
	v6 =	vor.u32 s22, v1;
	s22 =	simm.s32 @!p3 $0x1;
	p4 =	por !p4, p3  }
0x201: {  	s22 =	simm.s32 @p4 $0x0  }
0x202: {  	s28 =	ssub.s32 @!p3 s23, s22  }
0x203: {  	v7 =	vand.u32 $0x7F, v4;
	s31 =	sshll.u32 s25, $0xB;
	s25 =	sshrl.u32 @!p3 s28, $0x1F  }
0x204: {  	v8 =	vshll.u32 v3, $0x8;
	v4 =	vshll.u32 v4, $0x3;
	v3 =	vshll.u32 v3, $0x7;
	s23 =	smul.u32 @!p3 $0xFFFF2000, s23;
	s29 =	sadd.s32 @!p3 s25, s28  }
0x205: {  	v8 =	vand.u32 $0xFFFFF800, v8;
	v4 =	vand.u32 $0xFFFFFC00, v4;
	v3 =	vand.u32 $0x380, v3;
	p4 =	slt.s32 @!p3 s26, $0x0;
	s22 =	sadd.s32 $0xE000, s31;
	s26 =	sand.u32 @!p3 $0xFFFFFFFE, s29  }
0x206: {  	v18 =	vshll.u32 v5, $0x3;
	v19 =	vand.u32 $0x7F, v6;
	v4 =	vadd.s32 v8, v4;
	p5 =	slt.s32 @!p3 s28, $0x1;
	s23 =	sadd.s32 @!p3 s23, s22;
	p6 =	sne.s32 @!p3 s28, s26  }
0x207: {  	vm1 =	veq.s32 v2, s24;
	v34 =	vor.u32 v18, v19;
	v3 =	vor.u32 v3, v4;
	p4 =	por !p4, p3;
	s30 =	sadd.s32 @!p3 $0xFFFF2000, s23;
	p5 =	por @!p3 !p5, !p6  }
0x208: {  	v4 =	vand.u32 $0xC00, v18;
	v18 =	vor.u32 $0x380, v34;
	v3 =	vor.u32 v7, v3;
	s23 =	smov.u32 @p4 s30;
	p4 =	por @!p3 !p5, !p5  }
0x209: {  	v34 =	vor.u32 $0x1380, v34;
	v4 =	vor.u32 v19, v4;
	v5 =	vadd.s32 $0x800, v3;
	s28 =	sand.u32 @!p3 $0x1, s28;
	s30 =	simm.s32 @!p3 $0x1;
	p4 =	por !p4, p3  }
0x20a: {  	v6 =	vor.u32 $0x80, v4;
	v7 =	vadd.s32 $0x1000, v3;
	v8 =	vor.u32 $0x100, v4;
	p5 =	seq.s32 @!p3 s28, $0x1;
	s28 =	sshrl.u32 @!p3 s29, $0x1;
	s30 =	simm.s32 @p4 $0x0  }
0x20b: {  	v9 =	vadd.s32 $0x1800, v3;
	v10 =	vor.u32 $0x180, v4;
	v11 =	vadd.s32 $0x2000, v3;
	s28 =	ssub.s32 @!p3 s28, s30  }
0x20c: {  	v12 =	vor.u32 $0x200, v4;
	v13 =	vadd.s32 $0x2800, v3;
	v14 =	vor.u32 $0x280, v4;
	s30 =	smul.u32 @!p3 $0xA80000, s28;
	s28 =	sadd.s32 $0x1, s24  }
0x20d: {  	v15 =	vadd.s32 $0x3000, v3;
	v16 =	vor.u32 $0x300, v4;
	v17 =	vadd.s32 $0x3800, v3;
	p4 =	por !p5, p3;
	p5 =	sle.s32 s28, s21  }
.Ltmp15:
0x20e: {  	v19 =	vadd.s32 $0x4000, v3;
	v20 =	vor.u32 $0x1000, v4;
	v21 =	vadd.s32 $0x4800, v3;
	s29 =	simm.s32 @!p3 $0x1500000;
	(pc) =	sbr.rel @!p5 .LBB2_21-.Ltmp15, $4  }
0x20f: {  	v22 =	vor.u32 $0x1080, v4;
	v23 =	vadd.s32 $0x5000, v3;
	v24 =	vor.u32 $0x1100, v4;
	s31 =	sadd.s32 @!p3 s6, s23;
	s29 =	simm.s32 @p4 $0x0  }
0x210: {  	v25 =	vadd.s32 $0x5800, v3;
	v26 =	vor.u32 $0x1180, v4;
	v27 =	vadd.s32 $0x6000, v3;
	s25 =	simm.s32 @!p3 $0x800;
	s26 =	simm.s32 @!p3 $0xE000;
	s29 =	sadd.s32 @!p3 s29, s31  }
0x211: {  	v28 =	vor.u32 $0x1200, v4;
	v29 =	vadd.s32 $0x6800, v3;
	v30 =	vor.u32 $0x1280, v4;
	s23 =	simm.s32 @!p3 $0x14C0;
	p4 =	por p3, p3;
	s30 =	sadd.s32 @!p3 s30, s29  }
0x212: {  	v31 =	vadd.s32 $0x7000, v3;
	v32 =	vor.u32 $0x1300, v4;
	v33 =	vadd.s32 $0x7800, v3;
	s29 =	simm.s32 @!p3 $0x1;
	p3 =	por $0x0, $0x0;
	s30 =	sshrl.u32 @!p4 s30, $0x3  }
0x213: {  	s24 =	sadd.s32 @!p4 s2, s30  }
0x214: {  	[tilespmem:s23], [sflag:$0x1] =	stream.strided.gather @!p4 [hbm4b:s24+s25], $0x8000, s26, s25, $0x38;
	[tilespmem:$0xB4C0] =	vst v63  }
0x215: {  	_ =	swait.ge @!p4 [sflag:s29], $0x8000  }
0x216: {  	[sflag:s29] =	ssyncset.done @!p4 $0x0  }
0x217: {  	[sflag:s29] =	ssyncadd.s32 @!p4 $0xFFFF8000  }
0x218: {  	v35 =	vld.idx.msk [tilespmem:v3+s16+$0x0], vm1;
	_ =	sdelay $0x4  }
0x219: {  	[tilespmem:v4+s18+$0x0] =	vst.idx.msk vm1, v35  }
0x21a: {  	v35 =	vld.idx.msk [tilespmem:v5+s16+$0x0], vm1;
	_ =	sdelay $0x4  }
0x21b: {  	[tilespmem:v6+s18+$0x0] =	vst.idx.msk vm1, v35  }
0x21c: {  	v35 =	vld.idx.msk [tilespmem:v7+s16+$0x0], vm1;
	_ =	sdelay $0x4  }
0x21d: {  	[tilespmem:v8+s18+$0x0] =	vst.idx.msk vm1, v35  }
0x21e: {  	v35 =	vld.idx.msk [tilespmem:v9+s16+$0x0], vm1;
	_ =	sdelay $0x4  }
0x21f: {  	[tilespmem:v10+s18+$0x0] =	vst.idx.msk vm1, v35  }
0x220: {  	v35 =	vld.idx.msk [tilespmem:v11+s16+$0x0], vm1;
	_ =	sdelay $0x4  }
0x221: {  	[tilespmem:v12+s18+$0x0] =	vst.idx.msk vm1, v35  }
0x222: {  	v35 =	vld.idx.msk [tilespmem:v13+s16+$0x0], vm1;
	_ =	sdelay $0x4  }
0x223: {  	[tilespmem:v14+s18+$0x0] =	vst.idx.msk vm1, v35  }
0x224: {  	v35 =	vld.idx.msk [tilespmem:v15+s16+$0x0], vm1;
	_ =	sdelay $0x4  }
0x225: {  	[tilespmem:v16+s18+$0x0] =	vst.idx.msk vm1, v35  }
0x226: {  	v35 =	vld.idx.msk [tilespmem:v17+s16+$0x0], vm1;
	_ =	sdelay $0x4  }
0x227: {  	[tilespmem:v18+s18+$0x0] =	vst.idx.msk vm1, v35  }
0x228: {  	v35 =	vld.idx.msk [tilespmem:v19+s16+$0x0], vm1;
	_ =	sdelay $0x4  }
0x229: {  	[tilespmem:v20+s18+$0x0] =	vst.idx.msk vm1, v35  }
0x22a: {  	v35 =	vld.idx.msk [tilespmem:v21+s16+$0x0], vm1;
	_ =	sdelay $0x4  }
0x22b: {  	[tilespmem:v22+s18+$0x0] =	vst.idx.msk vm1, v35  }
0x22c: {  	v35 =	vld.idx.msk [tilespmem:v23+s16+$0x0], vm1;
	_ =	sdelay $0x1  }
0x22d: {  	s23 =	smulhi.u32 @!p3 $0x92492493, s28;
	s24 =	sshra.s32 @!p3 s28, $0x1F  }
0x22e: {  	s24 =	smul.u32 @!p3 $0x92492493, s24  }
0x22f: {  	s23 =	ssub.s32 @!p3 s23, s28  }
0x230: {  	s23 =	sadd.s32 @!p3 s24, s23;
	[tilespmem:v24+s18+$0x0] =	vst.idx.msk vm1, v35  }
0x231: {  	s23 =	sadd.s32 @!p3 s28, s23;
	v35 =	vld.idx.msk [tilespmem:v25+s16+$0x0], vm1  }
0x232: {  	s24 =	sshrl.u32 @!p3 s23, $0x1F;
	s23 =	sshra.s32 @!p3 s23, $0x4  }
0x233: {  	s23 =	sadd.s32 @!p3 s24, s23  }
0x234: {  	s24 =	smul.u32 @!p3 $0xFFFFFFE4, s23;
	_ =	sdelay $0x1  }
0x235: {  	s24 =	sadd.s32 @!p3 s24, s28;
	[tilespmem:v26+s18+$0x0] =	vst.idx.msk vm1, v35  }
0x236: {  	p4 =	slt.s32 @!p3 s28, $0x1;
	p5 =	sne.s32 @!p3 s24, $0x0;
	v35 =	vld.idx.msk [tilespmem:v27+s16+$0x0], vm1  }
0x237: {  	p4 =	por @!p3 !p4, !p5  }
0x238: {  	p4 =	por @!p3 !p4, !p4  }
0x239: {  	s25 =	simm.s32 @!p3 $0x1;
	p4 =	por !p4, p3  }
0x23a: {  	s25 =	simm.s32 @p4 $0x0  }
0x23b: {  	vm0 =	vmmov vm1;
	s25 =	ssub.s32 @!p3 s23, s25;
	[tilespmem:v28+s18+$0x0] =	vst.idx.msk vm1, v35  }
0x23c: {  	s26 =	sshrl.u32 @!p3 s25, $0x1F;
	v35 =	vld.idx.msk [tilespmem:v29+s16+$0x0], vm1  }
0x23d: {  	s23 =	smul.u32 @!p3 $0xFFFF2000, s23;
	s26 =	sadd.s32 @!p3 s26, s25  }
0x23e: {  	s22 =	sadd.s32 $0x800, s22;
	p4 =	slt.s32 @!p3 s24, $0x0;
	s24 =	sand.u32 @!p3 $0xFFFFFFFE, s26  }
0x23f: {  	p5 =	slt.s32 @!p3 s25, $0x1;
	s23 =	sadd.s32 @!p3 s23, s22;
	p6 =	sne.s32 @!p3 s25, s24  }
0x240: {  	p4 =	por !p4, p3;
	s29 =	sadd.s32 @!p3 $0xFFFF2000, s23;
	p5 =	por @!p3 !p5, !p6  }
0x241: {  	s23 =	smov.u32 @p4 s29;
	p4 =	por @!p3 !p5, !p5;
	[tilespmem:v30+s18+$0x0] =	vst.idx.msk vm0, v35  }
0x242: {  	s25 =	sand.u32 @!p3 $0x1, s25;
	s29 =	simm.s32 @!p3 $0x1;
	p4 =	por !p4, p3;
	v35 =	vld.idx.msk [tilespmem:v31+s16+$0x0], vm0  }
0x243: {  	p5 =	seq.s32 @!p3 s25, $0x1;
	s25 =	sshrl.u32 @!p3 s26, $0x1;
	s29 =	simm.s32 @p4 $0x0  }
0x244: {  	s25 =	ssub.s32 @!p3 s25, s29  }
0x245: {  	s29 =	smul.u32 @!p3 $0xA80000, s25;
	s25 =	sadd.s32 $0x1, s28  }
0x246: {  	p4 =	por !p5, p3;
	p5 =	sle.s32 s25, s21  }
.Ltmp16:
0x247: {  	s30 =	simm.s32 @!p3 $0x1500000;
	[tilespmem:v32+s18+$0x0] =	vst.idx.msk vm0, v35;
	(pc) =	sbr.rel @!p5 .LBB2_23-.Ltmp16, $4  }
0x248: {  	s23 =	sadd.s32 @!p3 s6, s23;
	s30 =	simm.s32 @p4 $0x0;
	v35 =	vld.idx.msk [tilespmem:v33+s16+$0x0], vm0  }
0x249: {  	s24 =	simm.s32 @!p3 $0x800;
	s23 =	sadd.s32 @!p3 s30, s23  }
0x24a: {  	s26 =	simm.s32 @!p3 $0xE000;
	p4 =	por p3, p3;
	s30 =	sadd.s32 @!p3 s29, s23  }
0x24b: {  	s23 =	simm.s32 @!p3 $0x14C0;
	s29 =	simm.s32 @!p3 $0x1;
	s30 =	sshrl.u32 @!p4 s30, $0x3;
	vm1 =	veq.s32 v2, s28  }
.LBB2_24:
0x24c: {  	s31 =	simm.s32 @!p3 $0x800  }
0x24d: {  	s0 =	simm.s32 @!p3 $0xE000;
	s30 =	sadd.s32 @!p4 s2, s30;
	[tilespmem:v34+s18+$0x0] =	vst.idx.msk vm0, v35;
	vm0 =	vmmov vm1;
	s28 =	smov.u32 s25  }
0x24e: {  	[tilespmem:s23], [sflag:$0x1] =	stream.strided.gather @!p4 [hbm4b:s30+s24], $0x8000, s26, s24, $0x38;
	[tilespmem:$0xB4C0] =	vst v63  }
0x24f: {  	s25 =	sadd.s32 $0x1, s25;
	s23 =	simm.s32 @!p3 $0x14C0;
	_ =	swait.ge @!p4 [sflag:s29], $0x8000  }
0x250: {  	p5 =	sle.s32 s25, s21;
	s24 =	smov.u32 s31;
	[sflag:s29] =	ssyncset.done @!p4 $0x0  }
0x251: {  	s26 =	smov.u32 s0;
	[sflag:s29] =	ssyncadd.s32 @!p4 $0xFFFF8000;
	p4 =	por p3, p3  }
0x252: {  	v35 =	vld.idx.msk [tilespmem:v3+s16+$0x0], vm1;
	_ =	sdelay $0x5  }
0x253: {  	[tilespmem:v4+s18+$0x0] =	vst.idx.msk vm1, v35  }
0x254: {  	v35 =	vld.idx.msk [tilespmem:v5+s16+$0x0], vm1;
	_ =	sdelay $0x5  }
0x255: {  	[tilespmem:v6+s18+$0x0] =	vst.idx.msk vm1, v35  }
0x256: {  	v35 =	vld.idx.msk [tilespmem:v7+s16+$0x0], vm1;
	_ =	sdelay $0x5  }
0x257: {  	[tilespmem:v8+s18+$0x0] =	vst.idx.msk vm1, v35  }
0x258: {  	v35 =	vld.idx.msk [tilespmem:v9+s16+$0x0], vm1;
	_ =	sdelay $0x5  }
0x259: {  	[tilespmem:v10+s18+$0x0] =	vst.idx.msk vm1, v35  }
0x25a: {  	v35 =	vld.idx.msk [tilespmem:v11+s16+$0x0], vm0;
	_ =	sdelay $0x5  }
0x25b: {  	[tilespmem:v12+s18+$0x0] =	vst.idx.msk vm0, v35  }
0x25c: {  	v35 =	vld.idx.msk [tilespmem:v13+s16+$0x0], vm0;
	_ =	sdelay $0x5  }
0x25d: {  	[tilespmem:v14+s18+$0x0] =	vst.idx.msk vm0, v35  }
0x25e: {  	v35 =	vld.idx.msk [tilespmem:v15+s16+$0x0], vm0;
	_ =	sdelay $0x5  }
0x25f: {  	[tilespmem:v16+s18+$0x0] =	vst.idx.msk vm0, v35  }
0x260: {  	v35 =	vld.idx.msk [tilespmem:v17+s16+$0x0], vm0;
	_ =	sdelay $0x5  }
0x261: {  	[tilespmem:v18+s18+$0x0] =	vst.idx.msk vm0, v35  }
0x262: {  	v35 =	vld.idx.msk [tilespmem:v19+s16+$0x0], vm0;
	_ =	sdelay $0x5  }
0x263: {  	[tilespmem:v20+s18+$0x0] =	vst.idx.msk vm0, v35  }
0x264: {  	v35 =	vld.idx.msk [tilespmem:v21+s16+$0x0], vm0;
	_ =	sdelay $0x5  }
0x265: {  	[tilespmem:v22+s18+$0x0] =	vst.idx.msk vm0, v35  }
0x266: {  	v35 =	vld.idx.msk [tilespmem:v23+s16+$0x0], vm0;
	_ =	sdelay $0x5  }
0x267: {  	[tilespmem:v24+s18+$0x0] =	vst.idx.msk vm0, v35  }
0x268: {  	v35 =	vld.idx.msk [tilespmem:v25+s16+$0x0], vm0;
	_ =	sdelay $0x4  }
0x269: {  	s0 =	smulhi.u32 @!p3 $0x92492493, s28;
	s29 =	sshra.s32 @!p3 s28, $0x1F  }
0x26a: {  	s29 =	smul.u32 @!p3 $0x92492493, s29;
	[tilespmem:v26+s18+$0x0] =	vst.idx.msk vm0, v35  }
0x26b: {  	s0 =	ssub.s32 @!p3 s0, s28;
	v35 =	vld.idx.msk [tilespmem:v27+s16+$0x0], vm0  }
0x26c: {  	s0 =	sadd.s32 @!p3 s29, s0  }
0x26d: {  	s0 =	sadd.s32 @!p3 s28, s0  }
0x26e: {  	s29 =	sshrl.u32 @!p3 s0, $0x1F;
	s0 =	sshra.s32 @!p3 s0, $0x4  }
0x26f: {  	s0 =	sadd.s32 @!p3 s29, s0  }
0x270: {  	s29 =	smul.u32 @!p3 $0xFFFFFFE4, s0  }
0x271: {  	s30 =	smul.u32 @!p3 $0xFFFF2000, s0;
	[tilespmem:v28+s18+$0x0] =	vst.idx.msk vm0, v35  }
0x272: {  	s22 =	sadd.s32 $0x800, s22;
	p6 =	slt.s32 @!p3 s28, $0x1;
	s29 =	sadd.s32 @!p3 s29, s28;
	v35 =	vld.idx.msk [tilespmem:v29+s16+$0x0], vm0  }
0x273: {  	s30 =	sadd.s32 @!p3 s30, s22;
	p2 =	sne.s32 @!p3 s29, $0x0;
	p0 =	slt.s32 @!p3 s29, $0x0  }
0x274: {  	s29 =	sadd.s32 @!p3 $0xFFFF2000, s30;
	p2 =	por @!p3 !p6, !p2;
	p0 =	por !p0, p3  }
0x275: {  	p2 =	por @!p3 !p2, !p2;
	s30 =	smov.u32 @p0 s29  }
0x276: {  	s31 =	simm.s32 @!p3 $0x1;
	s29 =	simm.s32 @!p3 $0x1;
	p0 =	por !p2, p3  }
0x277: {  	s31 =	simm.s32 @p0 $0x0  }
0x278: {  	s0 =	ssub.s32 @!p3 s0, s31;
	[tilespmem:v30+s18+$0x0] =	vst.idx.msk vm0, v35  }
0x279: {  	s31 =	sshrl.u32 @!p3 s0, $0x1F;
	s3 =	sand.u32 @!p3 $0x1, s0;
	p0 =	slt.s32 @!p3 s0, $0x1;
	v35 =	vld.idx.msk [tilespmem:v31+s16+$0x0], vm0  }
0x27a: {  	s31 =	sadd.s32 @!p3 s31, s0;
	p2 =	seq.s32 @!p3 s3, $0x1;
	s3 =	simm.s32 @!p3 $0x1500000  }
0x27b: {  	s13 =	sshrl.u32 @!p3 s31, $0x1;
	s31 =	sand.u32 @!p3 $0xFFFFFFFE, s31;
	p2 =	por !p2, p3  }
0x27c: {  	s3 =	simm.s32 @p2 $0x0;
	p2 =	sne.s32 @!p3 s0, s31  }
0x27d: {  	p0 =	por @!p3 !p0, !p2  }
0x27e: {  	p0 =	por @!p3 !p0, !p0  }
0x27f: {  	s0 =	simm.s32 @!p3 $0x1;
	p0 =	por !p0, p3;
	[tilespmem:v32+s18+$0x0] =	vst.idx.msk vm0, v35  }
0x280: {  	s0 =	simm.s32 @p0 $0x0;
	v35 =	vld.idx.msk [tilespmem:v33+s16+$0x0], vm0  }
.Ltmp17:
0x281: {  	s0 =	ssub.s32 @!p3 s13, s0;
	(pc) =	sbr.rel @p5 .LBB2_24-.Ltmp17, $4  }
0x282: {  	s13 =	sadd.s32 @!p3 s6, s30;
	s0 =	smul.u32 @!p3 $0xA80000, s0  }
0x283: {  	s3 =	sadd.s32 @!p3 s3, s13  }
0x284: {  	s0 =	sadd.s32 @!p3 s0, s3  }
0x285: {  	s30 =	sshrl.u32 @!p4 s0, $0x3;
	vm1 =	veq.s32 v2, s28  }
0x286: {  	s25 =	smov.u32 s24;
	p3 =	por $0x1, $0x1  }
.LBB2_26:
0x287: {  	_ =	sdelay $0x4  }
0x288: {  	s0 =	sadd.s32 @!p4 s2, s30;
	[tilespmem:v34+s18+$0x0] =	vst.idx.msk @p3 vm0, v35  }
0x289: {  	[tilespmem:s23], [sflag:$0x1] =	stream.strided.gather @!p4 [hbm4b:s0+s25], $0x8000, s26, s25, $0x38;
	[tilespmem:$0xB4C0] =	vst v63  }
0x28a: {  	_ =	swait.ge @!p4 [sflag:s29], $0x8000  }
0x28b: {  	[sflag:s29] =	ssyncset.done @!p4 $0x0  }
0x28c: {  	[sflag:s29] =	ssyncadd.s32 @!p4 $0xFFFF8000  }
0x28d: {  	v2 =	vld.idx.msk [tilespmem:v3+s16+$0x0], vm1;
	_ =	sdelay $0x4  }
0x28e: {  	[tilespmem:v4+s18+$0x0] =	vst.idx.msk vm1, v2  }
0x28f: {  	v2 =	vld.idx.msk [tilespmem:v5+s16+$0x0], vm1;
	_ =	sdelay $0x4  }
0x290: {  	[tilespmem:v6+s18+$0x0] =	vst.idx.msk vm1, v2  }
0x291: {  	v2 =	vld.idx.msk [tilespmem:v7+s16+$0x0], vm1;
	_ =	sdelay $0x4  }
0x292: {  	[tilespmem:v8+s18+$0x0] =	vst.idx.msk vm1, v2  }
0x293: {  	v2 =	vld.idx.msk [tilespmem:v9+s16+$0x0], vm1;
	_ =	sdelay $0x4  }
0x294: {  	[tilespmem:v10+s18+$0x0] =	vst.idx.msk vm1, v2  }
0x295: {  	v2 =	vld.idx.msk [tilespmem:v11+s16+$0x0], vm1;
	_ =	sdelay $0x4  }
0x296: {  	[tilespmem:v12+s18+$0x0] =	vst.idx.msk vm1, v2  }
0x297: {  	v2 =	vld.idx.msk [tilespmem:v13+s16+$0x0], vm1;
	_ =	sdelay $0x4  }
0x298: {  	[tilespmem:v14+s18+$0x0] =	vst.idx.msk vm1, v2  }
0x299: {  	v2 =	vld.idx.msk [tilespmem:v15+s16+$0x0], vm1;
	_ =	sdelay $0x4  }
0x29a: {  	[tilespmem:v16+s18+$0x0] =	vst.idx.msk vm1, v2  }
0x29b: {  	v2 =	vld.idx.msk [tilespmem:v17+s16+$0x0], vm1;
	_ =	sdelay $0x4  }
0x29c: {  	[tilespmem:v18+s18+$0x0] =	vst.idx.msk vm1, v2  }
0x29d: {  	v2 =	vld.idx.msk [tilespmem:v19+s16+$0x0], vm1;
	_ =	sdelay $0x4  }
0x29e: {  	[tilespmem:v20+s18+$0x0] =	vst.idx.msk vm1, v2  }
0x29f: {  	v2 =	vld.idx.msk [tilespmem:v21+s16+$0x0], vm1;
	_ =	sdelay $0x4  }
0x2a0: {  	[tilespmem:v22+s18+$0x0] =	vst.idx.msk vm1, v2  }
0x2a1: {  	v2 =	vld.idx.msk [tilespmem:v23+s16+$0x0], vm1;
	_ =	sdelay $0x4  }
0x2a2: {  	[tilespmem:v24+s18+$0x0] =	vst.idx.msk vm1, v2  }
0x2a3: {  	v2 =	vld.idx.msk [tilespmem:v25+s16+$0x0], vm1;
	_ =	sdelay $0x4  }
0x2a4: {  	[tilespmem:v26+s18+$0x0] =	vst.idx.msk vm1, v2  }
0x2a5: {  	v2 =	vld.idx.msk [tilespmem:v27+s16+$0x0], vm1;
	_ =	sdelay $0x4  }
0x2a6: {  	[tilespmem:v28+s18+$0x0] =	vst.idx.msk vm1, v2  }
0x2a7: {  	v2 =	vld.idx.msk [tilespmem:v29+s16+$0x0], vm1;
	_ =	sdelay $0x4  }
0x2a8: {  	[tilespmem:v30+s18+$0x0] =	vst.idx.msk vm1, v2  }
0x2a9: {  	v2 =	vld.idx.msk [tilespmem:v31+s16+$0x0], vm1;
	_ =	sdelay $0x4  }
0x2aa: {  	[tilespmem:v32+s18+$0x0] =	vst.idx.msk vm1, v2  }
0x2ab: {  	v2 =	vld.idx.msk [tilespmem:v33+s16+$0x0], vm1  }
.Ltmp18:
0x2ac: {  	_ = 	snop;
	(pc) =	sbr.rel .LBB2_27-.Ltmp18, $2  }
0x2ad: {  	_ =	sdelay $0x2  }
0x2ae: {  	vm15 =	vmmov vm1;
	[tilespmem:v34+s18+$0x0] =	vst.idx.msk vm1, v2  }
.LBB2_21:
.Ltmp19:
0x2af: {  	(pc) =	sbr.rel .LBB2_26-.Ltmp19, $2  }
0x2b0: {  	_ =	sdelay $0x2  }
0x2b1: {  	_ = 	snop  }
.LBB2_23:
.Ltmp20:
0x2b2: {  	(pc) =	sbr.rel .LBB2_26-.Ltmp20, $2  }
0x2b3: {  	_ =	sdelay $0x2  }
0x2b4: {  	s25 =	smov.u32 s24;
	p3 =	por $0x1, $0x1  }
.LBB2_28:
.Ltmp21:
0x2b5: {  	(pc) =	sbr.rel .LBB2_30-.Ltmp21, $4  }
0x2b6: {  	[hbm4b:s10+s5] =	stream.linear.scatter [tilespmem:s18], [sflag:$0x1], $0x2000, $0x38;
	[tilespmem:$0xB4C0] =	vst v63  }
0x2b7: {  	_ =	swait.ge [sflag:s12], $0x2000  }
0x2b8: {  	[sflag:s12] =	ssyncset.done $0x0  }
0x2b9: {  	[sflag:s12] =	ssyncadd.s32 $0xFFFFE000  }
.LBB2_31:
0x2ba: {  	_ =	sfence.sel $0x180000  }
0x2bb: {  	[bflag:$0x0] =	sbarrier.arrive $0xFFFF  }
0x2bc: {  	_ =	strace $0x90000047  }
0x2bd: {  	s0 =	stileid.u32;
	[bflag:$0x2] =	sbarrier.arrive $0xFFFF  }
0x2be: {  	p0 =	sne.s32 s0, $0x0;
	s0 =	rddreg [dreg:$0x4]  }
0x2bf: {  	s0 =	sadd.s32 @!p0 $0x100000, s0  }
0x2c0: {  	[sflag:s0] =	ssyncadd.tile.s32 @!p0 $0x1;
	_ =	shalt  }
.Lfunc_end2:
_tile_overlayer_lowered:
.L_overlay_start_2:
0x2c1: {  	(tag) =	ssettag $0x2  }
0x2c2: {  	s0 =	rddreg [dreg:$0x0];
	s2 =	stileid.u32  }
0x2c3: {  	s1 =	rddreg [dreg:$0x1];
	p0 =	sne.s32 s2, $0x0  }
0x2c4: {  	s3 =	rddreg [dreg:$0x2];
	[bflag:$0x3] =	sbarrier.arrive $0xFFFF;
	s2 =	simm.s32 @!p0 $0x1C01  }
0x2c5: {  	[timem:s3], [sflag:s2] =	dma.local @!p0 [hbm:s0], s1  }
0x2c6: {  	s0 =	simm.s32 @!p0 $0x1  }
0x2c7: {  	_ =	swait.ge @!p0 [sflag:s0], s1  }
0x2c8: {  	s1 =	ssub.s32 @!p0 $0x0, s1;
	[sflag:s0] =	ssyncset.done @!p0 $0x0  }
0x2c9: {  	[sflag:s0] =	ssyncadd.s32 @!p0 s1  }
0x2ca: {  	[bflag:$0x3] =	sbarrier.arrive $0xFFFF  }
0x2cb: {  	_ =	shalt  }

</sc_bundles>
